<compile_context>
chip_gen: v7x
topology: tpu7x:2x2x1
jax: 0.10.2.dev20260603
libtpu: 0.0.44.dev20260713+nightly
codegen_flags: <defaults>
</compile_context>

<pallas_src>
import jax
import jax.numpy as jnp
from jax.experimental import pallas as pl
from jax.experimental.pallas import tpu as pltpu

_MIN_SIZE = 16.0 / 800.0
_IOU_THR = 0.7
_PRE_NMS = 6000
_POST_NMS = 300
_NP = 19968
_KP = 6016
_B = 128
_NB = _KP // _B
_R = 304


def _decode_kernel(c_ref, t_ref, a_ref, s_ref, roi_ref):
    c0 = c_ref[0:1, :]
    c1 = c_ref[1:2, :]
    ax1 = a_ref[0:1, :]
    ay1 = a_ref[1:2, :]
    ax2 = a_ref[2:3, :]
    ay2 = a_ref[3:4, :]
    acx = (ax2 + ax1) / 2.0
    acy = (ay2 + ay1) / 2.0
    aw = ax2 - ax1
    ah = ay2 - ay1
    tx = t_ref[0:1, :]
    ty = t_ref[1:2, :]
    tw = t_ref[2:3, :]
    th = t_ref[3:4, :]
    cx = tx * aw + acx
    cy = ty * ah + acy
    w = jnp.exp(tw) * aw
    h = jnp.exp(th) * ah
    x1 = jnp.clip(cx - w / 2.0, 0.0, 1.0)
    y1 = jnp.clip(cy - h / 2.0, 0.0, 1.0)
    x2 = jnp.clip(cx + w / 2.0, 0.0, 1.0)
    y2 = jnp.clip(cy + h / 2.0, 0.0, 1.0)
    ws = x2 - x1
    hs = y2 - y1
    ok = (hs >= _MIN_SIZE) & (ws >= _MIN_SIZE)
    m = jnp.maximum(c0, c1)
    e0 = jnp.exp(c0 - m)
    e1 = jnp.exp(c1 - m)
    s = e1 / (e0 + e1)
    s_ref[...] = jnp.where(ok, s, -jnp.inf)
    roi_ref[0:1, :] = x1
    roi_ref[1:2, :] = y1
    roi_ref[2:3, :] = x2
    roi_ref[3:4, :] = y2


def _iou(x1c, y1c, x2c, y2c, areac, x1r, y1r, x2r, y2r, arear):
    ix1 = jnp.maximum(x1c, x1r)
    iy1 = jnp.maximum(y1c, y1r)
    ix2 = jnp.minimum(x2c, x2r)
    iy2 = jnp.minimum(y2c, y2r)
    inter = jnp.maximum(ix2 - ix1, 0.0) * jnp.maximum(iy2 - iy1, 0.0)
    union = areac + arear - inter
    return inter / (union + 1e-9)


def _nms_kernel(bx_ref, bx3_ref, bt3_ref, bt_ref, fin_ref, out_ref, keep_ref):
    x1r = bt_ref[0:1, :]
    y1r = bt_ref[1:2, :]
    x2r = bt_ref[2:3, :]
    y2r = bt_ref[3:4, :]
    arear = jnp.maximum(x2r - x1r, 0.0) * jnp.maximum(y2r - y1r, 0.0)
    colg = jax.lax.broadcasted_iota(jnp.int32, (1, _KP), 1)

    for b2 in range(_NB):
        keep_ref[b2] = jnp.ones((1, _B), jnp.float32)

    def block_body(b, carry):
        base = b * _B
        blk = bx3_ref[b]
        x1c = blk[:, 0:1]
        y1c = blk[:, 1:2]
        x2c = blk[:, 2:3]
        y2c = blk[:, 3:4]
        areac = jnp.maximum(x2c - x1c, 0.0) * jnp.maximum(y2c - y1c, 0.0)
        blkt = bt3_ref[b]
        x1rb = blkt[0:1, :]
        y1rb = blkt[1:2, :]
        x2rb = blkt[2:3, :]
        y2rb = blkt[3:4, :]
        arearb = (jnp.maximum(x2rb - x1rb, 0.0)
                  * jnp.maximum(y2rb - y1rb, 0.0))
        rowg = base + jax.lax.broadcasted_iota(jnp.int32, (_B, 1), 0)

        iou_all = _iou(x1c, y1c, x2c, y2c, areac, x1r, y1r, x2r, y2r, arear)
        adj = ((iou_all > _IOU_THR) & (colg > rowg)).astype(jnp.float32)

        colb = base + jax.lax.broadcasted_iota(jnp.int32, (1, _B), 1)
        iou_bb = _iou(x1c, y1c, x2c, y2c, areac,
                      x1rb, y1rb, x2rb, y2rb, arearb)
        adj_bb = ((iou_bb > _IOU_THR) & (colb > rowg)).astype(jnp.float32)

        alive = keep_ref[b]

        def w_cond(st):
            return st[1]

        def w_body(st):
            k, _ = st
            sup = jnp.dot(k, adj_bb, preferred_element_type=jnp.float32)
            knew = jnp.where(sup > 0.0, 0.0, alive)
            return knew, jnp.any(knew != k)

        kfin, _ = jax.lax.while_loop(w_cond, w_body, (alive, jnp.asarray(True)))
        keep_ref[b] = kfin
        sup_all = jnp.dot(kfin, adj, preferred_element_type=jnp.float32)
        for b2 in range(_NB):
            part = sup_all[0:1, b2 * _B:(b2 + 1) * _B]
            later = jnp.asarray(b2, jnp.int32) > b
            keep_ref[b2] = jnp.where(later & (part > 0.0), 0.0, keep_ref[b2])
        return carry

    jax.lax.fori_loop(0, _NB, block_body, 0, unroll=False)

    keep_row = jnp.concatenate([keep_ref[b2] for b2 in range(_NB)], axis=1)
    sel = keep_row * fin_ref[...]
    ltri = (jax.lax.broadcasted_iota(jnp.int32, (_B, _B), 0)
            <= jax.lax.broadcasted_iota(jnp.int32, (_B, _B), 1)).astype(jnp.float32)
    parts = []
    carry = jnp.zeros((1, 1), jnp.float32)
    for b2 in range(_NB):
        selb = sel[0:1, b2 * _B:(b2 + 1) * _B]
        local = jnp.dot(selb, ltri, preferred_element_type=jnp.float32) + carry
        parts.append(local)
        carry = carry + jnp.sum(selb)
    cum = jnp.concatenate(parts, axis=1)
    rows = (jax.lax.broadcasted_iota(jnp.int32, (_R, _KP), 0) + 1).astype(jnp.float32)
    e = ((cum == rows) & (sel > 0.0)).astype(jnp.float32)
    out_ref[...] = jnp.dot(e, bx_ref[...], preferred_element_type=jnp.float32)


def kernel(pred_cls, pred_reg, anchor):
    n = pred_reg.shape[1]
    c01 = jnp.pad(pred_cls.reshape(n, 2).T, ((0, 0), (0, _NP - n)))
    regt = jnp.pad(pred_reg[0].T, ((0, 0), (0, _NP - n)))
    ancht = jnp.pad(anchor.T, ((0, 0), (0, _NP - n)))

    scores_row, roit = pl.pallas_call(
        _decode_kernel,
        out_shape=(
            jax.ShapeDtypeStruct((1, _NP), jnp.float32),
            jax.ShapeDtypeStruct((4, _NP), jnp.float32),
        ),
    )(c01, regt, ancht)

    scores = scores_row[0, :n]
    vals, idx = jax.lax.top_k(scores, _PRE_NMS)
    boxes = roit[:, :n].T[idx]
    boxes = jnp.pad(boxes, ((0, _KP - _PRE_NMS), (0, 0)))
    bx3 = boxes.reshape(_NB, _B, 4)
    bt3 = jnp.transpose(bx3, (0, 2, 1))
    boxest = boxes.T
    finite = jnp.pad(jnp.isfinite(vals).astype(jnp.float32),
                     (0, _KP - _PRE_NMS)).reshape(1, _KP)

    out = pl.pallas_call(
        _nms_kernel,
        out_shape=jax.ShapeDtypeStruct((_R, 4), jnp.float32),
        scratch_shapes=[pltpu.VMEM((_NB, 1, _B), jnp.float32)],
    )(boxes, bx3, bt3, boxest, finite)
    return out[:_POST_NMS]

# --- scband reference (transcript-rebuilt; emitter-appended) ---
"""Pipeline reference for scband-region-proposal-74955769249840 (READ-ONLY COPY).

The authoritative reference and input builder live on the scoring server;
editing this copy changes nothing except your own understanding.
"""

import jax, jax.numpy as jnp
import numpy as np

MIN_SIZE = 16.0 / 800.0
IOU_THR = 0.7
PRE_NMS = 6000
POST_NMS = 300
H = 47
W = 47
A = 9
N = H * W * A


def xy_to_cxcy(xy):
    return jnp.concatenate([(xy[:, 2:] + xy[:, :2]) / 2.0, xy[:, 2:] - xy[:, :2]], axis=1)


def cxcy_to_xy(cxcy):
    return jnp.concatenate([cxcy[:, :2] - cxcy[:, 2:] / 2.0, cxcy[:, :2] + cxcy[:, 2:] / 2.0], axis=1)


def decode(t, anchors_cxcy):
    cxcy = t[:, :2] * anchors_cxcy[:, 2:] + anchors_cxcy[:, :2]
    wh = jnp.exp(t[:, 2:]) * anchors_cxcy[:, 2:]
    return jnp.concatenate([cxcy, wh], axis=1)


def iou_matrix(boxes):
    x1, y1, x2, y2 = boxes[:, 0], boxes[:, 1], boxes[:, 2], boxes[:, 3]
    area = jnp.clip(x2 - x1, 0.0) * jnp.clip(y2 - y1, 0.0)
    ix1 = jnp.maximum(x1[:, None], x1[None, :])
    iy1 = jnp.maximum(y1[:, None], y1[None, :])
    ix2 = jnp.minimum(x2[:, None], x2[None, :])
    iy2 = jnp.minimum(y2[:, None], y2[None, :])
    inter = jnp.clip(ix2 - ix1, 0.0) * jnp.clip(iy2 - iy1, 0.0)
    union = area[:, None] + area[None, :] - inter
    return inter / (union + 1e-9)


def nms_fixed(boxes, scores, iou_thr):
    # boxes are assumed sorted by score descending; greedy NMS with fixed shapes
    K = boxes.shape[0]
    iou = iou_matrix(boxes)
    idx = jnp.arange(K)

    def body(i, keep):
        sup = (iou[i] > iou_thr) & keep[i] & (idx > i)
        return keep & (~sup)

    keep = jax.lax.fori_loop(0, K, body, jnp.ones((K,), dtype=bool))
    return keep


def setup_inputs(seed: int = 0) -> dict:
    key = jax.random.key(seed)
    k1, k2 = jax.random.split(key, 2)
    pred_cls = jax.random.normal(k1, (1, H, W, A * 2), dtype=jnp.float32)
    pred_reg = jax.random.normal(k2, (1, N, 4), dtype=jnp.float32) * 0.1
    # build a realistic anchor grid in normalized [0,1] coords (cx,cy grid x 3 scales x 3 ratios)
    scales = jnp.array([0.1, 0.2, 0.4], dtype=jnp.float32)
    ratios = jnp.array([0.5, 1.0, 2.0], dtype=jnp.float32)
    aw = (scales[:, None] * jnp.sqrt(ratios)[None, :]).reshape(-1)  # [9]
    ah = (scales[:, None] / jnp.sqrt(ratios)[None, :]).reshape(-1)  # [9]
    cy, cx = jnp.meshgrid((jnp.arange(H, dtype=jnp.float32) + 0.5) / H,
                          (jnp.arange(W, dtype=jnp.float32) + 0.5) / W, indexing='ij')
    cx = jnp.broadcast_to(cx[:, :, None], (H, W, A)).reshape(-1)
    cy = jnp.broadcast_to(cy[:, :, None], (H, W, A)).reshape(-1)
    w_ = jnp.broadcast_to(aw[None, None, :], (H, W, A)).reshape(-1)
    h_ = jnp.broadcast_to(ah[None, None, :], (H, W, A)).reshape(-1)
    anchor_cxcy = jnp.stack([cx, cy, w_, h_], axis=1)
    anchor = cxcy_to_xy(anchor_cxcy)
    return {"pred_cls": pred_cls, "pred_reg": pred_reg, "anchor": anchor}


def reference(pred_cls, pred_reg, anchor):
    anchors_cxcy = xy_to_cxcy(anchor)
    t = jnp.squeeze(pred_reg, axis=0)
    roi = jnp.clip(cxcy_to_xy(decode(t, anchors_cxcy)), 0.0, 1.0)
    s = pred_cls.shape
    soft = jax.nn.softmax(pred_cls.reshape(1, s[1], s[2], 9, 2), axis=4)
    scores = soft[:, :, :, :, 1].reshape(-1)
    ws = roi[:, 2] - roi[:, 0]
    hs = roi[:, 3] - roi[:, 1]
    keep = (hs >= MIN_SIZE) & (ws >= MIN_SIZE)
    # fixed-shape equivalent of boolean filtering: invalid boxes get -inf score,
    # so they sort to the end and can never suppress a valid box (suppression only j>i)
    scores = jnp.where(keep, scores, -jnp.inf)
    order = jnp.argsort(-scores)
    roi_s = roi[order][:PRE_NMS]
    scores_s = scores[order][:PRE_NMS]
    keep_nms = nms_fixed(roi_s, scores_s, IOU_THR)
    final_scores = jnp.where(keep_nms, scores_s, -jnp.inf)
    top_vals, top_idx = jax.lax.top_k(final_scores, POST_NMS)
    valid = jnp.isfinite(top_vals)
    out = roi_s[top_idx] * valid[:, None].astype(roi_s.dtype)
    return out

if __name__ == "__main__":
    import jax
    _d = setup_inputs()
    print(jax.jit(kernel)(*tuple(_d.values())))

</pallas_src>

<mosaic_0001>
module attributes {stable_mosaic.version = 14 : i64} {
  func.func @_decode_kernel(%arg0: memref<2x19968xf32, #tpu.memory_space<vmem>>, %arg1: memref<4x19968xf32, #tpu.memory_space<vmem>>, %arg2: memref<4x19968xf32, #tpu.memory_space<vmem>>, %arg3: memref<1x19968xf32, #tpu.memory_space<vmem>>, %arg4: memref<4x19968xf32, #tpu.memory_space<vmem>>) attributes {dimension_semantics = [], scalar_prefetch = 0 : i64, scratch_operands = 0 : i64, tpu.core_type = #tpu.core_type<tc>} {
    %get3A = arith.constant 0 : index
    %get3A_0 = arith.constant 0 : index
    %get3A_1 = vector.load %arg0[%get3A, %get3A_0] : memref<2x19968xf32, #tpu.memory_space<vmem>>, vector<1x19968xf32>
    %get3A_2 = arith.constant 1 : index
    %get3A_3 = arith.constant 0 : index
    %get3A_4 = vector.load %arg0[%get3A_2, %get3A_3] : memref<2x19968xf32, #tpu.memory_space<vmem>>, vector<1x19968xf32>
    %get3A_5 = arith.constant 0 : index
    %get3A_6 = arith.constant 0 : index
    %get3A_7 = vector.load %arg2[%get3A_5, %get3A_6] : memref<4x19968xf32, #tpu.memory_space<vmem>>, vector<1x19968xf32>
    %get3A_8 = arith.constant 1 : index
    %get3A_9 = arith.constant 0 : index
    %get3A_10 = vector.load %arg2[%get3A_8, %get3A_9] : memref<4x19968xf32, #tpu.memory_space<vmem>>, vector<1x19968xf32>
    %get3A_11 = arith.constant 2 : index
    %get3A_12 = arith.constant 0 : index
    %get3A_13 = vector.load %arg2[%get3A_11, %get3A_12] : memref<4x19968xf32, #tpu.memory_space<vmem>>, vector<1x19968xf32>
    %get3A_14 = arith.constant 3 : index
    %get3A_15 = arith.constant 0 : index
    %get3A_16 = vector.load %arg2[%get3A_14, %get3A_15] : memref<4x19968xf32, #tpu.memory_space<vmem>>, vector<1x19968xf32>
    %add3A = arith.addf %get3A_13, %get3A_7 : vector<1x19968xf32>
    %div3A = arith.constant 2.000000e+00 : f32
    %div3A_17 = vector.broadcast %div3A : f32 to vector<1x19968xf32>
    %div3A_18 = arith.divf %add3A, %div3A_17 : vector<1x19968xf32>
    %add3A_19 = arith.addf %get3A_16, %get3A_10 : vector<1x19968xf32>
    %div3A_20 = arith.constant 2.000000e+00 : f32
    %div3A_21 = vector.broadcast %div3A_20 : f32 to vector<1x19968xf32>
    %div3A_22 = arith.divf %add3A_19, %div3A_21 : vector<1x19968xf32>
    %sub3A = arith.subf %get3A_13, %get3A_7 : vector<1x19968xf32>
    %sub3A_23 = arith.subf %get3A_16, %get3A_10 : vector<1x19968xf32>
    %get3A_24 = arith.constant 0 : index
    %get3A_25 = arith.constant 0 : index
    %get3A_26 = vector.load %arg1[%get3A_24, %get3A_25] : memref<4x19968xf32, #tpu.memory_space<vmem>>, vector<1x19968xf32>
    %get3A_27 = arith.constant 1 : index
    %get3A_28 = arith.constant 0 : index
    %get3A_29 = vector.load %arg1[%get3A_27, %get3A_28] : memref<4x19968xf32, #tpu.memory_space<vmem>>, vector<1x19968xf32>
    %get3A_30 = arith.constant 2 : index
    %get3A_31 = arith.constant 0 : index
    %get3A_32 = vector.load %arg1[%get3A_30, %get3A_31] : memref<4x19968xf32, #tpu.memory_space<vmem>>, vector<1x19968xf32>
    %get3A_33 = arith.constant 3 : index
    %get3A_34 = arith.constant 0 : index
    %get3A_35 = vector.load %arg1[%get3A_33, %get3A_34] : memref<4x19968xf32, #tpu.memory_space<vmem>>, vector<1x19968xf32>
    %mul3A = arith.mulf %get3A_26, %sub3A : vector<1x19968xf32>
    %add3A_36 = arith.addf %mul3A, %div3A_18 : vector<1x19968xf32>
    %mul3A_37 = arith.mulf %get3A_29, %sub3A_23 : vector<1x19968xf32>
    %add3A_38 = arith.addf %mul3A_37, %div3A_22 : vector<1x19968xf32>
    %exp3A = math.exp %get3A_32 : vector<1x19968xf32>
    %mul3A_39 = arith.mulf %exp3A, %sub3A : vector<1x19968xf32>
    %exp3A_40 = math.exp %get3A_35 : vector<1x19968xf32>
    %mul3A_41 = arith.mulf %exp3A_40, %sub3A_23 : vector<1x19968xf32>
    %div3A_42 = arith.constant 2.000000e+00 : f32
    %div3A_43 = vector.broadcast %div3A_42 : f32 to vector<1x19968xf32>
    %div3A_44 = arith.divf %mul3A_39, %div3A_43 : vector<1x19968xf32>
    %sub3A_45 = arith.subf %add3A_36, %div3A_44 : vector<1x19968xf32>
    %jit3A = arith.constant 0.000000e+00 : f32
    %jit3A_46 = arith.constant 1.000000e+00 : f32
    %max3A = vector.broadcast %jit3A : f32 to vector<1x19968xf32>
    %max3A_47 = arith.maximumf %max3A, %sub3A_45 : vector<1x19968xf32>
    %min3A = vector.broadcast %jit3A_46 : f32 to vector<1x19968xf32>
    %min3A_48 = arith.minimumf %min3A, %max3A_47 : vector<1x19968xf32>
    %div3A_49 = arith.constant 2.000000e+00 : f32
    %div3A_50 = vector.broadcast %div3A_49 : f32 to vector<1x19968xf32>
    %div3A_51 = arith.divf %mul3A_41, %div3A_50 : vector<1x19968xf32>
    %sub3A_52 = arith.subf %add3A_38, %div3A_51 : vector<1x19968xf32>
    %jit3A_53 = arith.constant 0.000000e+00 : f32
    %jit3A_54 = arith.constant 1.000000e+00 : f32
    %max3A_55 = vector.broadcast %jit3A_53 : f32 to vector<1x19968xf32>
    %max3A_56 = arith.maximumf %max3A_55, %sub3A_52 : vector<1x19968xf32>
    %min3A_57 = vector.broadcast %jit3A_54 : f32 to vector<1x19968xf32>
    %min3A_58 = arith.minimumf %min3A_57, %max3A_56 : vector<1x19968xf32>
    %div3A_59 = arith.constant 2.000000e+00 : f32
    %div3A_60 = vector.broadcast %div3A_59 : f32 to vector<1x19968xf32>
    %div3A_61 = arith.divf %mul3A_39, %div3A_60 : vector<1x19968xf32>
    %add3A_62 = arith.addf %add3A_36, %div3A_61 : vector<1x19968xf32>
    %jit3A_63 = arith.constant 0.000000e+00 : f32
    %jit3A_64 = arith.constant 1.000000e+00 : f32
    %max3A_65 = vector.broadcast %jit3A_63 : f32 to vector<1x19968xf32>
    %max3A_66 = arith.maximumf %max3A_65, %add3A_62 : vector<1x19968xf32>
    %min3A_67 = vector.broadcast %jit3A_64 : f32 to vector<1x19968xf32>
    %min3A_68 = arith.minimumf %min3A_67, %max3A_66 : vector<1x19968xf32>
    %div3A_69 = arith.constant 2.000000e+00 : f32
    %div3A_70 = vector.broadcast %div3A_69 : f32 to vector<1x19968xf32>
    %div3A_71 = arith.divf %mul3A_41, %div3A_70 : vector<1x19968xf32>
    %add3A_72 = arith.addf %add3A_38, %div3A_71 : vector<1x19968xf32>
    %jit3A_73 = arith.constant 0.000000e+00 : f32
    %jit3A_74 = arith.constant 1.000000e+00 : f32
    %max3A_75 = vector.broadcast %jit3A_73 : f32 to vector<1x19968xf32>
    %max3A_76 = arith.maximumf %max3A_75, %add3A_72 : vector<1x19968xf32>
    %min3A_77 = vector.broadcast %jit3A_74 : f32 to vector<1x19968xf32>
    %min3A_78 = arith.minimumf %min3A_77, %max3A_76 : vector<1x19968xf32>
    %sub3A_79 = arith.subf %min3A_68, %min3A_48 : vector<1x19968xf32>
    %sub3A_80 = arith.subf %min3A_78, %min3A_58 : vector<1x19968xf32>
    %ge3A = arith.constant 2.000000e-02 : f32
    %ge3A_81 = vector.broadcast %ge3A : f32 to vector<1x19968xf32>
    %ge3A_82 = arith.cmpf oge, %sub3A_80, %ge3A_81 : vector<1x19968xf32>
    %ge3A_83 = arith.constant 2.000000e-02 : f32
    %ge3A_84 = vector.broadcast %ge3A_83 : f32 to vector<1x19968xf32>
    %ge3A_85 = arith.cmpf oge, %sub3A_79, %ge3A_84 : vector<1x19968xf32>
    %and3A = arith.andi %ge3A_82, %ge3A_85 : vector<1x19968xi1>
    %max3A_86 = arith.maximumf %get3A_1, %get3A_4 : vector<1x19968xf32>
    %sub3A_87 = arith.subf %get3A_1, %max3A_86 : vector<1x19968xf32>
    %exp3A_88 = math.exp %sub3A_87 : vector<1x19968xf32>
    %sub3A_89 = arith.subf %get3A_4, %max3A_86 : vector<1x19968xf32>
    %exp3A_90 = math.exp %sub3A_89 : vector<1x19968xf32>
    %add3A_91 = arith.addf %exp3A_88, %exp3A_90 : vector<1x19968xf32>
    %div3A_92 = arith.divf %exp3A_90, %add3A_91 : vector<1x19968xf32>
    %jit3A_93 = arith.constant 0xFF800000 : f32
    %broadcast_in_dim3A = vector.broadcast %jit3A_93 : f32 to vector<1x19968xf32>
    %select_n3A = arith.select %and3A, %div3A_92, %broadcast_in_dim3A : vector<1x19968xi1>, vector<1x19968xf32>
    %swap3A = arith.constant 0 : index
    %swap3A_94 = arith.constant 0 : index
    %swap3A_95 = vector.load %arg3[%swap3A, %swap3A_94] : memref<1x19968xf32, #tpu.memory_space<vmem>>, vector<1x19968xf32>
    tpu.vector_store %arg3[%swap3A, %swap3A_94], %select_n3A {strides = array<i32>} : memref<1x19968xf32, #tpu.memory_space<vmem>>, vector<1x19968xf32>,
    %swap3A_96 = arith.constant 0 : index
    %swap3A_97 = arith.constant 0 : index
    %swap3A_98 = vector.load %arg4[%swap3A_96, %swap3A_97] : memref<4x19968xf32, #tpu.memory_space<vmem>>, vector<1x19968xf32>
    tpu.vector_store %arg4[%swap3A_96, %swap3A_97], %min3A_48 {strides = array<i32>} : memref<4x19968xf32, #tpu.memory_space<vmem>>, vector<1x19968xf32>,
    %swap3A_99 = arith.constant 1 : index
    %swap3A_100 = arith.constant 0 : index
    %swap3A_101 = vector.load %arg4[%swap3A_99, %swap3A_100] : memref<4x19968xf32, #tpu.memory_space<vmem>>, vector<1x19968xf32>
    tpu.vector_store %arg4[%swap3A_99, %swap3A_100], %min3A_58 {strides = array<i32>} : memref<4x19968xf32, #tpu.memory_space<vmem>>, vector<1x19968xf32>,
    %swap3A_102 = arith.constant 2 : index
    %swap3A_103 = arith.constant 0 : index
    %swap3A_104 = vector.load %arg4[%swap3A_102, %swap3A_103] : memref<4x19968xf32, #tpu.memory_space<vmem>>, vector<1x19968xf32>
    tpu.vector_store %arg4[%swap3A_102, %swap3A_103], %min3A_68 {strides = array<i32>} : memref<4x19968xf32, #tpu.memory_space<vmem>>, vector<1x19968xf32>,
    %swap3A_105 = arith.constant 3 : index
    %swap3A_106 = arith.constant 0 : index
    %swap3A_107 = vector.load %arg4[%swap3A_105, %swap3A_106] : memref<4x19968xf32, #tpu.memory_space<vmem>>, vector<1x19968xf32>
    tpu.vector_store %arg4[%swap3A_105, %swap3A_106], %min3A_78 {strides = array<i32>} : memref<4x19968xf32, #tpu.memory_space<vmem>>, vector<1x19968xf32>,
    return
  }
}

module attributes {stable_mosaic.version = 14 : i64} {
  func.func @_nms_kernel(%arg0: memref<6016x4xf32, #tpu.memory_space<vmem>>, %arg1: memref<47x128x4xf32, #tpu.memory_space<vmem>>, %arg2: memref<47x4x128xf32, #tpu.memory_space<vmem>>, %arg3: memref<4x6016xf32, #tpu.memory_space<vmem>>, %arg4: memref<1x6016xf32, #tpu.memory_space<vmem>>, %arg5: memref<304x4xf32, #tpu.memory_space<vmem>>, %arg6: memref<47x1x128xf32, #tpu.memory_space<vmem>>) attributes {dimension_semantics = [], scalar_prefetch = 0 : i64, scratch_operands = 1 : i64, tpu.core_type = #tpu.core_type<tc>} {
    %get3A = arith.constant 0 : index
    %get3A_0 = arith.constant 0 : index
    %get3A_1 = vector.load %arg3[%get3A, %get3A_0] : memref<4x6016xf32, #tpu.memory_space<vmem>>, vector<1x6016xf32>
    %get3A_2 = arith.constant 1 : index
    %get3A_3 = arith.constant 0 : index
    %get3A_4 = vector.load %arg3[%get3A_2, %get3A_3] : memref<4x6016xf32, #tpu.memory_space<vmem>>, vector<1x6016xf32>
    %get3A_5 = arith.constant 2 : index
    %get3A_6 = arith.constant 0 : index
    %get3A_7 = vector.load %arg3[%get3A_5, %get3A_6] : memref<4x6016xf32, #tpu.memory_space<vmem>>, vector<1x6016xf32>
    %get3A_8 = arith.constant 3 : index
    %get3A_9 = arith.constant 0 : index
    %get3A_10 = vector.load %arg3[%get3A_8, %get3A_9] : memref<4x6016xf32, #tpu.memory_space<vmem>>, vector<1x6016xf32>
    %sub3A = arith.subf %get3A_7, %get3A_1 : vector<1x6016xf32>
    %max3A = arith.constant 0.000000e+00 : f32
    %max3A_11 = vector.broadcast %max3A : f32 to vector<1x6016xf32>
    %max3A_12 = arith.maximumf %sub3A, %max3A_11 : vector<1x6016xf32>
    %sub3A_13 = arith.subf %get3A_10, %get3A_4 : vector<1x6016xf32>
    %max3A_14 = arith.constant 0.000000e+00 : f32
    %max3A_15 = vector.broadcast %max3A_14 : f32 to vector<1x6016xf32>
    %max3A_16 = arith.maximumf %sub3A_13, %max3A_15 : vector<1x6016xf32>
    %mul3A = arith.mulf %max3A_12, %max3A_16 : vector<1x6016xf32>
    %iota3A = tpu.iota {dimensions = array<i32: 1>} : vector<1x6016xi32>
    %broadcast_in_dim3A = arith.constant 1.000000e+00 : f32
    %broadcast_in_dim3A_17 = vector.broadcast %broadcast_in_dim3A : f32 to vector<1x128xf32>
    %swap3A = arith.constant 0 : index
    %swap3A_18 = arith.constant 0 : index
    %swap3A_19 = arith.constant 0 : index
    %swap3A_20 = vector.load %arg6[%swap3A, %swap3A_18, %swap3A_19] : memref<47x1x128xf32, #tpu.memory_space<vmem>>, vector<1x1x128xf32>
    %swap3A_21 = vector.shape_cast %swap3A_20 : vector<1x1x128xf32> to vector<1x128xf32>
    %swap3A_22 = vector.shape_cast %broadcast_in_dim3A_17 : vector<1x128xf32> to vector<1x1x128xf32>
    tpu.vector_store %arg6[%swap3A, %swap3A_18, %swap3A_19], %swap3A_22 {strides = array<i32>} : memref<47x1x128xf32, #tpu.memory_space<vmem>>, vector<1x1x128xf32>,
    %broadcast_in_dim3A_23 = arith.constant 1.000000e+00 : f32
    %broadcast_in_dim3A_24 = vector.broadcast %broadcast_in_dim3A_23 : f32 to vector<1x128xf32>
    %swap3A_25 = arith.constant 1 : index
    %swap3A_26 = arith.constant 0 : index
    %swap3A_27 = arith.constant 0 : index
    %swap3A_28 = vector.load %arg6[%swap3A_25, %swap3A_26, %swap3A_27] : memref<47x1x128xf32, #tpu.memory_space<vmem>>, vector<1x1x128xf32>
    %swap3A_29 = vector.shape_cast %swap3A_28 : vector<1x1x128xf32> to vector<1x128xf32>
    %swap3A_30 = vector.shape_cast %broadcast_in_dim3A_24 : vector<1x128xf32> to vector<1x1x128xf32>
    tpu.vector_store %arg6[%swap3A_25, %swap3A_26, %swap3A_27], %swap3A_30 {strides = array<i32>} : memref<47x1x128xf32, #tpu.memory_space<vmem>>, vector<1x1x128xf32>,
    %broadcast_in_dim3A_31 = arith.constant 1.000000e+00 : f32
    %broadcast_in_dim3A_32 = vector.broadcast %broadcast_in_dim3A_31 : f32 to vector<1x128xf32>
    %swap3A_33 = arith.constant 2 : index
    %swap3A_34 = arith.constant 0 : index
    %swap3A_35 = arith.constant 0 : index
    %swap3A_36 = vector.load %arg6[%swap3A_33, %swap3A_34, %swap3A_35] : memref<47x1x128xf32, #tpu.memory_space<vmem>>, vector<1x1x128xf32>
    %swap3A_37 = vector.shape_cast %swap3A_36 : vector<1x1x128xf32> to vector<1x128xf32>
    %swap3A_38 = vector.shape_cast %broadcast_in_dim3A_32 : vector<1x128xf32> to vector<1x1x128xf32>
    tpu.vector_store %arg6[%swap3A_33, %swap3A_34, %swap3A_35], %swap3A_38 {strides = array<i32>} : memref<47x1x128xf32, #tpu.memory_space<vmem>>, vector<1x1x128xf32>,
    %broadcast_in_dim3A_39 = arith.constant 1.000000e+00 : f32
    %broadcast_in_dim3A_40 = vector.broadcast %broadcast_in_dim3A_39 : f32 to vector<1x128xf32>
    %swap3A_41 = arith.constant 3 : index
    %swap3A_42 = arith.constant 0 : index
    %swap3A_43 = arith.constant 0 : index
    %swap3A_44 = vector.load %arg6[%swap3A_41, %swap3A_42, %swap3A_43] : memref<47x1x128xf32, #tpu.memory_space<vmem>>, vector<1x1x128xf32>
    %swap3A_45 = vector.shape_cast %swap3A_44 : vector<1x1x128xf32> to vector<1x128xf32>
    %swap3A_46 = vector.shape_cast %broadcast_in_dim3A_40 : vector<1x128xf32> to vector<1x1x128xf32>
    tpu.vector_store %arg6[%swap3A_41, %swap3A_42, %swap3A_43], %swap3A_46 {strides = array<i32>} : memref<47x1x128xf32, #tpu.memory_space<vmem>>, vector<1x1x128xf32>,
    %broadcast_in_dim3A_47 = arith.constant 1.000000e+00 : f32
    %broadcast_in_dim3A_48 = vector.broadcast %broadcast_in_dim3A_47 : f32 to vector<1x128xf32>
    %swap3A_49 = arith.constant 4 : index
    %swap3A_50 = arith.constant 0 : index
    %swap3A_51 = arith.constant 0 : index
    %swap3A_52 = vector.load %arg6[%swap3A_49, %swap3A_50, %swap3A_51] : memref<47x1x128xf32, #tpu.memory_space<vmem>>, vector<1x1x128xf32>
    %swap3A_53 = vector.shape_cast %swap3A_52 : vector<1x1x128xf32> to vector<1x128xf32>
    %swap3A_54 = vector.shape_cast %broadcast_in_dim3A_48 : vector<1x128xf32> to vector<1x1x128xf32>
    tpu.vector_store %arg6[%swap3A_49, %swap3A_50, %swap3A_51], %swap3A_54 {strides = array<i32>} : memref<47x1x128xf32, #tpu.memory_space<vmem>>, vector<1x1x128xf32>,
    %broadcast_in_dim3A_55 = arith.constant 1.000000e+00 : f32
    %broadcast_in_dim3A_56 = vector.broadcast %broadcast_in_dim3A_55 : f32 to vector<1x128xf32>
    %swap3A_57 = arith.constant 5 : index
    %swap3A_58 = arith.constant 0 : index
    %swap3A_59 = arith.constant 0 : index
    %swap3A_60 = vector.load %arg6[%swap3A_57, %swap3A_58, %swap3A_59] : memref<47x1x128xf32, #tpu.memory_space<vmem>>, vector<1x1x128xf32>
    %swap3A_61 = vector.shape_cast %swap3A_60 : vector<1x1x128xf32> to vector<1x128xf32>
    %swap3A_62 = vector.shape_cast %broadcast_in_dim3A_56 : vector<1x128xf32> to vector<1x1x128xf32>
    tpu.vector_store %arg6[%swap3A_57, %swap3A_58, %swap3A_59], %swap3A_62 {strides = array<i32>} : memref<47x1x128xf32, #tpu.memory_space<vmem>>, vector<1x1x128xf32>,
    %broadcast_in_dim3A_63 = arith.constant 1.000000e+00 : f32
    %broadcast_in_dim3A_64 = vector.broadcast %broadcast_in_dim3A_63 : f32 to vector<1x128xf32>
    %swap3A_65 = arith.constant 6 : index
    %swap3A_66 = arith.constant 0 : index
    %swap3A_67 = arith.constant 0 : index
    %swap3A_68 = vector.load %arg6[%swap3A_65, %swap3A_66, %swap3A_67] : memref<47x1x128xf32, #tpu.memory_space<vmem>>, vector<1x1x128xf32>
    %swap3A_69 = vector.shape_cast %swap3A_68 : vector<1x1x128xf32> to vector<1x128xf32>
    %swap3A_70 = vector.shape_cast %broadcast_in_dim3A_64 : vector<1x128xf32> to vector<1x1x128xf32>
    tpu.vector_store %arg6[%swap3A_65, %swap3A_66, %swap3A_67], %swap3A_70 {strides = array<i32>} : memref<47x1x128xf32, #tpu.memory_space<vmem>>, vector<1x1x128xf32>,
    %broadcast_in_dim3A_71 = arith.constant 1.000000e+00 : f32
    %broadcast_in_dim3A_72 = vector.broadcast %broadcast_in_dim3A_71 : f32 to vector<1x128xf32>
    %swap3A_73 = arith.constant 7 : index
    %swap3A_74 = arith.constant 0 : index
    %swap3A_75 = arith.constant 0 : index
    %swap3A_76 = vector.load %arg6[%swap3A_73, %swap3A_74, %swap3A_75] : memref<47x1x128xf32, #tpu.memory_space<vmem>>, vector<1x1x128xf32>
    %swap3A_77 = vector.shape_cast %swap3A_76 : vector<1x1x128xf32> to vector<1x128xf32>
    %swap3A_78 = vector.shape_cast %broadcast_in_dim3A_72 : vector<1x128xf32> to vector<1x1x128xf32>
    tpu.vector_store %arg6[%swap3A_73, %swap3A_74, %swap3A_75], %swap3A_78 {strides = array<i32>} : memref<47x1x128xf32, #tpu.memory_space<vmem>>, vector<1x1x128xf32>,
    %broadcast_in_dim3A_79 = arith.constant 1.000000e+00 : f32
    %broadcast_in_dim3A_80 = vector.broadcast %broadcast_in_dim3A_79 : f32 to vector<1x128xf32>
    %swap3A_81 = arith.constant 8 : index
    %swap3A_82 = arith.constant 0 : index
    %swap3A_83 = arith.constant 0 : index
    %swap3A_84 = vector.load %arg6[%swap3A_81, %swap3A_82, %swap3A_83] : memref<47x1x128xf32, #tpu.memory_space<vmem>>, vector<1x1x128xf32>
    %swap3A_85 = vector.shape_cast %swap3A_84 : vector<1x1x128xf32> to vector<1x128xf32>
    %swap3A_86 = vector.shape_cast %broadcast_in_dim3A_80 : vector<1x128xf32> to vector<1x1x128xf32>
    tpu.vector_store %arg6[%swap3A_81, %swap3A_82, %swap3A_83], %swap3A_86 {strides = array<i32>} : memref<47x1x128xf32, #tpu.memory_space<vmem>>, vector<1x1x128xf32>,
    %broadcast_in_dim3A_87 = arith.constant 1.000000e+00 : f32
    %broadcast_in_dim3A_88 = vector.broadcast %broadcast_in_dim3A_87 : f32 to vector<1x128xf32>
    %swap3A_89 = arith.constant 9 : index
    %swap3A_90 = arith.constant 0 : index
    %swap3A_91 = arith.constant 0 : index
    %swap3A_92 = vector.load %arg6[%swap3A_89, %swap3A_90, %swap3A_91] : memref<47x1x128xf32, #tpu.memory_space<vmem>>, vector<1x1x128xf32>
    %swap3A_93 = vector.shape_cast %swap3A_92 : vector<1x1x128xf32> to vector<1x128xf32>
    %swap3A_94 = vector.shape_cast %broadcast_in_dim3A_88 : vector<1x128xf32> to vector<1x1x128xf32>
    tpu.vector_store %arg6[%swap3A_89, %swap3A_90, %swap3A_91], %swap3A_94 {strides = array<i32>} : memref<47x1x128xf32, #tpu.memory_space<vmem>>, vector<1x1x128xf32>,
    %broadcast_in_dim3A_95 = arith.constant 1.000000e+00 : f32
    %broadcast_in_dim3A_96 = vector.broadcast %broadcast_in_dim3A_95 : f32 to vector<1x128xf32>
    %swap3A_97 = arith.constant 10 : index
    %swap3A_98 = arith.constant 0 : index
    %swap3A_99 = arith.constant 0 : index
    %swap3A_100 = vector.load %arg6[%swap3A_97, %swap3A_98, %swap3A_99] : memref<47x1x128xf32, #tpu.memory_space<vmem>>, vector<1x1x128xf32>
    %swap3A_101 = vector.shape_cast %swap3A_100 : vector<1x1x128xf32> to vector<1x128xf32>
    %swap3A_102 = vector.shape_cast %broadcast_in_dim3A_96 : vector<1x128xf32> to vector<1x1x128xf32>
    tpu.vector_store %arg6[%swap3A_97, %swap3A_98, %swap3A_99], %swap3A_102 {strides = array<i32>} : memref<47x1x128xf32, #tpu.memory_space<vmem>>, vector<1x1x128xf32>,
    %broadcast_in_dim3A_103 = arith.constant 1.000000e+00 : f32
    %broadcast_in_dim3A_104 = vector.broadcast %broadcast_in_dim3A_103 : f32 to vector<1x128xf32>
    %swap3A_105 = arith.constant 11 : index
    %swap3A_106 = arith.constant 0 : index
    %swap3A_107 = arith.constant 0 : index
    %swap3A_108 = vector.load %arg6[%swap3A_105, %swap3A_106, %swap3A_107] : memref<47x1x128xf32, #tpu.memory_space<vmem>>, vector<1x1x128xf32>
    %swap3A_109 = vector.shape_cast %swap3A_108 : vector<1x1x128xf32> to vector<1x128xf32>
    %swap3A_110 = vector.shape_cast %broadcast_in_dim3A_104 : vector<1x128xf32> to vector<1x1x128xf32>
    tpu.vector_store %arg6[%swap3A_105, %swap3A_106, %swap3A_107], %swap3A_110 {strides = array<i32>} : memref<47x1x128xf32, #tpu.memory_space<vmem>>, vector<1x1x128xf32>,
    %broadcast_in_dim3A_111 = arith.constant 1.000000e+00 : f32
    %broadcast_in_dim3A_112 = vector.broadcast %broadcast_in_dim3A_111 : f32 to vector<1x128xf32>
    %swap3A_113 = arith.constant 12 : index
    %swap3A_114 = arith.constant 0 : index
    %swap3A_115 = arith.constant 0 : index
    %swap3A_116 = vector.load %arg6[%swap3A_113, %swap3A_114, %swap3A_115] : memref<47x1x128xf32, #tpu.memory_space<vmem>>, vector<1x1x128xf32>
    %swap3A_117 = vector.shape_cast %swap3A_116 : vector<1x1x128xf32> to vector<1x128xf32>
    %swap3A_118 = vector.shape_cast %broadcast_in_dim3A_112 : vector<1x128xf32> to vector<1x1x128xf32>
    tpu.vector_store %arg6[%swap3A_113, %swap3A_114, %swap3A_115], %swap3A_118 {strides = array<i32>} : memref<47x1x128xf32, #tpu.memory_space<vmem>>, vector<1x1x128xf32>,
    %broadcast_in_dim3A_119 = arith.constant 1.000000e+00 : f32
    %broadcast_in_dim3A_120 = vector.broadcast %broadcast_in_dim3A_119 : f32 to vector<1x128xf32>
    %swap3A_121 = arith.constant 13 : index
    %swap3A_122 = arith.constant 0 : index
    %swap3A_123 = arith.constant 0 : index
    %swap3A_124 = vector.load %arg6[%swap3A_121, %swap3A_122, %swap3A_123] : memref<47x1x128xf32, #tpu.memory_space<vmem>>, vector<1x1x128xf32>
    %swap3A_125 = vector.shape_cast %swap3A_124 : vector<1x1x128xf32> to vector<1x128xf32>
    %swap3A_126 = vector.shape_cast %broadcast_in_dim3A_120 : vector<1x128xf32> to vector<1x1x128xf32>
    tpu.vector_store %arg6[%swap3A_121, %swap3A_122, %swap3A_123], %swap3A_126 {strides = array<i32>} : memref<47x1x128xf32, #tpu.memory_space<vmem>>, vector<1x1x128xf32>,
    %broadcast_in_dim3A_127 = arith.constant 1.000000e+00 : f32
    %broadcast_in_dim3A_128 = vector.broadcast %broadcast_in_dim3A_127 : f32 to vector<1x128xf32>
    %swap3A_129 = arith.constant 14 : index
    %swap3A_130 = arith.constant 0 : index
    %swap3A_131 = arith.constant 0 : index
    %swap3A_132 = vector.load %arg6[%swap3A_129, %swap3A_130, %swap3A_131] : memref<47x1x128xf32, #tpu.memory_space<vmem>>, vector<1x1x128xf32>
    %swap3A_133 = vector.shape_cast %swap3A_132 : vector<1x1x128xf32> to vector<1x128xf32>
    %swap3A_134 = vector.shape_cast %broadcast_in_dim3A_128 : vector<1x128xf32> to vector<1x1x128xf32>
    tpu.vector_store %arg6[%swap3A_129, %swap3A_130, %swap3A_131], %swap3A_134 {strides = array<i32>} : memref<47x1x128xf32, #tpu.memory_space<vmem>>, vector<1x1x128xf32>,
    %broadcast_in_dim3A_135 = arith.constant 1.000000e+00 : f32
    %broadcast_in_dim3A_136 = vector.broadcast %broadcast_in_dim3A_135 : f32 to vector<1x128xf32>
    %swap3A_137 = arith.constant 15 : index
    %swap3A_138 = arith.constant 0 : index
    %swap3A_139 = arith.constant 0 : index
    %swap3A_140 = vector.load %arg6[%swap3A_137, %swap3A_138, %swap3A_139] : memref<47x1x128xf32, #tpu.memory_space<vmem>>, vector<1x1x128xf32>
    %swap3A_141 = vector.shape_cast %swap3A_140 : vector<1x1x128xf32> to vector<1x128xf32>
    %swap3A_142 = vector.shape_cast %broadcast_in_dim3A_136 : vector<1x128xf32> to vector<1x1x128xf32>
    tpu.vector_store %arg6[%swap3A_137, %swap3A_138, %swap3A_139], %swap3A_142 {strides = array<i32>} : memref<47x1x128xf32, #tpu.memory_space<vmem>>, vector<1x1x128xf32>,
    %broadcast_in_dim3A_143 = arith.constant 1.000000e+00 : f32
    %broadcast_in_dim3A_144 = vector.broadcast %broadcast_in_dim3A_143 : f32 to vector<1x128xf32>
    %swap3A_145 = arith.constant 16 : index
    %swap3A_146 = arith.constant 0 : index
    %swap3A_147 = arith.constant 0 : index
    %swap3A_148 = vector.load %arg6[%swap3A_145, %swap3A_146, %swap3A_147] : memref<47x1x128xf32, #tpu.memory_space<vmem>>, vector<1x1x128xf32>
    %swap3A_149 = vector.shape_cast %swap3A_148 : vector<1x1x128xf32> to vector<1x128xf32>
    %swap3A_150 = vector.shape_cast %broadcast_in_dim3A_144 : vector<1x128xf32> to vector<1x1x128xf32>
    tpu.vector_store %arg6[%swap3A_145, %swap3A_146, %swap3A_147], %swap3A_150 {strides = array<i32>} : memref<47x1x128xf32, #tpu.memory_space<vmem>>, vector<1x1x128xf32>,
    %broadcast_in_dim3A_151 = arith.constant 1.000000e+00 : f32
    %broadcast_in_dim3A_152 = vector.broadcast %broadcast_in_dim3A_151 : f32 to vector<1x128xf32>
    %swap3A_153 = arith.constant 17 : index
    %swap3A_154 = arith.constant 0 : index
    %swap3A_155 = arith.constant 0 : index
    %swap3A_156 = vector.load %arg6[%swap3A_153, %swap3A_154, %swap3A_155] : memref<47x1x128xf32, #tpu.memory_space<vmem>>, vector<1x1x128xf32>
    %swap3A_157 = vector.shape_cast %swap3A_156 : vector<1x1x128xf32> to vector<1x128xf32>
    %swap3A_158 = vector.shape_cast %broadcast_in_dim3A_152 : vector<1x128xf32> to vector<1x1x128xf32>
    tpu.vector_store %arg6[%swap3A_153, %swap3A_154, %swap3A_155], %swap3A_158 {strides = array<i32>} : memref<47x1x128xf32, #tpu.memory_space<vmem>>, vector<1x1x128xf32>,
    %broadcast_in_dim3A_159 = arith.constant 1.000000e+00 : f32
    %broadcast_in_dim3A_160 = vector.broadcast %broadcast_in_dim3A_159 : f32 to vector<1x128xf32>
    %swap3A_161 = arith.constant 18 : index
    %swap3A_162 = arith.constant 0 : index
    %swap3A_163 = arith.constant 0 : index
    %swap3A_164 = vector.load %arg6[%swap3A_161, %swap3A_162, %swap3A_163] : memref<47x1x128xf32, #tpu.memory_space<vmem>>, vector<1x1x128xf32>
    %swap3A_165 = vector.shape_cast %swap3A_164 : vector<1x1x128xf32> to vector<1x128xf32>
    %swap3A_166 = vector.shape_cast %broadcast_in_dim3A_160 : vector<1x128xf32> to vector<1x1x128xf32>
    tpu.vector_store %arg6[%swap3A_161, %swap3A_162, %swap3A_163], %swap3A_166 {strides = array<i32>} : memref<47x1x128xf32, #tpu.memory_space<vmem>>, vector<1x1x128xf32>,
    %broadcast_in_dim3A_167 = arith.constant 1.000000e+00 : f32
    %broadcast_in_dim3A_168 = vector.broadcast %broadcast_in_dim3A_167 : f32 to vector<1x128xf32>
    %swap3A_169 = arith.constant 19 : index
    %swap3A_170 = arith.constant 0 : index
    %swap3A_171 = arith.constant 0 : index
    %swap3A_172 = vector.load %arg6[%swap3A_169, %swap3A_170, %swap3A_171] : memref<47x1x128xf32, #tpu.memory_space<vmem>>, vector<1x1x128xf32>
    %swap3A_173 = vector.shape_cast %swap3A_172 : vector<1x1x128xf32> to vector<1x128xf32>
    %swap3A_174 = vector.shape_cast %broadcast_in_dim3A_168 : vector<1x128xf32> to vector<1x1x128xf32>
    tpu.vector_store %arg6[%swap3A_169, %swap3A_170, %swap3A_171], %swap3A_174 {strides = array<i32>} : memref<47x1x128xf32, #tpu.memory_space<vmem>>, vector<1x1x128xf32>,
    %broadcast_in_dim3A_175 = arith.constant 1.000000e+00 : f32
    %broadcast_in_dim3A_176 = vector.broadcast %broadcast_in_dim3A_175 : f32 to vector<1x128xf32>
    %swap3A_177 = arith.constant 20 : index
    %swap3A_178 = arith.constant 0 : index
    %swap3A_179 = arith.constant 0 : index
    %swap3A_180 = vector.load %arg6[%swap3A_177, %swap3A_178, %swap3A_179] : memref<47x1x128xf32, #tpu.memory_space<vmem>>, vector<1x1x128xf32>
    %swap3A_181 = vector.shape_cast %swap3A_180 : vector<1x1x128xf32> to vector<1x128xf32>
    %swap3A_182 = vector.shape_cast %broadcast_in_dim3A_176 : vector<1x128xf32> to vector<1x1x128xf32>
    tpu.vector_store %arg6[%swap3A_177, %swap3A_178, %swap3A_179], %swap3A_182 {strides = array<i32>} : memref<47x1x128xf32, #tpu.memory_space<vmem>>, vector<1x1x128xf32>,
    %broadcast_in_dim3A_183 = arith.constant 1.000000e+00 : f32
    %broadcast_in_dim3A_184 = vector.broadcast %broadcast_in_dim3A_183 : f32 to vector<1x128xf32>
    %swap3A_185 = arith.constant 21 : index
    %swap3A_186 = arith.constant 0 : index
    %swap3A_187 = arith.constant 0 : index
    %swap3A_188 = vector.load %arg6[%swap3A_185, %swap3A_186, %swap3A_187] : memref<47x1x128xf32, #tpu.memory_space<vmem>>, vector<1x1x128xf32>
    %swap3A_189 = vector.shape_cast %swap3A_188 : vector<1x1x128xf32> to vector<1x128xf32>
    %swap3A_190 = vector.shape_cast %broadcast_in_dim3A_184 : vector<1x128xf32> to vector<1x1x128xf32>
    tpu.vector_store %arg6[%swap3A_185, %swap3A_186, %swap3A_187], %swap3A_190 {strides = array<i32>} : memref<47x1x128xf32, #tpu.memory_space<vmem>>, vector<1x1x128xf32>,
    %broadcast_in_dim3A_191 = arith.constant 1.000000e+00 : f32
    %broadcast_in_dim3A_192 = vector.broadcast %broadcast_in_dim3A_191 : f32 to vector<1x128xf32>
    %swap3A_193 = arith.constant 22 : index
    %swap3A_194 = arith.constant 0 : index
    %swap3A_195 = arith.constant 0 : index
    %swap3A_196 = vector.load %arg6[%swap3A_193, %swap3A_194, %swap3A_195] : memref<47x1x128xf32, #tpu.memory_space<vmem>>, vector<1x1x128xf32>
    %swap3A_197 = vector.shape_cast %swap3A_196 : vector<1x1x128xf32> to vector<1x128xf32>
    %swap3A_198 = vector.shape_cast %broadcast_in_dim3A_192 : vector<1x128xf32> to vector<1x1x128xf32>
    tpu.vector_store %arg6[%swap3A_193, %swap3A_194, %swap3A_195], %swap3A_198 {strides = array<i32>} : memref<47x1x128xf32, #tpu.memory_space<vmem>>, vector<1x1x128xf32>,
    %broadcast_in_dim3A_199 = arith.constant 1.000000e+00 : f32
    %broadcast_in_dim3A_200 = vector.broadcast %broadcast_in_dim3A_199 : f32 to vector<1x128xf32>
    %swap3A_201 = arith.constant 23 : index
    %swap3A_202 = arith.constant 0 : index
    %swap3A_203 = arith.constant 0 : index
    %swap3A_204 = vector.load %arg6[%swap3A_201, %swap3A_202, %swap3A_203] : memref<47x1x128xf32, #tpu.memory_space<vmem>>, vector<1x1x128xf32>
    %swap3A_205 = vector.shape_cast %swap3A_204 : vector<1x1x128xf32> to vector<1x128xf32>
    %swap3A_206 = vector.shape_cast %broadcast_in_dim3A_200 : vector<1x128xf32> to vector<1x1x128xf32>
    tpu.vector_store %arg6[%swap3A_201, %swap3A_202, %swap3A_203], %swap3A_206 {strides = array<i32>} : memref<47x1x128xf32, #tpu.memory_space<vmem>>, vector<1x1x128xf32>,
    %broadcast_in_dim3A_207 = arith.constant 1.000000e+00 : f32
    %broadcast_in_dim3A_208 = vector.broadcast %broadcast_in_dim3A_207 : f32 to vector<1x128xf32>
    %swap3A_209 = arith.constant 24 : index
    %swap3A_210 = arith.constant 0 : index
    %swap3A_211 = arith.constant 0 : index
    %swap3A_212 = vector.load %arg6[%swap3A_209, %swap3A_210, %swap3A_211] : memref<47x1x128xf32, #tpu.memory_space<vmem>>, vector<1x1x128xf32>
    %swap3A_213 = vector.shape_cast %swap3A_212 : vector<1x1x128xf32> to vector<1x128xf32>
    %swap3A_214 = vector.shape_cast %broadcast_in_dim3A_208 : vector<1x128xf32> to vector<1x1x128xf32>
    tpu.vector_store %arg6[%swap3A_209, %swap3A_210, %swap3A_211], %swap3A_214 {strides = array<i32>} : memref<47x1x128xf32, #tpu.memory_space<vmem>>, vector<1x1x128xf32>,
    %broadcast_in_dim3A_215 = arith.constant 1.000000e+00 : f32
    %broadcast_in_dim3A_216 = vector.broadcast %broadcast_in_dim3A_215 : f32 to vector<1x128xf32>
    %swap3A_217 = arith.constant 25 : index
    %swap3A_218 = arith.constant 0 : index
    %swap3A_219 = arith.constant 0 : index
    %swap3A_220 = vector.load %arg6[%swap3A_217, %swap3A_218, %swap3A_219] : memref<47x1x128xf32, #tpu.memory_space<vmem>>, vector<1x1x128xf32>
    %swap3A_221 = vector.shape_cast %swap3A_220 : vector<1x1x128xf32> to vector<1x128xf32>
    %swap3A_222 = vector.shape_cast %broadcast_in_dim3A_216 : vector<1x128xf32> to vector<1x1x128xf32>
    tpu.vector_store %arg6[%swap3A_217, %swap3A_218, %swap3A_219], %swap3A_222 {strides = array<i32>} : memref<47x1x128xf32, #tpu.memory_space<vmem>>, vector<1x1x128xf32>,
    %broadcast_in_dim3A_223 = arith.constant 1.000000e+00 : f32
    %broadcast_in_dim3A_224 = vector.broadcast %broadcast_in_dim3A_223 : f32 to vector<1x128xf32>
    %swap3A_225 = arith.constant 26 : index
    %swap3A_226 = arith.constant 0 : index
    %swap3A_227 = arith.constant 0 : index
    %swap3A_228 = vector.load %arg6[%swap3A_225, %swap3A_226, %swap3A_227] : memref<47x1x128xf32, #tpu.memory_space<vmem>>, vector<1x1x128xf32>
    %swap3A_229 = vector.shape_cast %swap3A_228 : vector<1x1x128xf32> to vector<1x128xf32>
    %swap3A_230 = vector.shape_cast %broadcast_in_dim3A_224 : vector<1x128xf32> to vector<1x1x128xf32>
    tpu.vector_store %arg6[%swap3A_225, %swap3A_226, %swap3A_227], %swap3A_230 {strides = array<i32>} : memref<47x1x128xf32, #tpu.memory_space<vmem>>, vector<1x1x128xf32>,
    %broadcast_in_dim3A_231 = arith.constant 1.000000e+00 : f32
    %broadcast_in_dim3A_232 = vector.broadcast %broadcast_in_dim3A_231 : f32 to vector<1x128xf32>
    %swap3A_233 = arith.constant 27 : index
    %swap3A_234 = arith.constant 0 : index
    %swap3A_235 = arith.constant 0 : index
    %swap3A_236 = vector.load %arg6[%swap3A_233, %swap3A_234, %swap3A_235] : memref<47x1x128xf32, #tpu.memory_space<vmem>>, vector<1x1x128xf32>
    %swap3A_237 = vector.shape_cast %swap3A_236 : vector<1x1x128xf32> to vector<1x128xf32>
    %swap3A_238 = vector.shape_cast %broadcast_in_dim3A_232 : vector<1x128xf32> to vector<1x1x128xf32>
    tpu.vector_store %arg6[%swap3A_233, %swap3A_234, %swap3A_235], %swap3A_238 {strides = array<i32>} : memref<47x1x128xf32, #tpu.memory_space<vmem>>, vector<1x1x128xf32>,
    %broadcast_in_dim3A_239 = arith.constant 1.000000e+00 : f32
    %broadcast_in_dim3A_240 = vector.broadcast %broadcast_in_dim3A_239 : f32 to vector<1x128xf32>
    %swap3A_241 = arith.constant 28 : index
    %swap3A_242 = arith.constant 0 : index
    %swap3A_243 = arith.constant 0 : index
    %swap3A_244 = vector.load %arg6[%swap3A_241, %swap3A_242, %swap3A_243] : memref<47x1x128xf32, #tpu.memory_space<vmem>>, vector<1x1x128xf32>
    %swap3A_245 = vector.shape_cast %swap3A_244 : vector<1x1x128xf32> to vector<1x128xf32>
    %swap3A_246 = vector.shape_cast %broadcast_in_dim3A_240 : vector<1x128xf32> to vector<1x1x128xf32>
    tpu.vector_store %arg6[%swap3A_241, %swap3A_242, %swap3A_243], %swap3A_246 {strides = array<i32>} : memref<47x1x128xf32, #tpu.memory_space<vmem>>, vector<1x1x128xf32>,
    %broadcast_in_dim3A_247 = arith.constant 1.000000e+00 : f32
    %broadcast_in_dim3A_248 = vector.broadcast %broadcast_in_dim3A_247 : f32 to vector<1x128xf32>
    %swap3A_249 = arith.constant 29 : index
    %swap3A_250 = arith.constant 0 : index
    %swap3A_251 = arith.constant 0 : index
    %swap3A_252 = vector.load %arg6[%swap3A_249, %swap3A_250, %swap3A_251] : memref<47x1x128xf32, #tpu.memory_space<vmem>>, vector<1x1x128xf32>
    %swap3A_253 = vector.shape_cast %swap3A_252 : vector<1x1x128xf32> to vector<1x128xf32>
    %swap3A_254 = vector.shape_cast %broadcast_in_dim3A_248 : vector<1x128xf32> to vector<1x1x128xf32>
    tpu.vector_store %arg6[%swap3A_249, %swap3A_250, %swap3A_251], %swap3A_254 {strides = array<i32>} : memref<47x1x128xf32, #tpu.memory_space<vmem>>, vector<1x1x128xf32>,
    %broadcast_in_dim3A_255 = arith.constant 1.000000e+00 : f32
    %broadcast_in_dim3A_256 = vector.broadcast %broadcast_in_dim3A_255 : f32 to vector<1x128xf32>
    %swap3A_257 = arith.constant 30 : index
    %swap3A_258 = arith.constant 0 : index
    %swap3A_259 = arith.constant 0 : index
    %swap3A_260 = vector.load %arg6[%swap3A_257, %swap3A_258, %swap3A_259] : memref<47x1x128xf32, #tpu.memory_space<vmem>>, vector<1x1x128xf32>
    %swap3A_261 = vector.shape_cast %swap3A_260 : vector<1x1x128xf32> to vector<1x128xf32>
    %swap3A_262 = vector.shape_cast %broadcast_in_dim3A_256 : vector<1x128xf32> to vector<1x1x128xf32>
    tpu.vector_store %arg6[%swap3A_257, %swap3A_258, %swap3A_259], %swap3A_262 {strides = array<i32>} : memref<47x1x128xf32, #tpu.memory_space<vmem>>, vector<1x1x128xf32>,
    %broadcast_in_dim3A_263 = arith.constant 1.000000e+00 : f32
    %broadcast_in_dim3A_264 = vector.broadcast %broadcast_in_dim3A_263 : f32 to vector<1x128xf32>
    %swap3A_265 = arith.constant 31 : index
    %swap3A_266 = arith.constant 0 : index
    %swap3A_267 = arith.constant 0 : index
    %swap3A_268 = vector.load %arg6[%swap3A_265, %swap3A_266, %swap3A_267] : memref<47x1x128xf32, #tpu.memory_space<vmem>>, vector<1x1x128xf32>
    %swap3A_269 = vector.shape_cast %swap3A_268 : vector<1x1x128xf32> to vector<1x128xf32>
    %swap3A_270 = vector.shape_cast %broadcast_in_dim3A_264 : vector<1x128xf32> to vector<1x1x128xf32>
    tpu.vector_store %arg6[%swap3A_265, %swap3A_266, %swap3A_267], %swap3A_270 {strides = array<i32>} : memref<47x1x128xf32, #tpu.memory_space<vmem>>, vector<1x1x128xf32>,
    %broadcast_in_dim3A_271 = arith.constant 1.000000e+00 : f32
    %broadcast_in_dim3A_272 = vector.broadcast %broadcast_in_dim3A_271 : f32 to vector<1x128xf32>
    %swap3A_273 = arith.constant 32 : index
    %swap3A_274 = arith.constant 0 : index
    %swap3A_275 = arith.constant 0 : index
    %swap3A_276 = vector.load %arg6[%swap3A_273, %swap3A_274, %swap3A_275] : memref<47x1x128xf32, #tpu.memory_space<vmem>>, vector<1x1x128xf32>
    %swap3A_277 = vector.shape_cast %swap3A_276 : vector<1x1x128xf32> to vector<1x128xf32>
    %swap3A_278 = vector.shape_cast %broadcast_in_dim3A_272 : vector<1x128xf32> to vector<1x1x128xf32>
    tpu.vector_store %arg6[%swap3A_273, %swap3A_274, %swap3A_275], %swap3A_278 {strides = array<i32>} : memref<47x1x128xf32, #tpu.memory_space<vmem>>, vector<1x1x128xf32>,
    %broadcast_in_dim3A_279 = arith.constant 1.000000e+00 : f32
    %broadcast_in_dim3A_280 = vector.broadcast %broadcast_in_dim3A_279 : f32 to vector<1x128xf32>
    %swap3A_281 = arith.constant 33 : index
    %swap3A_282 = arith.constant 0 : index
    %swap3A_283 = arith.constant 0 : index
    %swap3A_284 = vector.load %arg6[%swap3A_281, %swap3A_282, %swap3A_283] : memref<47x1x128xf32, #tpu.memory_space<vmem>>, vector<1x1x128xf32>
    %swap3A_285 = vector.shape_cast %swap3A_284 : vector<1x1x128xf32> to vector<1x128xf32>
    %swap3A_286 = vector.shape_cast %broadcast_in_dim3A_280 : vector<1x128xf32> to vector<1x1x128xf32>
    tpu.vector_store %arg6[%swap3A_281, %swap3A_282, %swap3A_283], %swap3A_286 {strides = array<i32>} : memref<47x1x128xf32, #tpu.memory_space<vmem>>, vector<1x1x128xf32>,
    %broadcast_in_dim3A_287 = arith.constant 1.000000e+00 : f32
    %broadcast_in_dim3A_288 = vector.broadcast %broadcast_in_dim3A_287 : f32 to vector<1x128xf32>
    %swap3A_289 = arith.constant 34 : index
    %swap3A_290 = arith.constant 0 : index
    %swap3A_291 = arith.constant 0 : index
    %swap3A_292 = vector.load %arg6[%swap3A_289, %swap3A_290, %swap3A_291] : memref<47x1x128xf32, #tpu.memory_space<vmem>>, vector<1x1x128xf32>
    %swap3A_293 = vector.shape_cast %swap3A_292 : vector<1x1x128xf32> to vector<1x128xf32>
    %swap3A_294 = vector.shape_cast %broadcast_in_dim3A_288 : vector<1x128xf32> to vector<1x1x128xf32>
    tpu.vector_store %arg6[%swap3A_289, %swap3A_290, %swap3A_291], %swap3A_294 {strides = array<i32>} : memref<47x1x128xf32, #tpu.memory_space<vmem>>, vector<1x1x128xf32>,
    %broadcast_in_dim3A_295 = arith.constant 1.000000e+00 : f32
    %broadcast_in_dim3A_296 = vector.broadcast %broadcast_in_dim3A_295 : f32 to vector<1x128xf32>
    %swap3A_297 = arith.constant 35 : index
    %swap3A_298 = arith.constant 0 : index
    %swap3A_299 = arith.constant 0 : index
    %swap3A_300 = vector.load %arg6[%swap3A_297, %swap3A_298, %swap3A_299] : memref<47x1x128xf32, #tpu.memory_space<vmem>>, vector<1x1x128xf32>
    %swap3A_301 = vector.shape_cast %swap3A_300 : vector<1x1x128xf32> to vector<1x128xf32>
    %swap3A_302 = vector.shape_cast %broadcast_in_dim3A_296 : vector<1x128xf32> to vector<1x1x128xf32>
    tpu.vector_store %arg6[%swap3A_297, %swap3A_298, %swap3A_299], %swap3A_302 {strides = array<i32>} : memref<47x1x128xf32, #tpu.memory_space<vmem>>, vector<1x1x128xf32>,
    %broadcast_in_dim3A_303 = arith.constant 1.000000e+00 : f32
    %broadcast_in_dim3A_304 = vector.broadcast %broadcast_in_dim3A_303 : f32 to vector<1x128xf32>
    %swap3A_305 = arith.constant 36 : index
    %swap3A_306 = arith.constant 0 : index
    %swap3A_307 = arith.constant 0 : index
    %swap3A_308 = vector.load %arg6[%swap3A_305, %swap3A_306, %swap3A_307] : memref<47x1x128xf32, #tpu.memory_space<vmem>>, vector<1x1x128xf32>
    %swap3A_309 = vector.shape_cast %swap3A_308 : vector<1x1x128xf32> to vector<1x128xf32>
    %swap3A_310 = vector.shape_cast %broadcast_in_dim3A_304 : vector<1x128xf32> to vector<1x1x128xf32>
    tpu.vector_store %arg6[%swap3A_305, %swap3A_306, %swap3A_307], %swap3A_310 {strides = array<i32>} : memref<47x1x128xf32, #tpu.memory_space<vmem>>, vector<1x1x128xf32>,
    %broadcast_in_dim3A_311 = arith.constant 1.000000e+00 : f32
    %broadcast_in_dim3A_312 = vector.broadcast %broadcast_in_dim3A_311 : f32 to vector<1x128xf32>
    %swap3A_313 = arith.constant 37 : index
    %swap3A_314 = arith.constant 0 : index
    %swap3A_315 = arith.constant 0 : index
    %swap3A_316 = vector.load %arg6[%swap3A_313, %swap3A_314, %swap3A_315] : memref<47x1x128xf32, #tpu.memory_space<vmem>>, vector<1x1x128xf32>
    %swap3A_317 = vector.shape_cast %swap3A_316 : vector<1x1x128xf32> to vector<1x128xf32>
    %swap3A_318 = vector.shape_cast %broadcast_in_dim3A_312 : vector<1x128xf32> to vector<1x1x128xf32>
    tpu.vector_store %arg6[%swap3A_313, %swap3A_314, %swap3A_315], %swap3A_318 {strides = array<i32>} : memref<47x1x128xf32, #tpu.memory_space<vmem>>, vector<1x1x128xf32>,
    %broadcast_in_dim3A_319 = arith.constant 1.000000e+00 : f32
    %broadcast_in_dim3A_320 = vector.broadcast %broadcast_in_dim3A_319 : f32 to vector<1x128xf32>
    %swap3A_321 = arith.constant 38 : index
    %swap3A_322 = arith.constant 0 : index
    %swap3A_323 = arith.constant 0 : index
    %swap3A_324 = vector.load %arg6[%swap3A_321, %swap3A_322, %swap3A_323] : memref<47x1x128xf32, #tpu.memory_space<vmem>>, vector<1x1x128xf32>
    %swap3A_325 = vector.shape_cast %swap3A_324 : vector<1x1x128xf32> to vector<1x128xf32>
    %swap3A_326 = vector.shape_cast %broadcast_in_dim3A_320 : vector<1x128xf32> to vector<1x1x128xf32>
    tpu.vector_store %arg6[%swap3A_321, %swap3A_322, %swap3A_323], %swap3A_326 {strides = array<i32>} : memref<47x1x128xf32, #tpu.memory_space<vmem>>, vector<1x1x128xf32>,
    %broadcast_in_dim3A_327 = arith.constant 1.000000e+00 : f32
    %broadcast_in_dim3A_328 = vector.broadcast %broadcast_in_dim3A_327 : f32 to vector<1x128xf32>
    %swap3A_329 = arith.constant 39 : index
    %swap3A_330 = arith.constant 0 : index
    %swap3A_331 = arith.constant 0 : index
    %swap3A_332 = vector.load %arg6[%swap3A_329, %swap3A_330, %swap3A_331] : memref<47x1x128xf32, #tpu.memory_space<vmem>>, vector<1x1x128xf32>
    %swap3A_333 = vector.shape_cast %swap3A_332 : vector<1x1x128xf32> to vector<1x128xf32>
    %swap3A_334 = vector.shape_cast %broadcast_in_dim3A_328 : vector<1x128xf32> to vector<1x1x128xf32>
    tpu.vector_store %arg6[%swap3A_329, %swap3A_330, %swap3A_331], %swap3A_334 {strides = array<i32>} : memref<47x1x128xf32, #tpu.memory_space<vmem>>, vector<1x1x128xf32>,
    %broadcast_in_dim3A_335 = arith.constant 1.000000e+00 : f32
    %broadcast_in_dim3A_336 = vector.broadcast %broadcast_in_dim3A_335 : f32 to vector<1x128xf32>
    %swap3A_337 = arith.constant 40 : index
    %swap3A_338 = arith.constant 0 : index
    %swap3A_339 = arith.constant 0 : index
    %swap3A_340 = vector.load %arg6[%swap3A_337, %swap3A_338, %swap3A_339] : memref<47x1x128xf32, #tpu.memory_space<vmem>>, vector<1x1x128xf32>
    %swap3A_341 = vector.shape_cast %swap3A_340 : vector<1x1x128xf32> to vector<1x128xf32>
    %swap3A_342 = vector.shape_cast %broadcast_in_dim3A_336 : vector<1x128xf32> to vector<1x1x128xf32>
    tpu.vector_store %arg6[%swap3A_337, %swap3A_338, %swap3A_339], %swap3A_342 {strides = array<i32>} : memref<47x1x128xf32, #tpu.memory_space<vmem>>, vector<1x1x128xf32>,
    %broadcast_in_dim3A_343 = arith.constant 1.000000e+00 : f32
    %broadcast_in_dim3A_344 = vector.broadcast %broadcast_in_dim3A_343 : f32 to vector<1x128xf32>
    %swap3A_345 = arith.constant 41 : index
    %swap3A_346 = arith.constant 0 : index
    %swap3A_347 = arith.constant 0 : index
    %swap3A_348 = vector.load %arg6[%swap3A_345, %swap3A_346, %swap3A_347] : memref<47x1x128xf32, #tpu.memory_space<vmem>>, vector<1x1x128xf32>
    %swap3A_349 = vector.shape_cast %swap3A_348 : vector<1x1x128xf32> to vector<1x128xf32>
    %swap3A_350 = vector.shape_cast %broadcast_in_dim3A_344 : vector<1x128xf32> to vector<1x1x128xf32>
    tpu.vector_store %arg6[%swap3A_345, %swap3A_346, %swap3A_347], %swap3A_350 {strides = array<i32>} : memref<47x1x128xf32, #tpu.memory_space<vmem>>, vector<1x1x128xf32>,
    %broadcast_in_dim3A_351 = arith.constant 1.000000e+00 : f32
    %broadcast_in_dim3A_352 = vector.broadcast %broadcast_in_dim3A_351 : f32 to vector<1x128xf32>
    %swap3A_353 = arith.constant 42 : index
    %swap3A_354 = arith.constant 0 : index
    %swap3A_355 = arith.constant 0 : index
    %swap3A_356 = vector.load %arg6[%swap3A_353, %swap3A_354, %swap3A_355] : memref<47x1x128xf32, #tpu.memory_space<vmem>>, vector<1x1x128xf32>
    %swap3A_357 = vector.shape_cast %swap3A_356 : vector<1x1x128xf32> to vector<1x128xf32>
    %swap3A_358 = vector.shape_cast %broadcast_in_dim3A_352 : vector<1x128xf32> to vector<1x1x128xf32>
    tpu.vector_store %arg6[%swap3A_353, %swap3A_354, %swap3A_355], %swap3A_358 {strides = array<i32>} : memref<47x1x128xf32, #tpu.memory_space<vmem>>, vector<1x1x128xf32>,
    %broadcast_in_dim3A_359 = arith.constant 1.000000e+00 : f32
    %broadcast_in_dim3A_360 = vector.broadcast %broadcast_in_dim3A_359 : f32 to vector<1x128xf32>
    %swap3A_361 = arith.constant 43 : index
    %swap3A_362 = arith.constant 0 : index
    %swap3A_363 = arith.constant 0 : index
    %swap3A_364 = vector.load %arg6[%swap3A_361, %swap3A_362, %swap3A_363] : memref<47x1x128xf32, #tpu.memory_space<vmem>>, vector<1x1x128xf32>
    %swap3A_365 = vector.shape_cast %swap3A_364 : vector<1x1x128xf32> to vector<1x128xf32>
    %swap3A_366 = vector.shape_cast %broadcast_in_dim3A_360 : vector<1x128xf32> to vector<1x1x128xf32>
    tpu.vector_store %arg6[%swap3A_361, %swap3A_362, %swap3A_363], %swap3A_366 {strides = array<i32>} : memref<47x1x128xf32, #tpu.memory_space<vmem>>, vector<1x1x128xf32>,
    %broadcast_in_dim3A_367 = arith.constant 1.000000e+00 : f32
    %broadcast_in_dim3A_368 = vector.broadcast %broadcast_in_dim3A_367 : f32 to vector<1x128xf32>
    %swap3A_369 = arith.constant 44 : index
    %swap3A_370 = arith.constant 0 : index
    %swap3A_371 = arith.constant 0 : index
    %swap3A_372 = vector.load %arg6[%swap3A_369, %swap3A_370, %swap3A_371] : memref<47x1x128xf32, #tpu.memory_space<vmem>>, vector<1x1x128xf32>
    %swap3A_373 = vector.shape_cast %swap3A_372 : vector<1x1x128xf32> to vector<1x128xf32>
    %swap3A_374 = vector.shape_cast %broadcast_in_dim3A_368 : vector<1x128xf32> to vector<1x1x128xf32>
    tpu.vector_store %arg6[%swap3A_369, %swap3A_370, %swap3A_371], %swap3A_374 {strides = array<i32>} : memref<47x1x128xf32, #tpu.memory_space<vmem>>, vector<1x1x128xf32>,
    %broadcast_in_dim3A_375 = arith.constant 1.000000e+00 : f32
    %broadcast_in_dim3A_376 = vector.broadcast %broadcast_in_dim3A_375 : f32 to vector<1x128xf32>
    %swap3A_377 = arith.constant 45 : index
    %swap3A_378 = arith.constant 0 : index
    %swap3A_379 = arith.constant 0 : index
    %swap3A_380 = vector.load %arg6[%swap3A_377, %swap3A_378, %swap3A_379] : memref<47x1x128xf32, #tpu.memory_space<vmem>>, vector<1x1x128xf32>
    %swap3A_381 = vector.shape_cast %swap3A_380 : vector<1x1x128xf32> to vector<1x128xf32>
    %swap3A_382 = vector.shape_cast %broadcast_in_dim3A_376 : vector<1x128xf32> to vector<1x1x128xf32>
    tpu.vector_store %arg6[%swap3A_377, %swap3A_378, %swap3A_379], %swap3A_382 {strides = array<i32>} : memref<47x1x128xf32, #tpu.memory_space<vmem>>, vector<1x1x128xf32>,
    %broadcast_in_dim3A_383 = arith.constant 1.000000e+00 : f32
    %broadcast_in_dim3A_384 = vector.broadcast %broadcast_in_dim3A_383 : f32 to vector<1x128xf32>
    %swap3A_385 = arith.constant 46 : index
    %swap3A_386 = arith.constant 0 : index
    %swap3A_387 = arith.constant 0 : index
    %swap3A_388 = vector.load %arg6[%swap3A_385, %swap3A_386, %swap3A_387] : memref<47x1x128xf32, #tpu.memory_space<vmem>>, vector<1x1x128xf32>
    %swap3A_389 = vector.shape_cast %swap3A_388 : vector<1x1x128xf32> to vector<1x128xf32>
    %swap3A_390 = vector.shape_cast %broadcast_in_dim3A_384 : vector<1x128xf32> to vector<1x1x128xf32>
    tpu.vector_store %arg6[%swap3A_385, %swap3A_386, %swap3A_387], %swap3A_390 {strides = array<i32>} : memref<47x1x128xf32, #tpu.memory_space<vmem>>, vector<1x1x128xf32>,
    %scan3A = arith.constant 0 : i32
    %scan3A_391 = arith.constant 47 : i32
    %scan3A_392 = arith.addi %scan3A, %scan3A_391 : i32
    %scan3A_393 = arith.constant 1 : i32
    scf.for %scan3A_1212 = %scan3A to %scan3A_392 step %scan3A_393  : i32 {
      %mul3A_1213 = arith.constant 128 : i32
      %mul3A_1214 = arith.muli %scan3A_1212, %mul3A_1213 : i32
      %get3A_1215 = arith.index_cast %scan3A_1212 : i32 to index
      %get3A_1216 = arith.constant 0 : index
      %get3A_1217 = arith.constant 0 : index
      %get3A_1218 = vector.load %arg1[%get3A_1215, %get3A_1216, %get3A_1217] : memref<47x128x4xf32, #tpu.memory_space<vmem>>, vector<1x128x4xf32>
      %get3A_1219 = vector.shape_cast %get3A_1218 : vector<1x128x4xf32> to vector<128x4xf32>
      %slice3A_1220 = vector.extract_strided_slice %get3A_1219 {offsets = [0, 0], sizes = [128, 1], strides = [1, 1]} : vector<128x4xf32> to vector<128x1xf32>
      %slice3A_1221 = vector.extract_strided_slice %get3A_1219 {offsets = [0, 1], sizes = [128, 1], strides = [1, 1]} : vector<128x4xf32> to vector<128x1xf32>
      %slice3A_1222 = vector.extract_strided_slice %get3A_1219 {offsets = [0, 2], sizes = [128, 1], strides = [1, 1]} : vector<128x4xf32> to vector<128x1xf32>
      %slice3A_1223 = vector.extract_strided_slice %get3A_1219 {offsets = [0, 3], sizes = [128, 1], strides = [1, 1]} : vector<128x4xf32> to vector<128x1xf32>
      %sub3A_1224 = arith.subf %slice3A_1222, %slice3A_1220 : vector<128x1xf32>
      %max3A_1225 = arith.constant 0.000000e+00 : f32
      %max3A_1226 = vector.broadcast %max3A_1225 : f32 to vector<128x1xf32>
      %max3A_1227 = arith.maximumf %sub3A_1224, %max3A_1226 : vector<128x1xf32>
      %sub3A_1228 = arith.subf %slice3A_1223, %slice3A_1221 : vector<128x1xf32>
      %max3A_1229 = arith.constant 0.000000e+00 : f32
      %max3A_1230 = vector.broadcast %max3A_1229 : f32 to vector<128x1xf32>
      %max3A_1231 = arith.maximumf %sub3A_1228, %max3A_1230 : vector<128x1xf32>
      %mul3A_1232 = arith.mulf %max3A_1227, %max3A_1231 : vector<128x1xf32>
      %get3A_1233 = arith.index_cast %scan3A_1212 : i32 to index
      %get3A_1234 = arith.constant 0 : index
      %get3A_1235 = arith.constant 0 : index
      %get3A_1236 = vector.load %arg2[%get3A_1233, %get3A_1234, %get3A_1235] : memref<47x4x128xf32, #tpu.memory_space<vmem>>, vector<1x4x128xf32>
      %get3A_1237 = vector.shape_cast %get3A_1236 : vector<1x4x128xf32> to vector<4x128xf32>
      %slice3A_1238 = vector.extract_strided_slice %get3A_1237 {offsets = [0, 0], sizes = [1, 128], strides = [1, 1]} : vector<4x128xf32> to vector<1x128xf32>
      %slice3A_1239 = vector.extract_strided_slice %get3A_1237 {offsets = [1, 0], sizes = [1, 128], strides = [1, 1]} : vector<4x128xf32> to vector<1x128xf32>
      %slice3A_1240 = vector.extract_strided_slice %get3A_1237 {offsets = [2, 0], sizes = [1, 128], strides = [1, 1]} : vector<4x128xf32> to vector<1x128xf32>
      %slice3A_1241 = vector.extract_strided_slice %get3A_1237 {offsets = [3, 0], sizes = [1, 128], strides = [1, 1]} : vector<4x128xf32> to vector<1x128xf32>
      %sub3A_1242 = arith.subf %slice3A_1240, %slice3A_1238 : vector<1x128xf32>
      %max3A_1243 = arith.constant 0.000000e+00 : f32
      %max3A_1244 = vector.broadcast %max3A_1243 : f32 to vector<1x128xf32>
      %max3A_1245 = arith.maximumf %sub3A_1242, %max3A_1244 : vector<1x128xf32>
      %sub3A_1246 = arith.subf %slice3A_1241, %slice3A_1239 : vector<1x128xf32>
      %max3A_1247 = arith.constant 0.000000e+00 : f32
      %max3A_1248 = vector.broadcast %max3A_1247 : f32 to vector<1x128xf32>
      %max3A_1249 = arith.maximumf %sub3A_1246, %max3A_1248 : vector<1x128xf32>
      %mul3A_1250 = arith.mulf %max3A_1245, %max3A_1249 : vector<1x128xf32>
      %iota3A_1251 = tpu.iota {dimensions = array<i32: 0>} : vector<128x1xi32>
      %add3A_1252 = vector.broadcast %mul3A_1214 : i32 to vector<128x1xi32>
      %add3A_1253 = arith.addi %add3A_1252, %iota3A_1251 : vector<128x1xi32>
      %max3A_1254 = vector.broadcast %slice3A_1220 : vector<128x1xf32> to vector<128x6016xf32>
      %max3A_1255 = vector.broadcast %get3A_1 : vector<1x6016xf32> to vector<128x6016xf32>
      %max3A_1256 = arith.maximumf %max3A_1254, %max3A_1255 : vector<128x6016xf32>
      %max3A_1257 = vector.broadcast %slice3A_1221 : vector<128x1xf32> to vector<128x6016xf32>
      %max3A_1258 = vector.broadcast %get3A_4 : vector<1x6016xf32> to vector<128x6016xf32>
      %max3A_1259 = arith.maximumf %max3A_1257, %max3A_1258 : vector<128x6016xf32>
      %min3A = vector.broadcast %slice3A_1222 : vector<128x1xf32> to vector<128x6016xf32>
      %min3A_1260 = vector.broadcast %get3A_7 : vector<1x6016xf32> to vector<128x6016xf32>
      %min3A_1261 = arith.minimumf %min3A, %min3A_1260 : vector<128x6016xf32>
      %min3A_1262 = vector.broadcast %slice3A_1223 : vector<128x1xf32> to vector<128x6016xf32>
      %min3A_1263 = vector.broadcast %get3A_10 : vector<1x6016xf32> to vector<128x6016xf32>
      %min3A_1264 = arith.minimumf %min3A_1262, %min3A_1263 : vector<128x6016xf32>
      %sub3A_1265 = arith.subf %min3A_1261, %max3A_1256 : vector<128x6016xf32>
      %max3A_1266 = arith.constant 0.000000e+00 : f32
      %max3A_1267 = vector.broadcast %max3A_1266 : f32 to vector<128x6016xf32>
      %max3A_1268 = arith.maximumf %sub3A_1265, %max3A_1267 : vector<128x6016xf32>
      %sub3A_1269 = arith.subf %min3A_1264, %max3A_1259 : vector<128x6016xf32>
      %max3A_1270 = arith.constant 0.000000e+00 : f32
      %max3A_1271 = vector.broadcast %max3A_1270 : f32 to vector<128x6016xf32>
      %max3A_1272 = arith.maximumf %sub3A_1269, %max3A_1271 : vector<128x6016xf32>
      %mul3A_1273 = arith.mulf %max3A_1268, %max3A_1272 : vector<128x6016xf32>
      %add3A_1274 = vector.broadcast %mul3A_1232 : vector<128x1xf32> to vector<128x6016xf32>
      %add3A_1275 = vector.broadcast %mul3A : vector<1x6016xf32> to vector<128x6016xf32>
      %add3A_1276 = arith.addf %add3A_1274, %add3A_1275 : vector<128x6016xf32>
      %sub3A_1277 = arith.subf %add3A_1276, %mul3A_1273 : vector<128x6016xf32>
      %add3A_1278 = arith.constant 9.99999971E-10 : f32
      %add3A_1279 = vector.broadcast %add3A_1278 : f32 to vector<128x6016xf32>
      %add3A_1280 = arith.addf %sub3A_1277, %add3A_1279 : vector<128x6016xf32>
      %div3A = arith.divf %mul3A_1273, %add3A_1280 : vector<128x6016xf32>
      %gt3A_1281 = arith.constant 0.699999988 : f32
      %gt3A_1282 = vector.broadcast %gt3A_1281 : f32 to vector<128x6016xf32>
      %gt3A_1283 = arith.cmpf ogt, %div3A, %gt3A_1282 : vector<128x6016xf32>
      %gt3A_1284 = vector.broadcast %iota3A : vector<1x6016xi32> to vector<128x6016xi32>
      %gt3A_1285 = vector.broadcast %add3A_1253 : vector<128x1xi32> to vector<128x6016xi32>
      %gt3A_1286 = arith.cmpi sgt, %gt3A_1284, %gt3A_1285 : vector<128x6016xi32>
      %and3A_1287 = arith.andi %gt3A_1283, %gt3A_1286 : vector<128x6016xi1>
      %convert_element_type3A_1288 = arith.extui %and3A_1287 : vector<128x6016xi1> to vector<128x6016xi32>
      %convert_element_type3A_1289 = arith.sitofp %convert_element_type3A_1288 : vector<128x6016xi32> to vector<128x6016xf32>
      %iota3A_1290 = tpu.iota {dimensions = array<i32: 1>} : vector<1x128xi32>
      %add3A_1291 = vector.broadcast %mul3A_1214 : i32 to vector<1x128xi32>
      %add3A_1292 = arith.addi %add3A_1291, %iota3A_1290 : vector<1x128xi32>
      %max3A_1293 = vector.broadcast %slice3A_1220 : vector<128x1xf32> to vector<128x128xf32>
      %max3A_1294 = vector.broadcast %slice3A_1238 : vector<1x128xf32> to vector<128x128xf32>
      %max3A_1295 = arith.maximumf %max3A_1293, %max3A_1294 : vector<128x128xf32>
      %max3A_1296 = vector.broadcast %slice3A_1221 : vector<128x1xf32> to vector<128x128xf32>
      %max3A_1297 = vector.broadcast %slice3A_1239 : vector<1x128xf32> to vector<128x128xf32>
      %max3A_1298 = arith.maximumf %max3A_1296, %max3A_1297 : vector<128x128xf32>
      %min3A_1299 = vector.broadcast %slice3A_1222 : vector<128x1xf32> to vector<128x128xf32>
      %min3A_1300 = vector.broadcast %slice3A_1240 : vector<1x128xf32> to vector<128x128xf32>
      %min3A_1301 = arith.minimumf %min3A_1299, %min3A_1300 : vector<128x128xf32>
      %min3A_1302 = vector.broadcast %slice3A_1223 : vector<128x1xf32> to vector<128x128xf32>
      %min3A_1303 = vector.broadcast %slice3A_1241 : vector<1x128xf32> to vector<128x128xf32>
      %min3A_1304 = arith.minimumf %min3A_1302, %min3A_1303 : vector<128x128xf32>
      %sub3A_1305 = arith.subf %min3A_1301, %max3A_1295 : vector<128x128xf32>
      %max3A_1306 = arith.constant 0.000000e+00 : f32
      %max3A_1307 = vector.broadcast %max3A_1306 : f32 to vector<128x128xf32>
      %max3A_1308 = arith.maximumf %sub3A_1305, %max3A_1307 : vector<128x128xf32>
      %sub3A_1309 = arith.subf %min3A_1304, %max3A_1298 : vector<128x128xf32>
      %max3A_1310 = arith.constant 0.000000e+00 : f32
      %max3A_1311 = vector.broadcast %max3A_1310 : f32 to vector<128x128xf32>
      %max3A_1312 = arith.maximumf %sub3A_1309, %max3A_1311 : vector<128x128xf32>
      %mul3A_1313 = arith.mulf %max3A_1308, %max3A_1312 : vector<128x128xf32>
      %add3A_1314 = vector.broadcast %mul3A_1232 : vector<128x1xf32> to vector<128x128xf32>
      %add3A_1315 = vector.broadcast %mul3A_1250 : vector<1x128xf32> to vector<128x128xf32>
      %add3A_1316 = arith.addf %add3A_1314, %add3A_1315 : vector<128x128xf32>
      %sub3A_1317 = arith.subf %add3A_1316, %mul3A_1313 : vector<128x128xf32>
      %add3A_1318 = arith.constant 9.99999971E-10 : f32
      %add3A_1319 = vector.broadcast %add3A_1318 : f32 to vector<128x128xf32>
      %add3A_1320 = arith.addf %sub3A_1317, %add3A_1319 : vector<128x128xf32>
      %div3A_1321 = arith.divf %mul3A_1313, %add3A_1320 : vector<128x128xf32>
      %gt3A_1322 = arith.constant 0.699999988 : f32
      %gt3A_1323 = vector.broadcast %gt3A_1322 : f32 to vector<128x128xf32>
      %gt3A_1324 = arith.cmpf ogt, %div3A_1321, %gt3A_1323 : vector<128x128xf32>
      %gt3A_1325 = vector.broadcast %add3A_1292 : vector<1x128xi32> to vector<128x128xi32>
      %gt3A_1326 = vector.broadcast %add3A_1253 : vector<128x1xi32> to vector<128x128xi32>
      %gt3A_1327 = arith.cmpi sgt, %gt3A_1325, %gt3A_1326 : vector<128x128xi32>
      %and3A_1328 = arith.andi %gt3A_1324, %gt3A_1327 : vector<128x128xi1>
      %convert_element_type3A_1329 = arith.extui %and3A_1328 : vector<128x128xi1> to vector<128x128xi32>
      %convert_element_type3A_1330 = arith.sitofp %convert_element_type3A_1329 : vector<128x128xi32> to vector<128x128xf32>
      %get3A_1331 = arith.index_cast %scan3A_1212 : i32 to index
      %get3A_1332 = arith.constant 0 : index
      %get3A_1333 = arith.constant 0 : index
      %get3A_1334 = vector.load %arg6[%get3A_1331, %get3A_1332, %get3A_1333] : memref<47x1x128xf32, #tpu.memory_space<vmem>>, vector<1x1x128xf32>
      %get3A_1335 = vector.shape_cast %get3A_1334 : vector<1x1x128xf32> to vector<1x128xf32>
      %while3A = arith.constant true
      %while3A_1336:2 = scf.while (%while3A_2377 = %get3A_1335, %while3A_2378 = %while3A) : (vector<1x128xf32>, i1) -> (vector<1x128xf32>, i1) {
        scf.condition(%while3A_2378) %while3A_2377, %while3A_2378 : vector<1x128xf32>, i1
      } do {
      ^bb0(%while3A_2377: vector<1x128xf32>, %while3A_2378: i1):
        %dot_general3A_2379 = arith.constant dense<0.000000e+00> : vector<1x128xf32>
        %dot_general3A_2380 = tpu.matmul %while3A_2377, %convert_element_type3A_1330, %dot_general3A_2379 {dimension_numbers = #tpu.dot_dimension_numbers<[1], [0], [0], [1], [0, 0, 1, 1], [], []>, transpose_lhs_hint = false} : vector<1x128xf32>, vector<128x128xf32>, vector<1x128xf32> -> vector<1x128xf32>
        %gt3A_2381 = arith.constant 0.000000e+00 : f32
        %gt3A_2382 = vector.broadcast %gt3A_2381 : f32 to vector<1x128xf32>
        %gt3A_2383 = arith.cmpf ogt, %dot_general3A_2380, %gt3A_2382 : vector<1x128xf32>
        %jit3A_2384 = arith.constant 0.000000e+00 : f32
        %broadcast_in_dim3A_2385 = vector.broadcast %jit3A_2384 : f32 to vector<1x128xf32>
        %select_n3A_2386 = arith.select %gt3A_2383, %broadcast_in_dim3A_2385, %get3A_1335 : vector<1x128xi1>, vector<1x128xf32>
        %ne3A = arith.cmpf one, %select_n3A_2386, %while3A_2377 : vector<1x128xf32>
        %reduce_or3A = arith.constant 1.000000e+00 : f32
        %reduce_or3A_2387 = arith.constant 0.000000e+00 : f32
        %reduce_or3A_2388 = vector.broadcast %reduce_or3A : f32 to vector<1x128xf32>
        %reduce_or3A_2389 = vector.broadcast %reduce_or3A_2387 : f32 to vector<1x128xf32>
        %reduce_or3A_2390 = arith.select %ne3A, %reduce_or3A_2388, %reduce_or3A_2389 : vector<1x128xi1>, vector<1x128xf32>
        %reduce_or3A_2391 = vector.shape_cast %reduce_or3A_2390 : vector<1x128xf32> to vector<1x1x128xf32>
        %reduce_or3A_2392 = arith.constant dense<0xFF800000> : vector<1xf32>
        %reduce_or3A_2393 = vector.multi_reduction <maximumf>, %reduce_or3A_2391, %reduce_or3A_2392 [1, 2] : vector<1x1x128xf32> to vector<1xf32>
        %reduce_or3A_2394 = vector.shape_cast %reduce_or3A_2393 : vector<1xf32> to vector<1x1x1xf32>
        %reduce_or3A_2395 = vector.extract %reduce_or3A_2394[0, 0, 0] : f32 from vector<1x1x1xf32>
        %reduce_or3A_2396 = arith.constant 0.000000e+00 : f32
        %reduce_or3A_2397 = arith.cmpf ogt, %reduce_or3A_2395, %reduce_or3A_2396 : f32
        scf.yield %select_n3A_2386, %reduce_or3A_2397 : vector<1x128xf32>, i1
      }
      %swap3A_1337 = arith.index_cast %scan3A_1212 : i32 to index
      %swap3A_1338 = arith.constant 0 : index
      %swap3A_1339 = arith.constant 0 : index
      %swap3A_1340 = vector.load %arg6[%swap3A_1337, %swap3A_1338, %swap3A_1339] : memref<47x1x128xf32, #tpu.memory_space<vmem>>, vector<1x1x128xf32>
      %swap3A_1341 = vector.shape_cast %swap3A_1340 : vector<1x1x128xf32> to vector<1x128xf32>
      %swap3A_1342 = vector.shape_cast %while3A_1336#0 : vector<1x128xf32> to vector<1x1x128xf32>
      tpu.vector_store %arg6[%swap3A_1337, %swap3A_1338, %swap3A_1339], %swap3A_1342 {strides = array<i32>} : memref<47x1x128xf32, #tpu.memory_space<vmem>>, vector<1x1x128xf32>,
      %dot_general3A_1343 = arith.constant dense<0.000000e+00> : vector<1x6016xf32>
      %dot_general3A_1344 = tpu.matmul %while3A_1336#0, %convert_element_type3A_1289, %dot_general3A_1343 {dimension_numbers = #tpu.dot_dimension_numbers<[1], [0], [0], [1], [0, 0, 1, 1], [], []>, transpose_lhs_hint = false} : vector<1x128xf32>, vector<128x6016xf32>, vector<1x6016xf32> -> vector<1x6016xf32>
      %slice3A_1345 = vector.extract_strided_slice %dot_general3A_1344 {offsets = [0, 0], sizes = [1, 128], strides = [1, 1]} : vector<1x6016xf32> to vector<1x128xf32>
      %gt3A_1346 = arith.constant 0 : i32
      %gt3A_1347 = arith.cmpi sgt, %gt3A_1346, %scan3A_1212 : i32
      %gt3A_1348 = arith.constant 0.000000e+00 : f32
      %gt3A_1349 = vector.broadcast %gt3A_1348 : f32 to vector<1x128xf32>
      %gt3A_1350 = arith.cmpf ogt, %slice3A_1345, %gt3A_1349 : vector<1x128xf32>
      %and3A_1351 = vector.broadcast %gt3A_1347 : i1 to vector<1x128xi1>
      %and3A_1352 = arith.andi %and3A_1351, %gt3A_1350 : vector<1x128xi1>
      %get3A_1353 = arith.constant 0 : index
      %get3A_1354 = arith.constant 0 : index
      %get3A_1355 = arith.constant 0 : index
      %get3A_1356 = vector.load %arg6[%get3A_1353, %get3A_1354, %get3A_1355] : memref<47x1x128xf32, #tpu.memory_space<vmem>>, vector<1x1x128xf32>
      %get3A_1357 = vector.shape_cast %get3A_1356 : vector<1x1x128xf32> to vector<1x128xf32>
      %jit3A = arith.constant 0.000000e+00 : f32
      %broadcast_in_dim3A_1358 = vector.broadcast %jit3A : f32 to vector<1x128xf32>
      %select_n3A = arith.select %and3A_1352, %broadcast_in_dim3A_1358, %get3A_1357 : vector<1x128xi1>, vector<1x128xf32>
      %swap3A_1359 = arith.constant 0 : index
      %swap3A_1360 = arith.constant 0 : index
      %swap3A_1361 = arith.constant 0 : index
      %swap3A_1362 = vector.load %arg6[%swap3A_1359, %swap3A_1360, %swap3A_1361] : memref<47x1x128xf32, #tpu.memory_space<vmem>>, vector<1x1x128xf32>
      %swap3A_1363 = vector.shape_cast %swap3A_1362 : vector<1x1x128xf32> to vector<1x128xf32>
      %swap3A_1364 = vector.shape_cast %select_n3A : vector<1x128xf32> to vector<1x1x128xf32>
      tpu.vector_store %arg6[%swap3A_1359, %swap3A_1360, %swap3A_1361], %swap3A_1364 {strides = array<i32>} : memref<47x1x128xf32, #tpu.memory_space<vmem>>, vector<1x1x128xf32>,
      %slice3A_1365 = vector.extract_strided_slice %dot_general3A_1344 {offsets = [0, 128], sizes = [1, 128], strides = [1, 1]} : vector<1x6016xf32> to vector<1x128xf32>
      %gt3A_1366 = arith.constant 1 : i32
      %gt3A_1367 = arith.cmpi sgt, %gt3A_1366, %scan3A_1212 : i32
      %gt3A_1368 = arith.constant 0.000000e+00 : f32
      %gt3A_1369 = vector.broadcast %gt3A_1368 : f32 to vector<1x128xf32>
      %gt3A_1370 = arith.cmpf ogt, %slice3A_1365, %gt3A_1369 : vector<1x128xf32>
      %and3A_1371 = vector.broadcast %gt3A_1367 : i1 to vector<1x128xi1>
      %and3A_1372 = arith.andi %and3A_1371, %gt3A_1370 : vector<1x128xi1>
      %get3A_1373 = arith.constant 1 : index
      %get3A_1374 = arith.constant 0 : index
      %get3A_1375 = arith.constant 0 : index
      %get3A_1376 = vector.load %arg6[%get3A_1373, %get3A_1374, %get3A_1375] : memref<47x1x128xf32, #tpu.memory_space<vmem>>, vector<1x1x128xf32>
      %get3A_1377 = vector.shape_cast %get3A_1376 : vector<1x1x128xf32> to vector<1x128xf32>
      %jit3A_1378 = arith.constant 0.000000e+00 : f32
      %broadcast_in_dim3A_1379 = vector.broadcast %jit3A_1378 : f32 to vector<1x128xf32>
      %select_n3A_1380 = arith.select %and3A_1372, %broadcast_in_dim3A_1379, %get3A_1377 : vector<1x128xi1>, vector<1x128xf32>
      %swap3A_1381 = arith.constant 1 : index
      %swap3A_1382 = arith.constant 0 : index
      %swap3A_1383 = arith.constant 0 : index
      %swap3A_1384 = vector.load %arg6[%swap3A_1381, %swap3A_1382, %swap3A_1383] : memref<47x1x128xf32, #tpu.memory_space<vmem>>, vector<1x1x128xf32>
      %swap3A_1385 = vector.shape_cast %swap3A_1384 : vector<1x1x128xf32> to vector<1x128xf32>
      %swap3A_1386 = vector.shape_cast %select_n3A_1380 : vector<1x128xf32> to vector<1x1x128xf32>
      tpu.vector_store %arg6[%swap3A_1381, %swap3A_1382, %swap3A_1383], %swap3A_1386 {strides = array<i32>} : memref<47x1x128xf32, #tpu.memory_space<vmem>>, vector<1x1x128xf32>,
      %slice3A_1387 = vector.extract_strided_slice %dot_general3A_1344 {offsets = [0, 256], sizes = [1, 128], strides = [1, 1]} : vector<1x6016xf32> to vector<1x128xf32>
      %gt3A_1388 = arith.constant 2 : i32
      %gt3A_1389 = arith.cmpi sgt, %gt3A_1388, %scan3A_1212 : i32
      %gt3A_1390 = arith.constant 0.000000e+00 : f32
      %gt3A_1391 = vector.broadcast %gt3A_1390 : f32 to vector<1x128xf32>
      %gt3A_1392 = arith.cmpf ogt, %slice3A_1387, %gt3A_1391 : vector<1x128xf32>
      %and3A_1393 = vector.broadcast %gt3A_1389 : i1 to vector<1x128xi1>
      %and3A_1394 = arith.andi %and3A_1393, %gt3A_1392 : vector<1x128xi1>
      %get3A_1395 = arith.constant 2 : index
      %get3A_1396 = arith.constant 0 : index
      %get3A_1397 = arith.constant 0 : index
      %get3A_1398 = vector.load %arg6[%get3A_1395, %get3A_1396, %get3A_1397] : memref<47x1x128xf32, #tpu.memory_space<vmem>>, vector<1x1x128xf32>
      %get3A_1399 = vector.shape_cast %get3A_1398 : vector<1x1x128xf32> to vector<1x128xf32>
      %jit3A_1400 = arith.constant 0.000000e+00 : f32
      %broadcast_in_dim3A_1401 = vector.broadcast %jit3A_1400 : f32 to vector<1x128xf32>
      %select_n3A_1402 = arith.select %and3A_1394, %broadcast_in_dim3A_1401, %get3A_1399 : vector<1x128xi1>, vector<1x128xf32>
      %swap3A_1403 = arith.constant 2 : index
      %swap3A_1404 = arith.constant 0 : index
      %swap3A_1405 = arith.constant 0 : index
      %swap3A_1406 = vector.load %arg6[%swap3A_1403, %swap3A_1404, %swap3A_1405] : memref<47x1x128xf32, #tpu.memory_space<vmem>>, vector<1x1x128xf32>
      %swap3A_1407 = vector.shape_cast %swap3A_1406 : vector<1x1x128xf32> to vector<1x128xf32>
      %swap3A_1408 = vector.shape_cast %select_n3A_1402 : vector<1x128xf32> to vector<1x1x128xf32>
      tpu.vector_store %arg6[%swap3A_1403, %swap3A_1404, %swap3A_1405], %swap3A_1408 {strides = array<i32>} : memref<47x1x128xf32, #tpu.memory_space<vmem>>, vector<1x1x128xf32>,
      %slice3A_1409 = vector.extract_strided_slice %dot_general3A_1344 {offsets = [0, 384], sizes = [1, 128], strides = [1, 1]} : vector<1x6016xf32> to vector<1x128xf32>
      %gt3A_1410 = arith.constant 3 : i32
      %gt3A_1411 = arith.cmpi sgt, %gt3A_1410, %scan3A_1212 : i32
      %gt3A_1412 = arith.constant 0.000000e+00 : f32
      %gt3A_1413 = vector.broadcast %gt3A_1412 : f32 to vector<1x128xf32>
      %gt3A_1414 = arith.cmpf ogt, %slice3A_1409, %gt3A_1413 : vector<1x128xf32>
      %and3A_1415 = vector.broadcast %gt3A_1411 : i1 to vector<1x128xi1>
      %and3A_1416 = arith.andi %and3A_1415, %gt3A_1414 : vector<1x128xi1>
      %get3A_1417 = arith.constant 3 : index
      %get3A_1418 = arith.constant 0 : index
      %get3A_1419 = arith.constant 0 : index
      %get3A_1420 = vector.load %arg6[%get3A_1417, %get3A_1418, %get3A_1419] : memref<47x1x128xf32, #tpu.memory_space<vmem>>, vector<1x1x128xf32>
      %get3A_1421 = vector.shape_cast %get3A_1420 : vector<1x1x128xf32> to vector<1x128xf32>
      %jit3A_1422 = arith.constant 0.000000e+00 : f32
      %broadcast_in_dim3A_1423 = vector.broadcast %jit3A_1422 : f32 to vector<1x128xf32>
      %select_n3A_1424 = arith.select %and3A_1416, %broadcast_in_dim3A_1423, %get3A_1421 : vector<1x128xi1>, vector<1x128xf32>
      %swap3A_1425 = arith.constant 3 : index
      %swap3A_1426 = arith.constant 0 : index
      %swap3A_1427 = arith.constant 0 : index
      %swap3A_1428 = vector.load %arg6[%swap3A_1425, %swap3A_1426, %swap3A_1427] : memref<47x1x128xf32, #tpu.memory_space<vmem>>, vector<1x1x128xf32>
      %swap3A_1429 = vector.shape_cast %swap3A_1428 : vector<1x1x128xf32> to vector<1x128xf32>
      %swap3A_1430 = vector.shape_cast %select_n3A_1424 : vector<1x128xf32> to vector<1x1x128xf32>
      tpu.vector_store %arg6[%swap3A_1425, %swap3A_1426, %swap3A_1427], %swap3A_1430 {strides = array<i32>} : memref<47x1x128xf32, #tpu.memory_space<vmem>>, vector<1x1x128xf32>,
      %slice3A_1431 = vector.extract_strided_slice %dot_general3A_1344 {offsets = [0, 512], sizes = [1, 128], strides = [1, 1]} : vector<1x6016xf32> to vector<1x128xf32>
      %gt3A_1432 = arith.constant 4 : i32
      %gt3A_1433 = arith.cmpi sgt, %gt3A_1432, %scan3A_1212 : i32
      %gt3A_1434 = arith.constant 0.000000e+00 : f32
      %gt3A_1435 = vector.broadcast %gt3A_1434 : f32 to vector<1x128xf32>
      %gt3A_1436 = arith.cmpf ogt, %slice3A_1431, %gt3A_1435 : vector<1x128xf32>
      %and3A_1437 = vector.broadcast %gt3A_1433 : i1 to vector<1x128xi1>
      %and3A_1438 = arith.andi %and3A_1437, %gt3A_1436 : vector<1x128xi1>
      %get3A_1439 = arith.constant 4 : index
      %get3A_1440 = arith.constant 0 : index
      %get3A_1441 = arith.constant 0 : index
      %get3A_1442 = vector.load %arg6[%get3A_1439, %get3A_1440, %get3A_1441] : memref<47x1x128xf32, #tpu.memory_space<vmem>>, vector<1x1x128xf32>
      %get3A_1443 = vector.shape_cast %get3A_1442 : vector<1x1x128xf32> to vector<1x128xf32>
      %jit3A_1444 = arith.constant 0.000000e+00 : f32
      %broadcast_in_dim3A_1445 = vector.broadcast %jit3A_1444 : f32 to vector<1x128xf32>
      %select_n3A_1446 = arith.select %and3A_1438, %broadcast_in_dim3A_1445, %get3A_1443 : vector<1x128xi1>, vector<1x128xf32>
      %swap3A_1447 = arith.constant 4 : index
      %swap3A_1448 = arith.constant 0 : index
      %swap3A_1449 = arith.constant 0 : index
      %swap3A_1450 = vector.load %arg6[%swap3A_1447, %swap3A_1448, %swap3A_1449] : memref<47x1x128xf32, #tpu.memory_space<vmem>>, vector<1x1x128xf32>
      %swap3A_1451 = vector.shape_cast %swap3A_1450 : vector<1x1x128xf32> to vector<1x128xf32>
      %swap3A_1452 = vector.shape_cast %select_n3A_1446 : vector<1x128xf32> to vector<1x1x128xf32>
      tpu.vector_store %arg6[%swap3A_1447, %swap3A_1448, %swap3A_1449], %swap3A_1452 {strides = array<i32>} : memref<47x1x128xf32, #tpu.memory_space<vmem>>, vector<1x1x128xf32>,
      %slice3A_1453 = vector.extract_strided_slice %dot_general3A_1344 {offsets = [0, 640], sizes = [1, 128], strides = [1, 1]} : vector<1x6016xf32> to vector<1x128xf32>
      %gt3A_1454 = arith.constant 5 : i32
      %gt3A_1455 = arith.cmpi sgt, %gt3A_1454, %scan3A_1212 : i32
      %gt3A_1456 = arith.constant 0.000000e+00 : f32
      %gt3A_1457 = vector.broadcast %gt3A_1456 : f32 to vector<1x128xf32>
      %gt3A_1458 = arith.cmpf ogt, %slice3A_1453, %gt3A_1457 : vector<1x128xf32>
      %and3A_1459 = vector.broadcast %gt3A_1455 : i1 to vector<1x128xi1>
      %and3A_1460 = arith.andi %and3A_1459, %gt3A_1458 : vector<1x128xi1>
      %get3A_1461 = arith.constant 5 : index
      %get3A_1462 = arith.constant 0 : index
      %get3A_1463 = arith.constant 0 : index
      %get3A_1464 = vector.load %arg6[%get3A_1461, %get3A_1462, %get3A_1463] : memref<47x1x128xf32, #tpu.memory_space<vmem>>, vector<1x1x128xf32>
      %get3A_1465 = vector.shape_cast %get3A_1464 : vector<1x1x128xf32> to vector<1x128xf32>
      %jit3A_1466 = arith.constant 0.000000e+00 : f32
      %broadcast_in_dim3A_1467 = vector.broadcast %jit3A_1466 : f32 to vector<1x128xf32>
      %select_n3A_1468 = arith.select %and3A_1460, %broadcast_in_dim3A_1467, %get3A_1465 : vector<1x128xi1>, vector<1x128xf32>
      %swap3A_1469 = arith.constant 5 : index
      %swap3A_1470 = arith.constant 0 : index
      %swap3A_1471 = arith.constant 0 : index
      %swap3A_1472 = vector.load %arg6[%swap3A_1469, %swap3A_1470, %swap3A_1471] : memref<47x1x128xf32, #tpu.memory_space<vmem>>, vector<1x1x128xf32>
      %swap3A_1473 = vector.shape_cast %swap3A_1472 : vector<1x1x128xf32> to vector<1x128xf32>
      %swap3A_1474 = vector.shape_cast %select_n3A_1468 : vector<1x128xf32> to vector<1x1x128xf32>
      tpu.vector_store %arg6[%swap3A_1469, %swap3A_1470, %swap3A_1471], %swap3A_1474 {strides = array<i32>} : memref<47x1x128xf32, #tpu.memory_space<vmem>>, vector<1x1x128xf32>,
      %slice3A_1475 = vector.extract_strided_slice %dot_general3A_1344 {offsets = [0, 768], sizes = [1, 128], strides = [1, 1]} : vector<1x6016xf32> to vector<1x128xf32>
      %gt3A_1476 = arith.constant 6 : i32
      %gt3A_1477 = arith.cmpi sgt, %gt3A_1476, %scan3A_1212 : i32
      %gt3A_1478 = arith.constant 0.000000e+00 : f32
      %gt3A_1479 = vector.broadcast %gt3A_1478 : f32 to vector<1x128xf32>
      %gt3A_1480 = arith.cmpf ogt, %slice3A_1475, %gt3A_1479 : vector<1x128xf32>
      %and3A_1481 = vector.broadcast %gt3A_1477 : i1 to vector<1x128xi1>
      %and3A_1482 = arith.andi %and3A_1481, %gt3A_1480 : vector<1x128xi1>
      %get3A_1483 = arith.constant 6 : index
      %get3A_1484 = arith.constant 0 : index
      %get3A_1485 = arith.constant 0 : index
      %get3A_1486 = vector.load %arg6[%get3A_1483, %get3A_1484, %get3A_1485] : memref<47x1x128xf32, #tpu.memory_space<vmem>>, vector<1x1x128xf32>
      %get3A_1487 = vector.shape_cast %get3A_1486 : vector<1x1x128xf32> to vector<1x128xf32>
      %jit3A_1488 = arith.constant 0.000000e+00 : f32
      %broadcast_in_dim3A_1489 = vector.broadcast %jit3A_1488 : f32 to vector<1x128xf32>
      %select_n3A_1490 = arith.select %and3A_1482, %broadcast_in_dim3A_1489, %get3A_1487 : vector<1x128xi1>, vector<1x128xf32>
      %swap3A_1491 = arith.constant 6 : index
      %swap3A_1492 = arith.constant 0 : index
      %swap3A_1493 = arith.constant 0 : index
      %swap3A_1494 = vector.load %arg6[%swap3A_1491, %swap3A_1492, %swap3A_1493] : memref<47x1x128xf32, #tpu.memory_space<vmem>>, vector<1x1x128xf32>
      %swap3A_1495 = vector.shape_cast %swap3A_1494 : vector<1x1x128xf32> to vector<1x128xf32>
      %swap3A_1496 = vector.shape_cast %select_n3A_1490 : vector<1x128xf32> to vector<1x1x128xf32>
      tpu.vector_store %arg6[%swap3A_1491, %swap3A_1492, %swap3A_1493], %swap3A_1496 {strides = array<i32>} : memref<47x1x128xf32, #tpu.memory_space<vmem>>, vector<1x1x128xf32>,
      %slice3A_1497 = vector.extract_strided_slice %dot_general3A_1344 {offsets = [0, 896], sizes = [1, 128], strides = [1, 1]} : vector<1x6016xf32> to vector<1x128xf32>
      %gt3A_1498 = arith.constant 7 : i32
      %gt3A_1499 = arith.cmpi sgt, %gt3A_1498, %scan3A_1212 : i32
      %gt3A_1500 = arith.constant 0.000000e+00 : f32
      %gt3A_1501 = vector.broadcast %gt3A_1500 : f32 to vector<1x128xf32>
      %gt3A_1502 = arith.cmpf ogt, %slice3A_1497, %gt3A_1501 : vector<1x128xf32>
      %and3A_1503 = vector.broadcast %gt3A_1499 : i1 to vector<1x128xi1>
      %and3A_1504 = arith.andi %and3A_1503, %gt3A_1502 : vector<1x128xi1>
      %get3A_1505 = arith.constant 7 : index
      %get3A_1506 = arith.constant 0 : index
      %get3A_1507 = arith.constant 0 : index
      %get3A_1508 = vector.load %arg6[%get3A_1505, %get3A_1506, %get3A_1507] : memref<47x1x128xf32, #tpu.memory_space<vmem>>, vector<1x1x128xf32>
      %get3A_1509 = vector.shape_cast %get3A_1508 : vector<1x1x128xf32> to vector<1x128xf32>
      %jit3A_1510 = arith.constant 0.000000e+00 : f32
      %broadcast_in_dim3A_1511 = vector.broadcast %jit3A_1510 : f32 to vector<1x128xf32>
      %select_n3A_1512 = arith.select %and3A_1504, %broadcast_in_dim3A_1511, %get3A_1509 : vector<1x128xi1>, vector<1x128xf32>
      %swap3A_1513 = arith.constant 7 : index
      %swap3A_1514 = arith.constant 0 : index
      %swap3A_1515 = arith.constant 0 : index
      %swap3A_1516 = vector.load %arg6[%swap3A_1513, %swap3A_1514, %swap3A_1515] : memref<47x1x128xf32, #tpu.memory_space<vmem>>, vector<1x1x128xf32>
      %swap3A_1517 = vector.shape_cast %swap3A_1516 : vector<1x1x128xf32> to vector<1x128xf32>
      %swap3A_1518 = vector.shape_cast %select_n3A_1512 : vector<1x128xf32> to vector<1x1x128xf32>
      tpu.vector_store %arg6[%swap3A_1513, %swap3A_1514, %swap3A_1515], %swap3A_1518 {strides = array<i32>} : memref<47x1x128xf32, #tpu.memory_space<vmem>>, vector<1x1x128xf32>,
      %slice3A_1519 = vector.extract_strided_slice %dot_general3A_1344 {offsets = [0, 1024], sizes = [1, 128], strides = [1, 1]} : vector<1x6016xf32> to vector<1x128xf32>
      %gt3A_1520 = arith.constant 8 : i32
      %gt3A_1521 = arith.cmpi sgt, %gt3A_1520, %scan3A_1212 : i32
      %gt3A_1522 = arith.constant 0.000000e+00 : f32
      %gt3A_1523 = vector.broadcast %gt3A_1522 : f32 to vector<1x128xf32>
      %gt3A_1524 = arith.cmpf ogt, %slice3A_1519, %gt3A_1523 : vector<1x128xf32>
      %and3A_1525 = vector.broadcast %gt3A_1521 : i1 to vector<1x128xi1>
      %and3A_1526 = arith.andi %and3A_1525, %gt3A_1524 : vector<1x128xi1>
      %get3A_1527 = arith.constant 8 : index
      %get3A_1528 = arith.constant 0 : index
      %get3A_1529 = arith.constant 0 : index
      %get3A_1530 = vector.load %arg6[%get3A_1527, %get3A_1528, %get3A_1529] : memref<47x1x128xf32, #tpu.memory_space<vmem>>, vector<1x1x128xf32>
      %get3A_1531 = vector.shape_cast %get3A_1530 : vector<1x1x128xf32> to vector<1x128xf32>
      %jit3A_1532 = arith.constant 0.000000e+00 : f32
      %broadcast_in_dim3A_1533 = vector.broadcast %jit3A_1532 : f32 to vector<1x128xf32>
      %select_n3A_1534 = arith.select %and3A_1526, %broadcast_in_dim3A_1533, %get3A_1531 : vector<1x128xi1>, vector<1x128xf32>
      %swap3A_1535 = arith.constant 8 : index
      %swap3A_1536 = arith.constant 0 : index
      %swap3A_1537 = arith.constant 0 : index
      %swap3A_1538 = vector.load %arg6[%swap3A_1535, %swap3A_1536, %swap3A_1537] : memref<47x1x128xf32, #tpu.memory_space<vmem>>, vector<1x1x128xf32>
      %swap3A_1539 = vector.shape_cast %swap3A_1538 : vector<1x1x128xf32> to vector<1x128xf32>
      %swap3A_1540 = vector.shape_cast %select_n3A_1534 : vector<1x128xf32> to vector<1x1x128xf32>
      tpu.vector_store %arg6[%swap3A_1535, %swap3A_1536, %swap3A_1537], %swap3A_1540 {strides = array<i32>} : memref<47x1x128xf32, #tpu.memory_space<vmem>>, vector<1x1x128xf32>,
      %slice3A_1541 = vector.extract_strided_slice %dot_general3A_1344 {offsets = [0, 1152], sizes = [1, 128], strides = [1, 1]} : vector<1x6016xf32> to vector<1x128xf32>
      %gt3A_1542 = arith.constant 9 : i32
      %gt3A_1543 = arith.cmpi sgt, %gt3A_1542, %scan3A_1212 : i32
      %gt3A_1544 = arith.constant 0.000000e+00 : f32
      %gt3A_1545 = vector.broadcast %gt3A_1544 : f32 to vector<1x128xf32>
      %gt3A_1546 = arith.cmpf ogt, %slice3A_1541, %gt3A_1545 : vector<1x128xf32>
      %and3A_1547 = vector.broadcast %gt3A_1543 : i1 to vector<1x128xi1>
      %and3A_1548 = arith.andi %and3A_1547, %gt3A_1546 : vector<1x128xi1>
      %get3A_1549 = arith.constant 9 : index
      %get3A_1550 = arith.constant 0 : index
      %get3A_1551 = arith.constant 0 : index
      %get3A_1552 = vector.load %arg6[%get3A_1549, %get3A_1550, %get3A_1551] : memref<47x1x128xf32, #tpu.memory_space<vmem>>, vector<1x1x128xf32>
      %get3A_1553 = vector.shape_cast %get3A_1552 : vector<1x1x128xf32> to vector<1x128xf32>
      %jit3A_1554 = arith.constant 0.000000e+00 : f32
      %broadcast_in_dim3A_1555 = vector.broadcast %jit3A_1554 : f32 to vector<1x128xf32>
      %select_n3A_1556 = arith.select %and3A_1548, %broadcast_in_dim3A_1555, %get3A_1553 : vector<1x128xi1>, vector<1x128xf32>
      %swap3A_1557 = arith.constant 9 : index
      %swap3A_1558 = arith.constant 0 : index
      %swap3A_1559 = arith.constant 0 : index
      %swap3A_1560 = vector.load %arg6[%swap3A_1557, %swap3A_1558, %swap3A_1559] : memref<47x1x128xf32, #tpu.memory_space<vmem>>, vector<1x1x128xf32>
      %swap3A_1561 = vector.shape_cast %swap3A_1560 : vector<1x1x128xf32> to vector<1x128xf32>
      %swap3A_1562 = vector.shape_cast %select_n3A_1556 : vector<1x128xf32> to vector<1x1x128xf32>
      tpu.vector_store %arg6[%swap3A_1557, %swap3A_1558, %swap3A_1559], %swap3A_1562 {strides = array<i32>} : memref<47x1x128xf32, #tpu.memory_space<vmem>>, vector<1x1x128xf32>,
      %slice3A_1563 = vector.extract_strided_slice %dot_general3A_1344 {offsets = [0, 1280], sizes = [1, 128], strides = [1, 1]} : vector<1x6016xf32> to vector<1x128xf32>
      %gt3A_1564 = arith.constant 10 : i32
      %gt3A_1565 = arith.cmpi sgt, %gt3A_1564, %scan3A_1212 : i32
      %gt3A_1566 = arith.constant 0.000000e+00 : f32
      %gt3A_1567 = vector.broadcast %gt3A_1566 : f32 to vector<1x128xf32>
      %gt3A_1568 = arith.cmpf ogt, %slice3A_1563, %gt3A_1567 : vector<1x128xf32>
      %and3A_1569 = vector.broadcast %gt3A_1565 : i1 to vector<1x128xi1>
      %and3A_1570 = arith.andi %and3A_1569, %gt3A_1568 : vector<1x128xi1>
      %get3A_1571 = arith.constant 10 : index
      %get3A_1572 = arith.constant 0 : index
      %get3A_1573 = arith.constant 0 : index
      %get3A_1574 = vector.load %arg6[%get3A_1571, %get3A_1572, %get3A_1573] : memref<47x1x128xf32, #tpu.memory_space<vmem>>, vector<1x1x128xf32>
      %get3A_1575 = vector.shape_cast %get3A_1574 : vector<1x1x128xf32> to vector<1x128xf32>
      %jit3A_1576 = arith.constant 0.000000e+00 : f32
      %broadcast_in_dim3A_1577 = vector.broadcast %jit3A_1576 : f32 to vector<1x128xf32>
      %select_n3A_1578 = arith.select %and3A_1570, %broadcast_in_dim3A_1577, %get3A_1575 : vector<1x128xi1>, vector<1x128xf32>
      %swap3A_1579 = arith.constant 10 : index
      %swap3A_1580 = arith.constant 0 : index
      %swap3A_1581 = arith.constant 0 : index
      %swap3A_1582 = vector.load %arg6[%swap3A_1579, %swap3A_1580, %swap3A_1581] : memref<47x1x128xf32, #tpu.memory_space<vmem>>, vector<1x1x128xf32>
      %swap3A_1583 = vector.shape_cast %swap3A_1582 : vector<1x1x128xf32> to vector<1x128xf32>
      %swap3A_1584 = vector.shape_cast %select_n3A_1578 : vector<1x128xf32> to vector<1x1x128xf32>
      tpu.vector_store %arg6[%swap3A_1579, %swap3A_1580, %swap3A_1581], %swap3A_1584 {strides = array<i32>} : memref<47x1x128xf32, #tpu.memory_space<vmem>>, vector<1x1x128xf32>,
      %slice3A_1585 = vector.extract_strided_slice %dot_general3A_1344 {offsets = [0, 1408], sizes = [1, 128], strides = [1, 1]} : vector<1x6016xf32> to vector<1x128xf32>
      %gt3A_1586 = arith.constant 11 : i32
      %gt3A_1587 = arith.cmpi sgt, %gt3A_1586, %scan3A_1212 : i32
      %gt3A_1588 = arith.constant 0.000000e+00 : f32
      %gt3A_1589 = vector.broadcast %gt3A_1588 : f32 to vector<1x128xf32>
      %gt3A_1590 = arith.cmpf ogt, %slice3A_1585, %gt3A_1589 : vector<1x128xf32>
      %and3A_1591 = vector.broadcast %gt3A_1587 : i1 to vector<1x128xi1>
      %and3A_1592 = arith.andi %and3A_1591, %gt3A_1590 : vector<1x128xi1>
      %get3A_1593 = arith.constant 11 : index
      %get3A_1594 = arith.constant 0 : index
      %get3A_1595 = arith.constant 0 : index
      %get3A_1596 = vector.load %arg6[%get3A_1593, %get3A_1594, %get3A_1595] : memref<47x1x128xf32, #tpu.memory_space<vmem>>, vector<1x1x128xf32>
      %get3A_1597 = vector.shape_cast %get3A_1596 : vector<1x1x128xf32> to vector<1x128xf32>
      %jit3A_1598 = arith.constant 0.000000e+00 : f32
      %broadcast_in_dim3A_1599 = vector.broadcast %jit3A_1598 : f32 to vector<1x128xf32>
      %select_n3A_1600 = arith.select %and3A_1592, %broadcast_in_dim3A_1599, %get3A_1597 : vector<1x128xi1>, vector<1x128xf32>
      %swap3A_1601 = arith.constant 11 : index
      %swap3A_1602 = arith.constant 0 : index
      %swap3A_1603 = arith.constant 0 : index
      %swap3A_1604 = vector.load %arg6[%swap3A_1601, %swap3A_1602, %swap3A_1603] : memref<47x1x128xf32, #tpu.memory_space<vmem>>, vector<1x1x128xf32>
      %swap3A_1605 = vector.shape_cast %swap3A_1604 : vector<1x1x128xf32> to vector<1x128xf32>
      %swap3A_1606 = vector.shape_cast %select_n3A_1600 : vector<1x128xf32> to vector<1x1x128xf32>
      tpu.vector_store %arg6[%swap3A_1601, %swap3A_1602, %swap3A_1603], %swap3A_1606 {strides = array<i32>} : memref<47x1x128xf32, #tpu.memory_space<vmem>>, vector<1x1x128xf32>,
      %slice3A_1607 = vector.extract_strided_slice %dot_general3A_1344 {offsets = [0, 1536], sizes = [1, 128], strides = [1, 1]} : vector<1x6016xf32> to vector<1x128xf32>
      %gt3A_1608 = arith.constant 12 : i32
      %gt3A_1609 = arith.cmpi sgt, %gt3A_1608, %scan3A_1212 : i32
      %gt3A_1610 = arith.constant 0.000000e+00 : f32
      %gt3A_1611 = vector.broadcast %gt3A_1610 : f32 to vector<1x128xf32>
      %gt3A_1612 = arith.cmpf ogt, %slice3A_1607, %gt3A_1611 : vector<1x128xf32>
      %and3A_1613 = vector.broadcast %gt3A_1609 : i1 to vector<1x128xi1>
      %and3A_1614 = arith.andi %and3A_1613, %gt3A_1612 : vector<1x128xi1>
      %get3A_1615 = arith.constant 12 : index
      %get3A_1616 = arith.constant 0 : index
      %get3A_1617 = arith.constant 0 : index
      %get3A_1618 = vector.load %arg6[%get3A_1615, %get3A_1616, %get3A_1617] : memref<47x1x128xf32, #tpu.memory_space<vmem>>, vector<1x1x128xf32>
      %get3A_1619 = vector.shape_cast %get3A_1618 : vector<1x1x128xf32> to vector<1x128xf32>
      %jit3A_1620 = arith.constant 0.000000e+00 : f32
      %broadcast_in_dim3A_1621 = vector.broadcast %jit3A_1620 : f32 to vector<1x128xf32>
      %select_n3A_1622 = arith.select %and3A_1614, %broadcast_in_dim3A_1621, %get3A_1619 : vector<1x128xi1>, vector<1x128xf32>
      %swap3A_1623 = arith.constant 12 : index
      %swap3A_1624 = arith.constant 0 : index
      %swap3A_1625 = arith.constant 0 : index
      %swap3A_1626 = vector.load %arg6[%swap3A_1623, %swap3A_1624, %swap3A_1625] : memref<47x1x128xf32, #tpu.memory_space<vmem>>, vector<1x1x128xf32>
      %swap3A_1627 = vector.shape_cast %swap3A_1626 : vector<1x1x128xf32> to vector<1x128xf32>
      %swap3A_1628 = vector.shape_cast %select_n3A_1622 : vector<1x128xf32> to vector<1x1x128xf32>
      tpu.vector_store %arg6[%swap3A_1623, %swap3A_1624, %swap3A_1625], %swap3A_1628 {strides = array<i32>} : memref<47x1x128xf32, #tpu.memory_space<vmem>>, vector<1x1x128xf32>,
      %slice3A_1629 = vector.extract_strided_slice %dot_general3A_1344 {offsets = [0, 1664], sizes = [1, 128], strides = [1, 1]} : vector<1x6016xf32> to vector<1x128xf32>
      %gt3A_1630 = arith.constant 13 : i32
      %gt3A_1631 = arith.cmpi sgt, %gt3A_1630, %scan3A_1212 : i32
      %gt3A_1632 = arith.constant 0.000000e+00 : f32
      %gt3A_1633 = vector.broadcast %gt3A_1632 : f32 to vector<1x128xf32>
      %gt3A_1634 = arith.cmpf ogt, %slice3A_1629, %gt3A_1633 : vector<1x128xf32>
      %and3A_1635 = vector.broadcast %gt3A_1631 : i1 to vector<1x128xi1>
      %and3A_1636 = arith.andi %and3A_1635, %gt3A_1634 : vector<1x128xi1>
      %get3A_1637 = arith.constant 13 : index
      %get3A_1638 = arith.constant 0 : index
      %get3A_1639 = arith.constant 0 : index
      %get3A_1640 = vector.load %arg6[%get3A_1637, %get3A_1638, %get3A_1639] : memref<47x1x128xf32, #tpu.memory_space<vmem>>, vector<1x1x128xf32>
      %get3A_1641 = vector.shape_cast %get3A_1640 : vector<1x1x128xf32> to vector<1x128xf32>
      %jit3A_1642 = arith.constant 0.000000e+00 : f32
      %broadcast_in_dim3A_1643 = vector.broadcast %jit3A_1642 : f32 to vector<1x128xf32>
      %select_n3A_1644 = arith.select %and3A_1636, %broadcast_in_dim3A_1643, %get3A_1641 : vector<1x128xi1>, vector<1x128xf32>
      %swap3A_1645 = arith.constant 13 : index
      %swap3A_1646 = arith.constant 0 : index
      %swap3A_1647 = arith.constant 0 : index
      %swap3A_1648 = vector.load %arg6[%swap3A_1645, %swap3A_1646, %swap3A_1647] : memref<47x1x128xf32, #tpu.memory_space<vmem>>, vector<1x1x128xf32>
      %swap3A_1649 = vector.shape_cast %swap3A_1648 : vector<1x1x128xf32> to vector<1x128xf32>
      %swap3A_1650 = vector.shape_cast %select_n3A_1644 : vector<1x128xf32> to vector<1x1x128xf32>
      tpu.vector_store %arg6[%swap3A_1645, %swap3A_1646, %swap3A_1647], %swap3A_1650 {strides = array<i32>} : memref<47x1x128xf32, #tpu.memory_space<vmem>>, vector<1x1x128xf32>,
      %slice3A_1651 = vector.extract_strided_slice %dot_general3A_1344 {offsets = [0, 1792], sizes = [1, 128], strides = [1, 1]} : vector<1x6016xf32> to vector<1x128xf32>
      %gt3A_1652 = arith.constant 14 : i32
      %gt3A_1653 = arith.cmpi sgt, %gt3A_1652, %scan3A_1212 : i32
      %gt3A_1654 = arith.constant 0.000000e+00 : f32
      %gt3A_1655 = vector.broadcast %gt3A_1654 : f32 to vector<1x128xf32>
      %gt3A_1656 = arith.cmpf ogt, %slice3A_1651, %gt3A_1655 : vector<1x128xf32>
      %and3A_1657 = vector.broadcast %gt3A_1653 : i1 to vector<1x128xi1>
      %and3A_1658 = arith.andi %and3A_1657, %gt3A_1656 : vector<1x128xi1>
      %get3A_1659 = arith.constant 14 : index
      %get3A_1660 = arith.constant 0 : index
      %get3A_1661 = arith.constant 0 : index
      %get3A_1662 = vector.load %arg6[%get3A_1659, %get3A_1660, %get3A_1661] : memref<47x1x128xf32, #tpu.memory_space<vmem>>, vector<1x1x128xf32>
      %get3A_1663 = vector.shape_cast %get3A_1662 : vector<1x1x128xf32> to vector<1x128xf32>
      %jit3A_1664 = arith.constant 0.000000e+00 : f32
      %broadcast_in_dim3A_1665 = vector.broadcast %jit3A_1664 : f32 to vector<1x128xf32>
      %select_n3A_1666 = arith.select %and3A_1658, %broadcast_in_dim3A_1665, %get3A_1663 : vector<1x128xi1>, vector<1x128xf32>
      %swap3A_1667 = arith.constant 14 : index
      %swap3A_1668 = arith.constant 0 : index
      %swap3A_1669 = arith.constant 0 : index
      %swap3A_1670 = vector.load %arg6[%swap3A_1667, %swap3A_1668, %swap3A_1669] : memref<47x1x128xf32, #tpu.memory_space<vmem>>, vector<1x1x128xf32>
      %swap3A_1671 = vector.shape_cast %swap3A_1670 : vector<1x1x128xf32> to vector<1x128xf32>
      %swap3A_1672 = vector.shape_cast %select_n3A_1666 : vector<1x128xf32> to vector<1x1x128xf32>
      tpu.vector_store %arg6[%swap3A_1667, %swap3A_1668, %swap3A_1669], %swap3A_1672 {strides = array<i32>} : memref<47x1x128xf32, #tpu.memory_space<vmem>>, vector<1x1x128xf32>,
      %slice3A_1673 = vector.extract_strided_slice %dot_general3A_1344 {offsets = [0, 1920], sizes = [1, 128], strides = [1, 1]} : vector<1x6016xf32> to vector<1x128xf32>
      %gt3A_1674 = arith.constant 15 : i32
      %gt3A_1675 = arith.cmpi sgt, %gt3A_1674, %scan3A_1212 : i32
      %gt3A_1676 = arith.constant 0.000000e+00 : f32
      %gt3A_1677 = vector.broadcast %gt3A_1676 : f32 to vector<1x128xf32>
      %gt3A_1678 = arith.cmpf ogt, %slice3A_1673, %gt3A_1677 : vector<1x128xf32>
      %and3A_1679 = vector.broadcast %gt3A_1675 : i1 to vector<1x128xi1>
      %and3A_1680 = arith.andi %and3A_1679, %gt3A_1678 : vector<1x128xi1>
      %get3A_1681 = arith.constant 15 : index
      %get3A_1682 = arith.constant 0 : index
      %get3A_1683 = arith.constant 0 : index
      %get3A_1684 = vector.load %arg6[%get3A_1681, %get3A_1682, %get3A_1683] : memref<47x1x128xf32, #tpu.memory_space<vmem>>, vector<1x1x128xf32>
      %get3A_1685 = vector.shape_cast %get3A_1684 : vector<1x1x128xf32> to vector<1x128xf32>
      %jit3A_1686 = arith.constant 0.000000e+00 : f32
      %broadcast_in_dim3A_1687 = vector.broadcast %jit3A_1686 : f32 to vector<1x128xf32>
      %select_n3A_1688 = arith.select %and3A_1680, %broadcast_in_dim3A_1687, %get3A_1685 : vector<1x128xi1>, vector<1x128xf32>
      %swap3A_1689 = arith.constant 15 : index
      %swap3A_1690 = arith.constant 0 : index
      %swap3A_1691 = arith.constant 0 : index
      %swap3A_1692 = vector.load %arg6[%swap3A_1689, %swap3A_1690, %swap3A_1691] : memref<47x1x128xf32, #tpu.memory_space<vmem>>, vector<1x1x128xf32>
      %swap3A_1693 = vector.shape_cast %swap3A_1692 : vector<1x1x128xf32> to vector<1x128xf32>
      %swap3A_1694 = vector.shape_cast %select_n3A_1688 : vector<1x128xf32> to vector<1x1x128xf32>
      tpu.vector_store %arg6[%swap3A_1689, %swap3A_1690, %swap3A_1691], %swap3A_1694 {strides = array<i32>} : memref<47x1x128xf32, #tpu.memory_space<vmem>>, vector<1x1x128xf32>,
      %slice3A_1695 = vector.extract_strided_slice %dot_general3A_1344 {offsets = [0, 2048], sizes = [1, 128], strides = [1, 1]} : vector<1x6016xf32> to vector<1x128xf32>
      %gt3A_1696 = arith.constant 16 : i32
      %gt3A_1697 = arith.cmpi sgt, %gt3A_1696, %scan3A_1212 : i32
      %gt3A_1698 = arith.constant 0.000000e+00 : f32
      %gt3A_1699 = vector.broadcast %gt3A_1698 : f32 to vector<1x128xf32>
      %gt3A_1700 = arith.cmpf ogt, %slice3A_1695, %gt3A_1699 : vector<1x128xf32>
      %and3A_1701 = vector.broadcast %gt3A_1697 : i1 to vector<1x128xi1>
      %and3A_1702 = arith.andi %and3A_1701, %gt3A_1700 : vector<1x128xi1>
      %get3A_1703 = arith.constant 16 : index
      %get3A_1704 = arith.constant 0 : index
      %get3A_1705 = arith.constant 0 : index
      %get3A_1706 = vector.load %arg6[%get3A_1703, %get3A_1704, %get3A_1705] : memref<47x1x128xf32, #tpu.memory_space<vmem>>, vector<1x1x128xf32>
      %get3A_1707 = vector.shape_cast %get3A_1706 : vector<1x1x128xf32> to vector<1x128xf32>
      %jit3A_1708 = arith.constant 0.000000e+00 : f32
      %broadcast_in_dim3A_1709 = vector.broadcast %jit3A_1708 : f32 to vector<1x128xf32>
      %select_n3A_1710 = arith.select %and3A_1702, %broadcast_in_dim3A_1709, %get3A_1707 : vector<1x128xi1>, vector<1x128xf32>
      %swap3A_1711 = arith.constant 16 : index
      %swap3A_1712 = arith.constant 0 : index
      %swap3A_1713 = arith.constant 0 : index
      %swap3A_1714 = vector.load %arg6[%swap3A_1711, %swap3A_1712, %swap3A_1713] : memref<47x1x128xf32, #tpu.memory_space<vmem>>, vector<1x1x128xf32>
      %swap3A_1715 = vector.shape_cast %swap3A_1714 : vector<1x1x128xf32> to vector<1x128xf32>
      %swap3A_1716 = vector.shape_cast %select_n3A_1710 : vector<1x128xf32> to vector<1x1x128xf32>
      tpu.vector_store %arg6[%swap3A_1711, %swap3A_1712, %swap3A_1713], %swap3A_1716 {strides = array<i32>} : memref<47x1x128xf32, #tpu.memory_space<vmem>>, vector<1x1x128xf32>,
      %slice3A_1717 = vector.extract_strided_slice %dot_general3A_1344 {offsets = [0, 2176], sizes = [1, 128], strides = [1, 1]} : vector<1x6016xf32> to vector<1x128xf32>
      %gt3A_1718 = arith.constant 17 : i32
      %gt3A_1719 = arith.cmpi sgt, %gt3A_1718, %scan3A_1212 : i32
      %gt3A_1720 = arith.constant 0.000000e+00 : f32
      %gt3A_1721 = vector.broadcast %gt3A_1720 : f32 to vector<1x128xf32>
      %gt3A_1722 = arith.cmpf ogt, %slice3A_1717, %gt3A_1721 : vector<1x128xf32>
      %and3A_1723 = vector.broadcast %gt3A_1719 : i1 to vector<1x128xi1>
      %and3A_1724 = arith.andi %and3A_1723, %gt3A_1722 : vector<1x128xi1>
      %get3A_1725 = arith.constant 17 : index
      %get3A_1726 = arith.constant 0 : index
      %get3A_1727 = arith.constant 0 : index
      %get3A_1728 = vector.load %arg6[%get3A_1725, %get3A_1726, %get3A_1727] : memref<47x1x128xf32, #tpu.memory_space<vmem>>, vector<1x1x128xf32>
      %get3A_1729 = vector.shape_cast %get3A_1728 : vector<1x1x128xf32> to vector<1x128xf32>
      %jit3A_1730 = arith.constant 0.000000e+00 : f32
      %broadcast_in_dim3A_1731 = vector.broadcast %jit3A_1730 : f32 to vector<1x128xf32>
      %select_n3A_1732 = arith.select %and3A_1724, %broadcast_in_dim3A_1731, %get3A_1729 : vector<1x128xi1>, vector<1x128xf32>
      %swap3A_1733 = arith.constant 17 : index
      %swap3A_1734 = arith.constant 0 : index
      %swap3A_1735 = arith.constant 0 : index
      %swap3A_1736 = vector.load %arg6[%swap3A_1733, %swap3A_1734, %swap3A_1735] : memref<47x1x128xf32, #tpu.memory_space<vmem>>, vector<1x1x128xf32>
      %swap3A_1737 = vector.shape_cast %swap3A_1736 : vector<1x1x128xf32> to vector<1x128xf32>
      %swap3A_1738 = vector.shape_cast %select_n3A_1732 : vector<1x128xf32> to vector<1x1x128xf32>
      tpu.vector_store %arg6[%swap3A_1733, %swap3A_1734, %swap3A_1735], %swap3A_1738 {strides = array<i32>} : memref<47x1x128xf32, #tpu.memory_space<vmem>>, vector<1x1x128xf32>,
      %slice3A_1739 = vector.extract_strided_slice %dot_general3A_1344 {offsets = [0, 2304], sizes = [1, 128], strides = [1, 1]} : vector<1x6016xf32> to vector<1x128xf32>
      %gt3A_1740 = arith.constant 18 : i32
      %gt3A_1741 = arith.cmpi sgt, %gt3A_1740, %scan3A_1212 : i32
      %gt3A_1742 = arith.constant 0.000000e+00 : f32
      %gt3A_1743 = vector.broadcast %gt3A_1742 : f32 to vector<1x128xf32>
      %gt3A_1744 = arith.cmpf ogt, %slice3A_1739, %gt3A_1743 : vector<1x128xf32>
      %and3A_1745 = vector.broadcast %gt3A_1741 : i1 to vector<1x128xi1>
      %and3A_1746 = arith.andi %and3A_1745, %gt3A_1744 : vector<1x128xi1>
      %get3A_1747 = arith.constant 18 : index
      %get3A_1748 = arith.constant 0 : index
      %get3A_1749 = arith.constant 0 : index
      %get3A_1750 = vector.load %arg6[%get3A_1747, %get3A_1748, %get3A_1749] : memref<47x1x128xf32, #tpu.memory_space<vmem>>, vector<1x1x128xf32>
      %get3A_1751 = vector.shape_cast %get3A_1750 : vector<1x1x128xf32> to vector<1x128xf32>
      %jit3A_1752 = arith.constant 0.000000e+00 : f32
      %broadcast_in_dim3A_1753 = vector.broadcast %jit3A_1752 : f32 to vector<1x128xf32>
      %select_n3A_1754 = arith.select %and3A_1746, %broadcast_in_dim3A_1753, %get3A_1751 : vector<1x128xi1>, vector<1x128xf32>
      %swap3A_1755 = arith.constant 18 : index
      %swap3A_1756 = arith.constant 0 : index
      %swap3A_1757 = arith.constant 0 : index
      %swap3A_1758 = vector.load %arg6[%swap3A_1755, %swap3A_1756, %swap3A_1757] : memref<47x1x128xf32, #tpu.memory_space<vmem>>, vector<1x1x128xf32>
      %swap3A_1759 = vector.shape_cast %swap3A_1758 : vector<1x1x128xf32> to vector<1x128xf32>
      %swap3A_1760 = vector.shape_cast %select_n3A_1754 : vector<1x128xf32> to vector<1x1x128xf32>
      tpu.vector_store %arg6[%swap3A_1755, %swap3A_1756, %swap3A_1757], %swap3A_1760 {strides = array<i32>} : memref<47x1x128xf32, #tpu.memory_space<vmem>>, vector<1x1x128xf32>,
      %slice3A_1761 = vector.extract_strided_slice %dot_general3A_1344 {offsets = [0, 2432], sizes = [1, 128], strides = [1, 1]} : vector<1x6016xf32> to vector<1x128xf32>
      %gt3A_1762 = arith.constant 19 : i32
      %gt3A_1763 = arith.cmpi sgt, %gt3A_1762, %scan3A_1212 : i32
      %gt3A_1764 = arith.constant 0.000000e+00 : f32
      %gt3A_1765 = vector.broadcast %gt3A_1764 : f32 to vector<1x128xf32>
      %gt3A_1766 = arith.cmpf ogt, %slice3A_1761, %gt3A_1765 : vector<1x128xf32>
      %and3A_1767 = vector.broadcast %gt3A_1763 : i1 to vector<1x128xi1>
      %and3A_1768 = arith.andi %and3A_1767, %gt3A_1766 : vector<1x128xi1>
      %get3A_1769 = arith.constant 19 : index
      %get3A_1770 = arith.constant 0 : index
      %get3A_1771 = arith.constant 0 : index
      %get3A_1772 = vector.load %arg6[%get3A_1769, %get3A_1770, %get3A_1771] : memref<47x1x128xf32, #tpu.memory_space<vmem>>, vector<1x1x128xf32>
      %get3A_1773 = vector.shape_cast %get3A_1772 : vector<1x1x128xf32> to vector<1x128xf32>
      %jit3A_1774 = arith.constant 0.000000e+00 : f32
      %broadcast_in_dim3A_1775 = vector.broadcast %jit3A_1774 : f32 to vector<1x128xf32>
      %select_n3A_1776 = arith.select %and3A_1768, %broadcast_in_dim3A_1775, %get3A_1773 : vector<1x128xi1>, vector<1x128xf32>
      %swap3A_1777 = arith.constant 19 : index
      %swap3A_1778 = arith.constant 0 : index
      %swap3A_1779 = arith.constant 0 : index
      %swap3A_1780 = vector.load %arg6[%swap3A_1777, %swap3A_1778, %swap3A_1779] : memref<47x1x128xf32, #tpu.memory_space<vmem>>, vector<1x1x128xf32>
      %swap3A_1781 = vector.shape_cast %swap3A_1780 : vector<1x1x128xf32> to vector<1x128xf32>
      %swap3A_1782 = vector.shape_cast %select_n3A_1776 : vector<1x128xf32> to vector<1x1x128xf32>
      tpu.vector_store %arg6[%swap3A_1777, %swap3A_1778, %swap3A_1779], %swap3A_1782 {strides = array<i32>} : memref<47x1x128xf32, #tpu.memory_space<vmem>>, vector<1x1x128xf32>,
      %slice3A_1783 = vector.extract_strided_slice %dot_general3A_1344 {offsets = [0, 2560], sizes = [1, 128], strides = [1, 1]} : vector<1x6016xf32> to vector<1x128xf32>
      %gt3A_1784 = arith.constant 20 : i32
      %gt3A_1785 = arith.cmpi sgt, %gt3A_1784, %scan3A_1212 : i32
      %gt3A_1786 = arith.constant 0.000000e+00 : f32
      %gt3A_1787 = vector.broadcast %gt3A_1786 : f32 to vector<1x128xf32>
      %gt3A_1788 = arith.cmpf ogt, %slice3A_1783, %gt3A_1787 : vector<1x128xf32>
      %and3A_1789 = vector.broadcast %gt3A_1785 : i1 to vector<1x128xi1>
      %and3A_1790 = arith.andi %and3A_1789, %gt3A_1788 : vector<1x128xi1>
      %get3A_1791 = arith.constant 20 : index
      %get3A_1792 = arith.constant 0 : index
      %get3A_1793 = arith.constant 0 : index
      %get3A_1794 = vector.load %arg6[%get3A_1791, %get3A_1792, %get3A_1793] : memref<47x1x128xf32, #tpu.memory_space<vmem>>, vector<1x1x128xf32>
      %get3A_1795 = vector.shape_cast %get3A_1794 : vector<1x1x128xf32> to vector<1x128xf32>
      %jit3A_1796 = arith.constant 0.000000e+00 : f32
      %broadcast_in_dim3A_1797 = vector.broadcast %jit3A_1796 : f32 to vector<1x128xf32>
      %select_n3A_1798 = arith.select %and3A_1790, %broadcast_in_dim3A_1797, %get3A_1795 : vector<1x128xi1>, vector<1x128xf32>
      %swap3A_1799 = arith.constant 20 : index
      %swap3A_1800 = arith.constant 0 : index
      %swap3A_1801 = arith.constant 0 : index
      %swap3A_1802 = vector.load %arg6[%swap3A_1799, %swap3A_1800, %swap3A_1801] : memref<47x1x128xf32, #tpu.memory_space<vmem>>, vector<1x1x128xf32>
      %swap3A_1803 = vector.shape_cast %swap3A_1802 : vector<1x1x128xf32> to vector<1x128xf32>
      %swap3A_1804 = vector.shape_cast %select_n3A_1798 : vector<1x128xf32> to vector<1x1x128xf32>
      tpu.vector_store %arg6[%swap3A_1799, %swap3A_1800, %swap3A_1801], %swap3A_1804 {strides = array<i32>} : memref<47x1x128xf32, #tpu.memory_space<vmem>>, vector<1x1x128xf32>,
      %slice3A_1805 = vector.extract_strided_slice %dot_general3A_1344 {offsets = [0, 2688], sizes = [1, 128], strides = [1, 1]} : vector<1x6016xf32> to vector<1x128xf32>
      %gt3A_1806 = arith.constant 21 : i32
      %gt3A_1807 = arith.cmpi sgt, %gt3A_1806, %scan3A_1212 : i32
      %gt3A_1808 = arith.constant 0.000000e+00 : f32
      %gt3A_1809 = vector.broadcast %gt3A_1808 : f32 to vector<1x128xf32>
      %gt3A_1810 = arith.cmpf ogt, %slice3A_1805, %gt3A_1809 : vector<1x128xf32>
      %and3A_1811 = vector.broadcast %gt3A_1807 : i1 to vector<1x128xi1>
      %and3A_1812 = arith.andi %and3A_1811, %gt3A_1810 : vector<1x128xi1>
      %get3A_1813 = arith.constant 21 : index
      %get3A_1814 = arith.constant 0 : index
      %get3A_1815 = arith.constant 0 : index
      %get3A_1816 = vector.load %arg6[%get3A_1813, %get3A_1814, %get3A_1815] : memref<47x1x128xf32, #tpu.memory_space<vmem>>, vector<1x1x128xf32>
      %get3A_1817 = vector.shape_cast %get3A_1816 : vector<1x1x128xf32> to vector<1x128xf32>
      %jit3A_1818 = arith.constant 0.000000e+00 : f32
      %broadcast_in_dim3A_1819 = vector.broadcast %jit3A_1818 : f32 to vector<1x128xf32>
      %select_n3A_1820 = arith.select %and3A_1812, %broadcast_in_dim3A_1819, %get3A_1817 : vector<1x128xi1>, vector<1x128xf32>
      %swap3A_1821 = arith.constant 21 : index
      %swap3A_1822 = arith.constant 0 : index
      %swap3A_1823 = arith.constant 0 : index
      %swap3A_1824 = vector.load %arg6[%swap3A_1821, %swap3A_1822, %swap3A_1823] : memref<47x1x128xf32, #tpu.memory_space<vmem>>, vector<1x1x128xf32>
      %swap3A_1825 = vector.shape_cast %swap3A_1824 : vector<1x1x128xf32> to vector<1x128xf32>
      %swap3A_1826 = vector.shape_cast %select_n3A_1820 : vector<1x128xf32> to vector<1x1x128xf32>
      tpu.vector_store %arg6[%swap3A_1821, %swap3A_1822, %swap3A_1823], %swap3A_1826 {strides = array<i32>} : memref<47x1x128xf32, #tpu.memory_space<vmem>>, vector<1x1x128xf32>,
      %slice3A_1827 = vector.extract_strided_slice %dot_general3A_1344 {offsets = [0, 2816], sizes = [1, 128], strides = [1, 1]} : vector<1x6016xf32> to vector<1x128xf32>
      %gt3A_1828 = arith.constant 22 : i32
      %gt3A_1829 = arith.cmpi sgt, %gt3A_1828, %scan3A_1212 : i32
      %gt3A_1830 = arith.constant 0.000000e+00 : f32
      %gt3A_1831 = vector.broadcast %gt3A_1830 : f32 to vector<1x128xf32>
      %gt3A_1832 = arith.cmpf ogt, %slice3A_1827, %gt3A_1831 : vector<1x128xf32>
      %and3A_1833 = vector.broadcast %gt3A_1829 : i1 to vector<1x128xi1>
      %and3A_1834 = arith.andi %and3A_1833, %gt3A_1832 : vector<1x128xi1>
      %get3A_1835 = arith.constant 22 : index
      %get3A_1836 = arith.constant 0 : index
      %get3A_1837 = arith.constant 0 : index
      %get3A_1838 = vector.load %arg6[%get3A_1835, %get3A_1836, %get3A_1837] : memref<47x1x128xf32, #tpu.memory_space<vmem>>, vector<1x1x128xf32>
      %get3A_1839 = vector.shape_cast %get3A_1838 : vector<1x1x128xf32> to vector<1x128xf32>
      %jit3A_1840 = arith.constant 0.000000e+00 : f32
      %broadcast_in_dim3A_1841 = vector.broadcast %jit3A_1840 : f32 to vector<1x128xf32>
      %select_n3A_1842 = arith.select %and3A_1834, %broadcast_in_dim3A_1841, %get3A_1839 : vector<1x128xi1>, vector<1x128xf32>
      %swap3A_1843 = arith.constant 22 : index
      %swap3A_1844 = arith.constant 0 : index
      %swap3A_1845 = arith.constant 0 : index
      %swap3A_1846 = vector.load %arg6[%swap3A_1843, %swap3A_1844, %swap3A_1845] : memref<47x1x128xf32, #tpu.memory_space<vmem>>, vector<1x1x128xf32>
      %swap3A_1847 = vector.shape_cast %swap3A_1846 : vector<1x1x128xf32> to vector<1x128xf32>
      %swap3A_1848 = vector.shape_cast %select_n3A_1842 : vector<1x128xf32> to vector<1x1x128xf32>
      tpu.vector_store %arg6[%swap3A_1843, %swap3A_1844, %swap3A_1845], %swap3A_1848 {strides = array<i32>} : memref<47x1x128xf32, #tpu.memory_space<vmem>>, vector<1x1x128xf32>,
      %slice3A_1849 = vector.extract_strided_slice %dot_general3A_1344 {offsets = [0, 2944], sizes = [1, 128], strides = [1, 1]} : vector<1x6016xf32> to vector<1x128xf32>
      %gt3A_1850 = arith.constant 23 : i32
      %gt3A_1851 = arith.cmpi sgt, %gt3A_1850, %scan3A_1212 : i32
      %gt3A_1852 = arith.constant 0.000000e+00 : f32
      %gt3A_1853 = vector.broadcast %gt3A_1852 : f32 to vector<1x128xf32>
      %gt3A_1854 = arith.cmpf ogt, %slice3A_1849, %gt3A_1853 : vector<1x128xf32>
      %and3A_1855 = vector.broadcast %gt3A_1851 : i1 to vector<1x128xi1>
      %and3A_1856 = arith.andi %and3A_1855, %gt3A_1854 : vector<1x128xi1>
      %get3A_1857 = arith.constant 23 : index
      %get3A_1858 = arith.constant 0 : index
      %get3A_1859 = arith.constant 0 : index
      %get3A_1860 = vector.load %arg6[%get3A_1857, %get3A_1858, %get3A_1859] : memref<47x1x128xf32, #tpu.memory_space<vmem>>, vector<1x1x128xf32>
      %get3A_1861 = vector.shape_cast %get3A_1860 : vector<1x1x128xf32> to vector<1x128xf32>
      %jit3A_1862 = arith.constant 0.000000e+00 : f32
      %broadcast_in_dim3A_1863 = vector.broadcast %jit3A_1862 : f32 to vector<1x128xf32>
      %select_n3A_1864 = arith.select %and3A_1856, %broadcast_in_dim3A_1863, %get3A_1861 : vector<1x128xi1>, vector<1x128xf32>
      %swap3A_1865 = arith.constant 23 : index
      %swap3A_1866 = arith.constant 0 : index
      %swap3A_1867 = arith.constant 0 : index
      %swap3A_1868 = vector.load %arg6[%swap3A_1865, %swap3A_1866, %swap3A_1867] : memref<47x1x128xf32, #tpu.memory_space<vmem>>, vector<1x1x128xf32>
      %swap3A_1869 = vector.shape_cast %swap3A_1868 : vector<1x1x128xf32> to vector<1x128xf32>
      %swap3A_1870 = vector.shape_cast %select_n3A_1864 : vector<1x128xf32> to vector<1x1x128xf32>
      tpu.vector_store %arg6[%swap3A_1865, %swap3A_1866, %swap3A_1867], %swap3A_1870 {strides = array<i32>} : memref<47x1x128xf32, #tpu.memory_space<vmem>>, vector<1x1x128xf32>,
      %slice3A_1871 = vector.extract_strided_slice %dot_general3A_1344 {offsets = [0, 3072], sizes = [1, 128], strides = [1, 1]} : vector<1x6016xf32> to vector<1x128xf32>
      %gt3A_1872 = arith.constant 24 : i32
      %gt3A_1873 = arith.cmpi sgt, %gt3A_1872, %scan3A_1212 : i32
      %gt3A_1874 = arith.constant 0.000000e+00 : f32
      %gt3A_1875 = vector.broadcast %gt3A_1874 : f32 to vector<1x128xf32>
      %gt3A_1876 = arith.cmpf ogt, %slice3A_1871, %gt3A_1875 : vector<1x128xf32>
      %and3A_1877 = vector.broadcast %gt3A_1873 : i1 to vector<1x128xi1>
      %and3A_1878 = arith.andi %and3A_1877, %gt3A_1876 : vector<1x128xi1>
      %get3A_1879 = arith.constant 24 : index
      %get3A_1880 = arith.constant 0 : index
      %get3A_1881 = arith.constant 0 : index
      %get3A_1882 = vector.load %arg6[%get3A_1879, %get3A_1880, %get3A_1881] : memref<47x1x128xf32, #tpu.memory_space<vmem>>, vector<1x1x128xf32>
      %get3A_1883 = vector.shape_cast %get3A_1882 : vector<1x1x128xf32> to vector<1x128xf32>
      %jit3A_1884 = arith.constant 0.000000e+00 : f32
      %broadcast_in_dim3A_1885 = vector.broadcast %jit3A_1884 : f32 to vector<1x128xf32>
      %select_n3A_1886 = arith.select %and3A_1878, %broadcast_in_dim3A_1885, %get3A_1883 : vector<1x128xi1>, vector<1x128xf32>
      %swap3A_1887 = arith.constant 24 : index
      %swap3A_1888 = arith.constant 0 : index
      %swap3A_1889 = arith.constant 0 : index
      %swap3A_1890 = vector.load %arg6[%swap3A_1887, %swap3A_1888, %swap3A_1889] : memref<47x1x128xf32, #tpu.memory_space<vmem>>, vector<1x1x128xf32>
      %swap3A_1891 = vector.shape_cast %swap3A_1890 : vector<1x1x128xf32> to vector<1x128xf32>
      %swap3A_1892 = vector.shape_cast %select_n3A_1886 : vector<1x128xf32> to vector<1x1x128xf32>
      tpu.vector_store %arg6[%swap3A_1887, %swap3A_1888, %swap3A_1889], %swap3A_1892 {strides = array<i32>} : memref<47x1x128xf32, #tpu.memory_space<vmem>>, vector<1x1x128xf32>,
      %slice3A_1893 = vector.extract_strided_slice %dot_general3A_1344 {offsets = [0, 3200], sizes = [1, 128], strides = [1, 1]} : vector<1x6016xf32> to vector<1x128xf32>
      %gt3A_1894 = arith.constant 25 : i32
      %gt3A_1895 = arith.cmpi sgt, %gt3A_1894, %scan3A_1212 : i32
      %gt3A_1896 = arith.constant 0.000000e+00 : f32
      %gt3A_1897 = vector.broadcast %gt3A_1896 : f32 to vector<1x128xf32>
      %gt3A_1898 = arith.cmpf ogt, %slice3A_1893, %gt3A_1897 : vector<1x128xf32>
      %and3A_1899 = vector.broadcast %gt3A_1895 : i1 to vector<1x128xi1>
      %and3A_1900 = arith.andi %and3A_1899, %gt3A_1898 : vector<1x128xi1>
      %get3A_1901 = arith.constant 25 : index
      %get3A_1902 = arith.constant 0 : index
      %get3A_1903 = arith.constant 0 : index
      %get3A_1904 = vector.load %arg6[%get3A_1901, %get3A_1902, %get3A_1903] : memref<47x1x128xf32, #tpu.memory_space<vmem>>, vector<1x1x128xf32>
      %get3A_1905 = vector.shape_cast %get3A_1904 : vector<1x1x128xf32> to vector<1x128xf32>
      %jit3A_1906 = arith.constant 0.000000e+00 : f32
      %broadcast_in_dim3A_1907 = vector.broadcast %jit3A_1906 : f32 to vector<1x128xf32>
      %select_n3A_1908 = arith.select %and3A_1900, %broadcast_in_dim3A_1907, %get3A_1905 : vector<1x128xi1>, vector<1x128xf32>
      %swap3A_1909 = arith.constant 25 : index
      %swap3A_1910 = arith.constant 0 : index
      %swap3A_1911 = arith.constant 0 : index
      %swap3A_1912 = vector.load %arg6[%swap3A_1909, %swap3A_1910, %swap3A_1911] : memref<47x1x128xf32, #tpu.memory_space<vmem>>, vector<1x1x128xf32>
      %swap3A_1913 = vector.shape_cast %swap3A_1912 : vector<1x1x128xf32> to vector<1x128xf32>
      %swap3A_1914 = vector.shape_cast %select_n3A_1908 : vector<1x128xf32> to vector<1x1x128xf32>
      tpu.vector_store %arg6[%swap3A_1909, %swap3A_1910, %swap3A_1911], %swap3A_1914 {strides = array<i32>} : memref<47x1x128xf32, #tpu.memory_space<vmem>>, vector<1x1x128xf32>,
      %slice3A_1915 = vector.extract_strided_slice %dot_general3A_1344 {offsets = [0, 3328], sizes = [1, 128], strides = [1, 1]} : vector<1x6016xf32> to vector<1x128xf32>
      %gt3A_1916 = arith.constant 26 : i32
      %gt3A_1917 = arith.cmpi sgt, %gt3A_1916, %scan3A_1212 : i32
      %gt3A_1918 = arith.constant 0.000000e+00 : f32
      %gt3A_1919 = vector.broadcast %gt3A_1918 : f32 to vector<1x128xf32>
      %gt3A_1920 = arith.cmpf ogt, %slice3A_1915, %gt3A_1919 : vector<1x128xf32>
      %and3A_1921 = vector.broadcast %gt3A_1917 : i1 to vector<1x128xi1>
      %and3A_1922 = arith.andi %and3A_1921, %gt3A_1920 : vector<1x128xi1>
      %get3A_1923 = arith.constant 26 : index
      %get3A_1924 = arith.constant 0 : index
      %get3A_1925 = arith.constant 0 : index
      %get3A_1926 = vector.load %arg6[%get3A_1923, %get3A_1924, %get3A_1925] : memref<47x1x128xf32, #tpu.memory_space<vmem>>, vector<1x1x128xf32>
      %get3A_1927 = vector.shape_cast %get3A_1926 : vector<1x1x128xf32> to vector<1x128xf32>
      %jit3A_1928 = arith.constant 0.000000e+00 : f32
      %broadcast_in_dim3A_1929 = vector.broadcast %jit3A_1928 : f32 to vector<1x128xf32>
      %select_n3A_1930 = arith.select %and3A_1922, %broadcast_in_dim3A_1929, %get3A_1927 : vector<1x128xi1>, vector<1x128xf32>
      %swap3A_1931 = arith.constant 26 : index
      %swap3A_1932 = arith.constant 0 : index
      %swap3A_1933 = arith.constant 0 : index
      %swap3A_1934 = vector.load %arg6[%swap3A_1931, %swap3A_1932, %swap3A_1933] : memref<47x1x128xf32, #tpu.memory_space<vmem>>, vector<1x1x128xf32>
      %swap3A_1935 = vector.shape_cast %swap3A_1934 : vector<1x1x128xf32> to vector<1x128xf32>
      %swap3A_1936 = vector.shape_cast %select_n3A_1930 : vector<1x128xf32> to vector<1x1x128xf32>
      tpu.vector_store %arg6[%swap3A_1931, %swap3A_1932, %swap3A_1933], %swap3A_1936 {strides = array<i32>} : memref<47x1x128xf32, #tpu.memory_space<vmem>>, vector<1x1x128xf32>,
      %slice3A_1937 = vector.extract_strided_slice %dot_general3A_1344 {offsets = [0, 3456], sizes = [1, 128], strides = [1, 1]} : vector<1x6016xf32> to vector<1x128xf32>
      %gt3A_1938 = arith.constant 27 : i32
      %gt3A_1939 = arith.cmpi sgt, %gt3A_1938, %scan3A_1212 : i32
      %gt3A_1940 = arith.constant 0.000000e+00 : f32
      %gt3A_1941 = vector.broadcast %gt3A_1940 : f32 to vector<1x128xf32>
      %gt3A_1942 = arith.cmpf ogt, %slice3A_1937, %gt3A_1941 : vector<1x128xf32>
      %and3A_1943 = vector.broadcast %gt3A_1939 : i1 to vector<1x128xi1>
      %and3A_1944 = arith.andi %and3A_1943, %gt3A_1942 : vector<1x128xi1>
      %get3A_1945 = arith.constant 27 : index
      %get3A_1946 = arith.constant 0 : index
      %get3A_1947 = arith.constant 0 : index
      %get3A_1948 = vector.load %arg6[%get3A_1945, %get3A_1946, %get3A_1947] : memref<47x1x128xf32, #tpu.memory_space<vmem>>, vector<1x1x128xf32>
      %get3A_1949 = vector.shape_cast %get3A_1948 : vector<1x1x128xf32> to vector<1x128xf32>
      %jit3A_1950 = arith.constant 0.000000e+00 : f32
      %broadcast_in_dim3A_1951 = vector.broadcast %jit3A_1950 : f32 to vector<1x128xf32>
      %select_n3A_1952 = arith.select %and3A_1944, %broadcast_in_dim3A_1951, %get3A_1949 : vector<1x128xi1>, vector<1x128xf32>
      %swap3A_1953 = arith.constant 27 : index
      %swap3A_1954 = arith.constant 0 : index
      %swap3A_1955 = arith.constant 0 : index
      %swap3A_1956 = vector.load %arg6[%swap3A_1953, %swap3A_1954, %swap3A_1955] : memref<47x1x128xf32, #tpu.memory_space<vmem>>, vector<1x1x128xf32>
      %swap3A_1957 = vector.shape_cast %swap3A_1956 : vector<1x1x128xf32> to vector<1x128xf32>
      %swap3A_1958 = vector.shape_cast %select_n3A_1952 : vector<1x128xf32> to vector<1x1x128xf32>
      tpu.vector_store %arg6[%swap3A_1953, %swap3A_1954, %swap3A_1955], %swap3A_1958 {strides = array<i32>} : memref<47x1x128xf32, #tpu.memory_space<vmem>>, vector<1x1x128xf32>,
      %slice3A_1959 = vector.extract_strided_slice %dot_general3A_1344 {offsets = [0, 3584], sizes = [1, 128], strides = [1, 1]} : vector<1x6016xf32> to vector<1x128xf32>
      %gt3A_1960 = arith.constant 28 : i32
      %gt3A_1961 = arith.cmpi sgt, %gt3A_1960, %scan3A_1212 : i32
      %gt3A_1962 = arith.constant 0.000000e+00 : f32
      %gt3A_1963 = vector.broadcast %gt3A_1962 : f32 to vector<1x128xf32>
      %gt3A_1964 = arith.cmpf ogt, %slice3A_1959, %gt3A_1963 : vector<1x128xf32>
      %and3A_1965 = vector.broadcast %gt3A_1961 : i1 to vector<1x128xi1>
      %and3A_1966 = arith.andi %and3A_1965, %gt3A_1964 : vector<1x128xi1>
      %get3A_1967 = arith.constant 28 : index
      %get3A_1968 = arith.constant 0 : index
      %get3A_1969 = arith.constant 0 : index
      %get3A_1970 = vector.load %arg6[%get3A_1967, %get3A_1968, %get3A_1969] : memref<47x1x128xf32, #tpu.memory_space<vmem>>, vector<1x1x128xf32>
      %get3A_1971 = vector.shape_cast %get3A_1970 : vector<1x1x128xf32> to vector<1x128xf32>
      %jit3A_1972 = arith.constant 0.000000e+00 : f32
      %broadcast_in_dim3A_1973 = vector.broadcast %jit3A_1972 : f32 to vector<1x128xf32>
      %select_n3A_1974 = arith.select %and3A_1966, %broadcast_in_dim3A_1973, %get3A_1971 : vector<1x128xi1>, vector<1x128xf32>
      %swap3A_1975 = arith.constant 28 : index
      %swap3A_1976 = arith.constant 0 : index
      %swap3A_1977 = arith.constant 0 : index
      %swap3A_1978 = vector.load %arg6[%swap3A_1975, %swap3A_1976, %swap3A_1977] : memref<47x1x128xf32, #tpu.memory_space<vmem>>, vector<1x1x128xf32>
      %swap3A_1979 = vector.shape_cast %swap3A_1978 : vector<1x1x128xf32> to vector<1x128xf32>
      %swap3A_1980 = vector.shape_cast %select_n3A_1974 : vector<1x128xf32> to vector<1x1x128xf32>
      tpu.vector_store %arg6[%swap3A_1975, %swap3A_1976, %swap3A_1977], %swap3A_1980 {strides = array<i32>} : memref<47x1x128xf32, #tpu.memory_space<vmem>>, vector<1x1x128xf32>,
      %slice3A_1981 = vector.extract_strided_slice %dot_general3A_1344 {offsets = [0, 3712], sizes = [1, 128], strides = [1, 1]} : vector<1x6016xf32> to vector<1x128xf32>
      %gt3A_1982 = arith.constant 29 : i32
      %gt3A_1983 = arith.cmpi sgt, %gt3A_1982, %scan3A_1212 : i32
      %gt3A_1984 = arith.constant 0.000000e+00 : f32
      %gt3A_1985 = vector.broadcast %gt3A_1984 : f32 to vector<1x128xf32>
      %gt3A_1986 = arith.cmpf ogt, %slice3A_1981, %gt3A_1985 : vector<1x128xf32>
      %and3A_1987 = vector.broadcast %gt3A_1983 : i1 to vector<1x128xi1>
      %and3A_1988 = arith.andi %and3A_1987, %gt3A_1986 : vector<1x128xi1>
      %get3A_1989 = arith.constant 29 : index
      %get3A_1990 = arith.constant 0 : index
      %get3A_1991 = arith.constant 0 : index
      %get3A_1992 = vector.load %arg6[%get3A_1989, %get3A_1990, %get3A_1991] : memref<47x1x128xf32, #tpu.memory_space<vmem>>, vector<1x1x128xf32>
      %get3A_1993 = vector.shape_cast %get3A_1992 : vector<1x1x128xf32> to vector<1x128xf32>
      %jit3A_1994 = arith.constant 0.000000e+00 : f32
      %broadcast_in_dim3A_1995 = vector.broadcast %jit3A_1994 : f32 to vector<1x128xf32>
      %select_n3A_1996 = arith.select %and3A_1988, %broadcast_in_dim3A_1995, %get3A_1993 : vector<1x128xi1>, vector<1x128xf32>
      %swap3A_1997 = arith.constant 29 : index
      %swap3A_1998 = arith.constant 0 : index
      %swap3A_1999 = arith.constant 0 : index
      %swap3A_2000 = vector.load %arg6[%swap3A_1997, %swap3A_1998, %swap3A_1999] : memref<47x1x128xf32, #tpu.memory_space<vmem>>, vector<1x1x128xf32>
      %swap3A_2001 = vector.shape_cast %swap3A_2000 : vector<1x1x128xf32> to vector<1x128xf32>
      %swap3A_2002 = vector.shape_cast %select_n3A_1996 : vector<1x128xf32> to vector<1x1x128xf32>
      tpu.vector_store %arg6[%swap3A_1997, %swap3A_1998, %swap3A_1999], %swap3A_2002 {strides = array<i32>} : memref<47x1x128xf32, #tpu.memory_space<vmem>>, vector<1x1x128xf32>,
      %slice3A_2003 = vector.extract_strided_slice %dot_general3A_1344 {offsets = [0, 3840], sizes = [1, 128], strides = [1, 1]} : vector<1x6016xf32> to vector<1x128xf32>
      %gt3A_2004 = arith.constant 30 : i32
      %gt3A_2005 = arith.cmpi sgt, %gt3A_2004, %scan3A_1212 : i32
      %gt3A_2006 = arith.constant 0.000000e+00 : f32
      %gt3A_2007 = vector.broadcast %gt3A_2006 : f32 to vector<1x128xf32>
      %gt3A_2008 = arith.cmpf ogt, %slice3A_2003, %gt3A_2007 : vector<1x128xf32>
      %and3A_2009 = vector.broadcast %gt3A_2005 : i1 to vector<1x128xi1>
      %and3A_2010 = arith.andi %and3A_2009, %gt3A_2008 : vector<1x128xi1>
      %get3A_2011 = arith.constant 30 : index
      %get3A_2012 = arith.constant 0 : index
      %get3A_2013 = arith.constant 0 : index
      %get3A_2014 = vector.load %arg6[%get3A_2011, %get3A_2012, %get3A_2013] : memref<47x1x128xf32, #tpu.memory_space<vmem>>, vector<1x1x128xf32>
      %get3A_2015 = vector.shape_cast %get3A_2014 : vector<1x1x128xf32> to vector<1x128xf32>
      %jit3A_2016 = arith.constant 0.000000e+00 : f32
      %broadcast_in_dim3A_2017 = vector.broadcast %jit3A_2016 : f32 to vector<1x128xf32>
      %select_n3A_2018 = arith.select %and3A_2010, %broadcast_in_dim3A_2017, %get3A_2015 : vector<1x128xi1>, vector<1x128xf32>
      %swap3A_2019 = arith.constant 30 : index
      %swap3A_2020 = arith.constant 0 : index
      %swap3A_2021 = arith.constant 0 : index
      %swap3A_2022 = vector.load %arg6[%swap3A_2019, %swap3A_2020, %swap3A_2021] : memref<47x1x128xf32, #tpu.memory_space<vmem>>, vector<1x1x128xf32>
      %swap3A_2023 = vector.shape_cast %swap3A_2022 : vector<1x1x128xf32> to vector<1x128xf32>
      %swap3A_2024 = vector.shape_cast %select_n3A_2018 : vector<1x128xf32> to vector<1x1x128xf32>
      tpu.vector_store %arg6[%swap3A_2019, %swap3A_2020, %swap3A_2021], %swap3A_2024 {strides = array<i32>} : memref<47x1x128xf32, #tpu.memory_space<vmem>>, vector<1x1x128xf32>,
      %slice3A_2025 = vector.extract_strided_slice %dot_general3A_1344 {offsets = [0, 3968], sizes = [1, 128], strides = [1, 1]} : vector<1x6016xf32> to vector<1x128xf32>
      %gt3A_2026 = arith.constant 31 : i32
      %gt3A_2027 = arith.cmpi sgt, %gt3A_2026, %scan3A_1212 : i32
      %gt3A_2028 = arith.constant 0.000000e+00 : f32
      %gt3A_2029 = vector.broadcast %gt3A_2028 : f32 to vector<1x128xf32>
      %gt3A_2030 = arith.cmpf ogt, %slice3A_2025, %gt3A_2029 : vector<1x128xf32>
      %and3A_2031 = vector.broadcast %gt3A_2027 : i1 to vector<1x128xi1>
      %and3A_2032 = arith.andi %and3A_2031, %gt3A_2030 : vector<1x128xi1>
      %get3A_2033 = arith.constant 31 : index
      %get3A_2034 = arith.constant 0 : index
      %get3A_2035 = arith.constant 0 : index
      %get3A_2036 = vector.load %arg6[%get3A_2033, %get3A_2034, %get3A_2035] : memref<47x1x128xf32, #tpu.memory_space<vmem>>, vector<1x1x128xf32>
      %get3A_2037 = vector.shape_cast %get3A_2036 : vector<1x1x128xf32> to vector<1x128xf32>
      %jit3A_2038 = arith.constant 0.000000e+00 : f32
      %broadcast_in_dim3A_2039 = vector.broadcast %jit3A_2038 : f32 to vector<1x128xf32>
      %select_n3A_2040 = arith.select %and3A_2032, %broadcast_in_dim3A_2039, %get3A_2037 : vector<1x128xi1>, vector<1x128xf32>
      %swap3A_2041 = arith.constant 31 : index
      %swap3A_2042 = arith.constant 0 : index
      %swap3A_2043 = arith.constant 0 : index
      %swap3A_2044 = vector.load %arg6[%swap3A_2041, %swap3A_2042, %swap3A_2043] : memref<47x1x128xf32, #tpu.memory_space<vmem>>, vector<1x1x128xf32>
      %swap3A_2045 = vector.shape_cast %swap3A_2044 : vector<1x1x128xf32> to vector<1x128xf32>
      %swap3A_2046 = vector.shape_cast %select_n3A_2040 : vector<1x128xf32> to vector<1x1x128xf32>
      tpu.vector_store %arg6[%swap3A_2041, %swap3A_2042, %swap3A_2043], %swap3A_2046 {strides = array<i32>} : memref<47x1x128xf32, #tpu.memory_space<vmem>>, vector<1x1x128xf32>,
      %slice3A_2047 = vector.extract_strided_slice %dot_general3A_1344 {offsets = [0, 4096], sizes = [1, 128], strides = [1, 1]} : vector<1x6016xf32> to vector<1x128xf32>
      %gt3A_2048 = arith.constant 32 : i32
      %gt3A_2049 = arith.cmpi sgt, %gt3A_2048, %scan3A_1212 : i32
      %gt3A_2050 = arith.constant 0.000000e+00 : f32
      %gt3A_2051 = vector.broadcast %gt3A_2050 : f32 to vector<1x128xf32>
      %gt3A_2052 = arith.cmpf ogt, %slice3A_2047, %gt3A_2051 : vector<1x128xf32>
      %and3A_2053 = vector.broadcast %gt3A_2049 : i1 to vector<1x128xi1>
      %and3A_2054 = arith.andi %and3A_2053, %gt3A_2052 : vector<1x128xi1>
      %get3A_2055 = arith.constant 32 : index
      %get3A_2056 = arith.constant 0 : index
      %get3A_2057 = arith.constant 0 : index
      %get3A_2058 = vector.load %arg6[%get3A_2055, %get3A_2056, %get3A_2057] : memref<47x1x128xf32, #tpu.memory_space<vmem>>, vector<1x1x128xf32>
      %get3A_2059 = vector.shape_cast %get3A_2058 : vector<1x1x128xf32> to vector<1x128xf32>
      %jit3A_2060 = arith.constant 0.000000e+00 : f32
      %broadcast_in_dim3A_2061 = vector.broadcast %jit3A_2060 : f32 to vector<1x128xf32>
      %select_n3A_2062 = arith.select %and3A_2054, %broadcast_in_dim3A_2061, %get3A_2059 : vector<1x128xi1>, vector<1x128xf32>
      %swap3A_2063 = arith.constant 32 : index
      %swap3A_2064 = arith.constant 0 : index
      %swap3A_2065 = arith.constant 0 : index
      %swap3A_2066 = vector.load %arg6[%swap3A_2063, %swap3A_2064, %swap3A_2065] : memref<47x1x128xf32, #tpu.memory_space<vmem>>, vector<1x1x128xf32>
      %swap3A_2067 = vector.shape_cast %swap3A_2066 : vector<1x1x128xf32> to vector<1x128xf32>
      %swap3A_2068 = vector.shape_cast %select_n3A_2062 : vector<1x128xf32> to vector<1x1x128xf32>
      tpu.vector_store %arg6[%swap3A_2063, %swap3A_2064, %swap3A_2065], %swap3A_2068 {strides = array<i32>} : memref<47x1x128xf32, #tpu.memory_space<vmem>>, vector<1x1x128xf32>,
      %slice3A_2069 = vector.extract_strided_slice %dot_general3A_1344 {offsets = [0, 4224], sizes = [1, 128], strides = [1, 1]} : vector<1x6016xf32> to vector<1x128xf32>
      %gt3A_2070 = arith.constant 33 : i32
      %gt3A_2071 = arith.cmpi sgt, %gt3A_2070, %scan3A_1212 : i32
      %gt3A_2072 = arith.constant 0.000000e+00 : f32
      %gt3A_2073 = vector.broadcast %gt3A_2072 : f32 to vector<1x128xf32>
      %gt3A_2074 = arith.cmpf ogt, %slice3A_2069, %gt3A_2073 : vector<1x128xf32>
      %and3A_2075 = vector.broadcast %gt3A_2071 : i1 to vector<1x128xi1>
      %and3A_2076 = arith.andi %and3A_2075, %gt3A_2074 : vector<1x128xi1>
      %get3A_2077 = arith.constant 33 : index
      %get3A_2078 = arith.constant 0 : index
      %get3A_2079 = arith.constant 0 : index
      %get3A_2080 = vector.load %arg6[%get3A_2077, %get3A_2078, %get3A_2079] : memref<47x1x128xf32, #tpu.memory_space<vmem>>, vector<1x1x128xf32>
      %get3A_2081 = vector.shape_cast %get3A_2080 : vector<1x1x128xf32> to vector<1x128xf32>
      %jit3A_2082 = arith.constant 0.000000e+00 : f32
      %broadcast_in_dim3A_2083 = vector.broadcast %jit3A_2082 : f32 to vector<1x128xf32>
      %select_n3A_2084 = arith.select %and3A_2076, %broadcast_in_dim3A_2083, %get3A_2081 : vector<1x128xi1>, vector<1x128xf32>
      %swap3A_2085 = arith.constant 33 : index
      %swap3A_2086 = arith.constant 0 : index
      %swap3A_2087 = arith.constant 0 : index
      %swap3A_2088 = vector.load %arg6[%swap3A_2085, %swap3A_2086, %swap3A_2087] : memref<47x1x128xf32, #tpu.memory_space<vmem>>, vector<1x1x128xf32>
      %swap3A_2089 = vector.shape_cast %swap3A_2088 : vector<1x1x128xf32> to vector<1x128xf32>
      %swap3A_2090 = vector.shape_cast %select_n3A_2084 : vector<1x128xf32> to vector<1x1x128xf32>
      tpu.vector_store %arg6[%swap3A_2085, %swap3A_2086, %swap3A_2087], %swap3A_2090 {strides = array<i32>} : memref<47x1x128xf32, #tpu.memory_space<vmem>>, vector<1x1x128xf32>,
      %slice3A_2091 = vector.extract_strided_slice %dot_general3A_1344 {offsets = [0, 4352], sizes = [1, 128], strides = [1, 1]} : vector<1x6016xf32> to vector<1x128xf32>
      %gt3A_2092 = arith.constant 34 : i32
      %gt3A_2093 = arith.cmpi sgt, %gt3A_2092, %scan3A_1212 : i32
      %gt3A_2094 = arith.constant 0.000000e+00 : f32
      %gt3A_2095 = vector.broadcast %gt3A_2094 : f32 to vector<1x128xf32>
      %gt3A_2096 = arith.cmpf ogt, %slice3A_2091, %gt3A_2095 : vector<1x128xf32>
      %and3A_2097 = vector.broadcast %gt3A_2093 : i1 to vector<1x128xi1>
      %and3A_2098 = arith.andi %and3A_2097, %gt3A_2096 : vector<1x128xi1>
      %get3A_2099 = arith.constant 34 : index
      %get3A_2100 = arith.constant 0 : index
      %get3A_2101 = arith.constant 0 : index
      %get3A_2102 = vector.load %arg6[%get3A_2099, %get3A_2100, %get3A_2101] : memref<47x1x128xf32, #tpu.memory_space<vmem>>, vector<1x1x128xf32>
      %get3A_2103 = vector.shape_cast %get3A_2102 : vector<1x1x128xf32> to vector<1x128xf32>
      %jit3A_2104 = arith.constant 0.000000e+00 : f32
      %broadcast_in_dim3A_2105 = vector.broadcast %jit3A_2104 : f32 to vector<1x128xf32>
      %select_n3A_2106 = arith.select %and3A_2098, %broadcast_in_dim3A_2105, %get3A_2103 : vector<1x128xi1>, vector<1x128xf32>
      %swap3A_2107 = arith.constant 34 : index
      %swap3A_2108 = arith.constant 0 : index
      %swap3A_2109 = arith.constant 0 : index
      %swap3A_2110 = vector.load %arg6[%swap3A_2107, %swap3A_2108, %swap3A_2109] : memref<47x1x128xf32, #tpu.memory_space<vmem>>, vector<1x1x128xf32>
      %swap3A_2111 = vector.shape_cast %swap3A_2110 : vector<1x1x128xf32> to vector<1x128xf32>
      %swap3A_2112 = vector.shape_cast %select_n3A_2106 : vector<1x128xf32> to vector<1x1x128xf32>
      tpu.vector_store %arg6[%swap3A_2107, %swap3A_2108, %swap3A_2109], %swap3A_2112 {strides = array<i32>} : memref<47x1x128xf32, #tpu.memory_space<vmem>>, vector<1x1x128xf32>,
      %slice3A_2113 = vector.extract_strided_slice %dot_general3A_1344 {offsets = [0, 4480], sizes = [1, 128], strides = [1, 1]} : vector<1x6016xf32> to vector<1x128xf32>
      %gt3A_2114 = arith.constant 35 : i32
      %gt3A_2115 = arith.cmpi sgt, %gt3A_2114, %scan3A_1212 : i32
      %gt3A_2116 = arith.constant 0.000000e+00 : f32
      %gt3A_2117 = vector.broadcast %gt3A_2116 : f32 to vector<1x128xf32>
      %gt3A_2118 = arith.cmpf ogt, %slice3A_2113, %gt3A_2117 : vector<1x128xf32>
      %and3A_2119 = vector.broadcast %gt3A_2115 : i1 to vector<1x128xi1>
      %and3A_2120 = arith.andi %and3A_2119, %gt3A_2118 : vector<1x128xi1>
      %get3A_2121 = arith.constant 35 : index
      %get3A_2122 = arith.constant 0 : index
      %get3A_2123 = arith.constant 0 : index
      %get3A_2124 = vector.load %arg6[%get3A_2121, %get3A_2122, %get3A_2123] : memref<47x1x128xf32, #tpu.memory_space<vmem>>, vector<1x1x128xf32>
      %get3A_2125 = vector.shape_cast %get3A_2124 : vector<1x1x128xf32> to vector<1x128xf32>
      %jit3A_2126 = arith.constant 0.000000e+00 : f32
      %broadcast_in_dim3A_2127 = vector.broadcast %jit3A_2126 : f32 to vector<1x128xf32>
      %select_n3A_2128 = arith.select %and3A_2120, %broadcast_in_dim3A_2127, %get3A_2125 : vector<1x128xi1>, vector<1x128xf32>
      %swap3A_2129 = arith.constant 35 : index
      %swap3A_2130 = arith.constant 0 : index
      %swap3A_2131 = arith.constant 0 : index
      %swap3A_2132 = vector.load %arg6[%swap3A_2129, %swap3A_2130, %swap3A_2131] : memref<47x1x128xf32, #tpu.memory_space<vmem>>, vector<1x1x128xf32>
      %swap3A_2133 = vector.shape_cast %swap3A_2132 : vector<1x1x128xf32> to vector<1x128xf32>
      %swap3A_2134 = vector.shape_cast %select_n3A_2128 : vector<1x128xf32> to vector<1x1x128xf32>
      tpu.vector_store %arg6[%swap3A_2129, %swap3A_2130, %swap3A_2131], %swap3A_2134 {strides = array<i32>} : memref<47x1x128xf32, #tpu.memory_space<vmem>>, vector<1x1x128xf32>,
      %slice3A_2135 = vector.extract_strided_slice %dot_general3A_1344 {offsets = [0, 4608], sizes = [1, 128], strides = [1, 1]} : vector<1x6016xf32> to vector<1x128xf32>
      %gt3A_2136 = arith.constant 36 : i32
      %gt3A_2137 = arith.cmpi sgt, %gt3A_2136, %scan3A_1212 : i32
      %gt3A_2138 = arith.constant 0.000000e+00 : f32
      %gt3A_2139 = vector.broadcast %gt3A_2138 : f32 to vector<1x128xf32>
      %gt3A_2140 = arith.cmpf ogt, %slice3A_2135, %gt3A_2139 : vector<1x128xf32>
      %and3A_2141 = vector.broadcast %gt3A_2137 : i1 to vector<1x128xi1>
      %and3A_2142 = arith.andi %and3A_2141, %gt3A_2140 : vector<1x128xi1>
      %get3A_2143 = arith.constant 36 : index
      %get3A_2144 = arith.constant 0 : index
      %get3A_2145 = arith.constant 0 : index
      %get3A_2146 = vector.load %arg6[%get3A_2143, %get3A_2144, %get3A_2145] : memref<47x1x128xf32, #tpu.memory_space<vmem>>, vector<1x1x128xf32>
      %get3A_2147 = vector.shape_cast %get3A_2146 : vector<1x1x128xf32> to vector<1x128xf32>
      %jit3A_2148 = arith.constant 0.000000e+00 : f32
      %broadcast_in_dim3A_2149 = vector.broadcast %jit3A_2148 : f32 to vector<1x128xf32>
      %select_n3A_2150 = arith.select %and3A_2142, %broadcast_in_dim3A_2149, %get3A_2147 : vector<1x128xi1>, vector<1x128xf32>
      %swap3A_2151 = arith.constant 36 : index
      %swap3A_2152 = arith.constant 0 : index
      %swap3A_2153 = arith.constant 0 : index
      %swap3A_2154 = vector.load %arg6[%swap3A_2151, %swap3A_2152, %swap3A_2153] : memref<47x1x128xf32, #tpu.memory_space<vmem>>, vector<1x1x128xf32>
      %swap3A_2155 = vector.shape_cast %swap3A_2154 : vector<1x1x128xf32> to vector<1x128xf32>
      %swap3A_2156 = vector.shape_cast %select_n3A_2150 : vector<1x128xf32> to vector<1x1x128xf32>
      tpu.vector_store %arg6[%swap3A_2151, %swap3A_2152, %swap3A_2153], %swap3A_2156 {strides = array<i32>} : memref<47x1x128xf32, #tpu.memory_space<vmem>>, vector<1x1x128xf32>,
      %slice3A_2157 = vector.extract_strided_slice %dot_general3A_1344 {offsets = [0, 4736], sizes = [1, 128], strides = [1, 1]} : vector<1x6016xf32> to vector<1x128xf32>
      %gt3A_2158 = arith.constant 37 : i32
      %gt3A_2159 = arith.cmpi sgt, %gt3A_2158, %scan3A_1212 : i32
      %gt3A_2160 = arith.constant 0.000000e+00 : f32
      %gt3A_2161 = vector.broadcast %gt3A_2160 : f32 to vector<1x128xf32>
      %gt3A_2162 = arith.cmpf ogt, %slice3A_2157, %gt3A_2161 : vector<1x128xf32>
      %and3A_2163 = vector.broadcast %gt3A_2159 : i1 to vector<1x128xi1>
      %and3A_2164 = arith.andi %and3A_2163, %gt3A_2162 : vector<1x128xi1>
      %get3A_2165 = arith.constant 37 : index
      %get3A_2166 = arith.constant 0 : index
      %get3A_2167 = arith.constant 0 : index
      %get3A_2168 = vector.load %arg6[%get3A_2165, %get3A_2166, %get3A_2167] : memref<47x1x128xf32, #tpu.memory_space<vmem>>, vector<1x1x128xf32>
      %get3A_2169 = vector.shape_cast %get3A_2168 : vector<1x1x128xf32> to vector<1x128xf32>
      %jit3A_2170 = arith.constant 0.000000e+00 : f32
      %broadcast_in_dim3A_2171 = vector.broadcast %jit3A_2170 : f32 to vector<1x128xf32>
      %select_n3A_2172 = arith.select %and3A_2164, %broadcast_in_dim3A_2171, %get3A_2169 : vector<1x128xi1>, vector<1x128xf32>
      %swap3A_2173 = arith.constant 37 : index
      %swap3A_2174 = arith.constant 0 : index
      %swap3A_2175 = arith.constant 0 : index
      %swap3A_2176 = vector.load %arg6[%swap3A_2173, %swap3A_2174, %swap3A_2175] : memref<47x1x128xf32, #tpu.memory_space<vmem>>, vector<1x1x128xf32>
      %swap3A_2177 = vector.shape_cast %swap3A_2176 : vector<1x1x128xf32> to vector<1x128xf32>
      %swap3A_2178 = vector.shape_cast %select_n3A_2172 : vector<1x128xf32> to vector<1x1x128xf32>
      tpu.vector_store %arg6[%swap3A_2173, %swap3A_2174, %swap3A_2175], %swap3A_2178 {strides = array<i32>} : memref<47x1x128xf32, #tpu.memory_space<vmem>>, vector<1x1x128xf32>,
      %slice3A_2179 = vector.extract_strided_slice %dot_general3A_1344 {offsets = [0, 4864], sizes = [1, 128], strides = [1, 1]} : vector<1x6016xf32> to vector<1x128xf32>
      %gt3A_2180 = arith.constant 38 : i32
      %gt3A_2181 = arith.cmpi sgt, %gt3A_2180, %scan3A_1212 : i32
      %gt3A_2182 = arith.constant 0.000000e+00 : f32
      %gt3A_2183 = vector.broadcast %gt3A_2182 : f32 to vector<1x128xf32>
      %gt3A_2184 = arith.cmpf ogt, %slice3A_2179, %gt3A_2183 : vector<1x128xf32>
      %and3A_2185 = vector.broadcast %gt3A_2181 : i1 to vector<1x128xi1>
      %and3A_2186 = arith.andi %and3A_2185, %gt3A_2184 : vector<1x128xi1>
      %get3A_2187 = arith.constant 38 : index
      %get3A_2188 = arith.constant 0 : index
      %get3A_2189 = arith.constant 0 : index
      %get3A_2190 = vector.load %arg6[%get3A_2187, %get3A_2188, %get3A_2189] : memref<47x1x128xf32, #tpu.memory_space<vmem>>, vector<1x1x128xf32>
      %get3A_2191 = vector.shape_cast %get3A_2190 : vector<1x1x128xf32> to vector<1x128xf32>
      %jit3A_2192 = arith.constant 0.000000e+00 : f32
      %broadcast_in_dim3A_2193 = vector.broadcast %jit3A_2192 : f32 to vector<1x128xf32>
      %select_n3A_2194 = arith.select %and3A_2186, %broadcast_in_dim3A_2193, %get3A_2191 : vector<1x128xi1>, vector<1x128xf32>
      %swap3A_2195 = arith.constant 38 : index
      %swap3A_2196 = arith.constant 0 : index
      %swap3A_2197 = arith.constant 0 : index
      %swap3A_2198 = vector.load %arg6[%swap3A_2195, %swap3A_2196, %swap3A_2197] : memref<47x1x128xf32, #tpu.memory_space<vmem>>, vector<1x1x128xf32>
      %swap3A_2199 = vector.shape_cast %swap3A_2198 : vector<1x1x128xf32> to vector<1x128xf32>
      %swap3A_2200 = vector.shape_cast %select_n3A_2194 : vector<1x128xf32> to vector<1x1x128xf32>
      tpu.vector_store %arg6[%swap3A_2195, %swap3A_2196, %swap3A_2197], %swap3A_2200 {strides = array<i32>} : memref<47x1x128xf32, #tpu.memory_space<vmem>>, vector<1x1x128xf32>,
      %slice3A_2201 = vector.extract_strided_slice %dot_general3A_1344 {offsets = [0, 4992], sizes = [1, 128], strides = [1, 1]} : vector<1x6016xf32> to vector<1x128xf32>
      %gt3A_2202 = arith.constant 39 : i32
      %gt3A_2203 = arith.cmpi sgt, %gt3A_2202, %scan3A_1212 : i32
      %gt3A_2204 = arith.constant 0.000000e+00 : f32
      %gt3A_2205 = vector.broadcast %gt3A_2204 : f32 to vector<1x128xf32>
      %gt3A_2206 = arith.cmpf ogt, %slice3A_2201, %gt3A_2205 : vector<1x128xf32>
      %and3A_2207 = vector.broadcast %gt3A_2203 : i1 to vector<1x128xi1>
      %and3A_2208 = arith.andi %and3A_2207, %gt3A_2206 : vector<1x128xi1>
      %get3A_2209 = arith.constant 39 : index
      %get3A_2210 = arith.constant 0 : index
      %get3A_2211 = arith.constant 0 : index
      %get3A_2212 = vector.load %arg6[%get3A_2209, %get3A_2210, %get3A_2211] : memref<47x1x128xf32, #tpu.memory_space<vmem>>, vector<1x1x128xf32>
      %get3A_2213 = vector.shape_cast %get3A_2212 : vector<1x1x128xf32> to vector<1x128xf32>
      %jit3A_2214 = arith.constant 0.000000e+00 : f32
      %broadcast_in_dim3A_2215 = vector.broadcast %jit3A_2214 : f32 to vector<1x128xf32>
      %select_n3A_2216 = arith.select %and3A_2208, %broadcast_in_dim3A_2215, %get3A_2213 : vector<1x128xi1>, vector<1x128xf32>
      %swap3A_2217 = arith.constant 39 : index
      %swap3A_2218 = arith.constant 0 : index
      %swap3A_2219 = arith.constant 0 : index
      %swap3A_2220 = vector.load %arg6[%swap3A_2217, %swap3A_2218, %swap3A_2219] : memref<47x1x128xf32, #tpu.memory_space<vmem>>, vector<1x1x128xf32>
      %swap3A_2221 = vector.shape_cast %swap3A_2220 : vector<1x1x128xf32> to vector<1x128xf32>
      %swap3A_2222 = vector.shape_cast %select_n3A_2216 : vector<1x128xf32> to vector<1x1x128xf32>
      tpu.vector_store %arg6[%swap3A_2217, %swap3A_2218, %swap3A_2219], %swap3A_2222 {strides = array<i32>} : memref<47x1x128xf32, #tpu.memory_space<vmem>>, vector<1x1x128xf32>,
      %slice3A_2223 = vector.extract_strided_slice %dot_general3A_1344 {offsets = [0, 5120], sizes = [1, 128], strides = [1, 1]} : vector<1x6016xf32> to vector<1x128xf32>
      %gt3A_2224 = arith.constant 40 : i32
      %gt3A_2225 = arith.cmpi sgt, %gt3A_2224, %scan3A_1212 : i32
      %gt3A_2226 = arith.constant 0.000000e+00 : f32
      %gt3A_2227 = vector.broadcast %gt3A_2226 : f32 to vector<1x128xf32>
      %gt3A_2228 = arith.cmpf ogt, %slice3A_2223, %gt3A_2227 : vector<1x128xf32>
      %and3A_2229 = vector.broadcast %gt3A_2225 : i1 to vector<1x128xi1>
      %and3A_2230 = arith.andi %and3A_2229, %gt3A_2228 : vector<1x128xi1>
      %get3A_2231 = arith.constant 40 : index
      %get3A_2232 = arith.constant 0 : index
      %get3A_2233 = arith.constant 0 : index
      %get3A_2234 = vector.load %arg6[%get3A_2231, %get3A_2232, %get3A_2233] : memref<47x1x128xf32, #tpu.memory_space<vmem>>, vector<1x1x128xf32>
      %get3A_2235 = vector.shape_cast %get3A_2234 : vector<1x1x128xf32> to vector<1x128xf32>
      %jit3A_2236 = arith.constant 0.000000e+00 : f32
      %broadcast_in_dim3A_2237 = vector.broadcast %jit3A_2236 : f32 to vector<1x128xf32>
      %select_n3A_2238 = arith.select %and3A_2230, %broadcast_in_dim3A_2237, %get3A_2235 : vector<1x128xi1>, vector<1x128xf32>
      %swap3A_2239 = arith.constant 40 : index
      %swap3A_2240 = arith.constant 0 : index
      %swap3A_2241 = arith.constant 0 : index
      %swap3A_2242 = vector.load %arg6[%swap3A_2239, %swap3A_2240, %swap3A_2241] : memref<47x1x128xf32, #tpu.memory_space<vmem>>, vector<1x1x128xf32>
      %swap3A_2243 = vector.shape_cast %swap3A_2242 : vector<1x1x128xf32> to vector<1x128xf32>
      %swap3A_2244 = vector.shape_cast %select_n3A_2238 : vector<1x128xf32> to vector<1x1x128xf32>
      tpu.vector_store %arg6[%swap3A_2239, %swap3A_2240, %swap3A_2241], %swap3A_2244 {strides = array<i32>} : memref<47x1x128xf32, #tpu.memory_space<vmem>>, vector<1x1x128xf32>,
      %slice3A_2245 = vector.extract_strided_slice %dot_general3A_1344 {offsets = [0, 5248], sizes = [1, 128], strides = [1, 1]} : vector<1x6016xf32> to vector<1x128xf32>
      %gt3A_2246 = arith.constant 41 : i32
      %gt3A_2247 = arith.cmpi sgt, %gt3A_2246, %scan3A_1212 : i32
      %gt3A_2248 = arith.constant 0.000000e+00 : f32
      %gt3A_2249 = vector.broadcast %gt3A_2248 : f32 to vector<1x128xf32>
      %gt3A_2250 = arith.cmpf ogt, %slice3A_2245, %gt3A_2249 : vector<1x128xf32>
      %and3A_2251 = vector.broadcast %gt3A_2247 : i1 to vector<1x128xi1>
      %and3A_2252 = arith.andi %and3A_2251, %gt3A_2250 : vector<1x128xi1>
      %get3A_2253 = arith.constant 41 : index
      %get3A_2254 = arith.constant 0 : index
      %get3A_2255 = arith.constant 0 : index
      %get3A_2256 = vector.load %arg6[%get3A_2253, %get3A_2254, %get3A_2255] : memref<47x1x128xf32, #tpu.memory_space<vmem>>, vector<1x1x128xf32>
      %get3A_2257 = vector.shape_cast %get3A_2256 : vector<1x1x128xf32> to vector<1x128xf32>
      %jit3A_2258 = arith.constant 0.000000e+00 : f32
      %broadcast_in_dim3A_2259 = vector.broadcast %jit3A_2258 : f32 to vector<1x128xf32>
      %select_n3A_2260 = arith.select %and3A_2252, %broadcast_in_dim3A_2259, %get3A_2257 : vector<1x128xi1>, vector<1x128xf32>
      %swap3A_2261 = arith.constant 41 : index
      %swap3A_2262 = arith.constant 0 : index
      %swap3A_2263 = arith.constant 0 : index
      %swap3A_2264 = vector.load %arg6[%swap3A_2261, %swap3A_2262, %swap3A_2263] : memref<47x1x128xf32, #tpu.memory_space<vmem>>, vector<1x1x128xf32>
      %swap3A_2265 = vector.shape_cast %swap3A_2264 : vector<1x1x128xf32> to vector<1x128xf32>
      %swap3A_2266 = vector.shape_cast %select_n3A_2260 : vector<1x128xf32> to vector<1x1x128xf32>
      tpu.vector_store %arg6[%swap3A_2261, %swap3A_2262, %swap3A_2263], %swap3A_2266 {strides = array<i32>} : memref<47x1x128xf32, #tpu.memory_space<vmem>>, vector<1x1x128xf32>,
      %slice3A_2267 = vector.extract_strided_slice %dot_general3A_1344 {offsets = [0, 5376], sizes = [1, 128], strides = [1, 1]} : vector<1x6016xf32> to vector<1x128xf32>
      %gt3A_2268 = arith.constant 42 : i32
      %gt3A_2269 = arith.cmpi sgt, %gt3A_2268, %scan3A_1212 : i32
      %gt3A_2270 = arith.constant 0.000000e+00 : f32
      %gt3A_2271 = vector.broadcast %gt3A_2270 : f32 to vector<1x128xf32>
      %gt3A_2272 = arith.cmpf ogt, %slice3A_2267, %gt3A_2271 : vector<1x128xf32>
      %and3A_2273 = vector.broadcast %gt3A_2269 : i1 to vector<1x128xi1>
      %and3A_2274 = arith.andi %and3A_2273, %gt3A_2272 : vector<1x128xi1>
      %get3A_2275 = arith.constant 42 : index
      %get3A_2276 = arith.constant 0 : index
      %get3A_2277 = arith.constant 0 : index
      %get3A_2278 = vector.load %arg6[%get3A_2275, %get3A_2276, %get3A_2277] : memref<47x1x128xf32, #tpu.memory_space<vmem>>, vector<1x1x128xf32>
      %get3A_2279 = vector.shape_cast %get3A_2278 : vector<1x1x128xf32> to vector<1x128xf32>
      %jit3A_2280 = arith.constant 0.000000e+00 : f32
      %broadcast_in_dim3A_2281 = vector.broadcast %jit3A_2280 : f32 to vector<1x128xf32>
      %select_n3A_2282 = arith.select %and3A_2274, %broadcast_in_dim3A_2281, %get3A_2279 : vector<1x128xi1>, vector<1x128xf32>
      %swap3A_2283 = arith.constant 42 : index
      %swap3A_2284 = arith.constant 0 : index
      %swap3A_2285 = arith.constant 0 : index
      %swap3A_2286 = vector.load %arg6[%swap3A_2283, %swap3A_2284, %swap3A_2285] : memref<47x1x128xf32, #tpu.memory_space<vmem>>, vector<1x1x128xf32>
      %swap3A_2287 = vector.shape_cast %swap3A_2286 : vector<1x1x128xf32> to vector<1x128xf32>
      %swap3A_2288 = vector.shape_cast %select_n3A_2282 : vector<1x128xf32> to vector<1x1x128xf32>
      tpu.vector_store %arg6[%swap3A_2283, %swap3A_2284, %swap3A_2285], %swap3A_2288 {strides = array<i32>} : memref<47x1x128xf32, #tpu.memory_space<vmem>>, vector<1x1x128xf32>,
      %slice3A_2289 = vector.extract_strided_slice %dot_general3A_1344 {offsets = [0, 5504], sizes = [1, 128], strides = [1, 1]} : vector<1x6016xf32> to vector<1x128xf32>
      %gt3A_2290 = arith.constant 43 : i32
      %gt3A_2291 = arith.cmpi sgt, %gt3A_2290, %scan3A_1212 : i32
      %gt3A_2292 = arith.constant 0.000000e+00 : f32
      %gt3A_2293 = vector.broadcast %gt3A_2292 : f32 to vector<1x128xf32>
      %gt3A_2294 = arith.cmpf ogt, %slice3A_2289, %gt3A_2293 : vector<1x128xf32>
      %and3A_2295 = vector.broadcast %gt3A_2291 : i1 to vector<1x128xi1>
      %and3A_2296 = arith.andi %and3A_2295, %gt3A_2294 : vector<1x128xi1>
      %get3A_2297 = arith.constant 43 : index
      %get3A_2298 = arith.constant 0 : index
      %get3A_2299 = arith.constant 0 : index
      %get3A_2300 = vector.load %arg6[%get3A_2297, %get3A_2298, %get3A_2299] : memref<47x1x128xf32, #tpu.memory_space<vmem>>, vector<1x1x128xf32>
      %get3A_2301 = vector.shape_cast %get3A_2300 : vector<1x1x128xf32> to vector<1x128xf32>
      %jit3A_2302 = arith.constant 0.000000e+00 : f32
      %broadcast_in_dim3A_2303 = vector.broadcast %jit3A_2302 : f32 to vector<1x128xf32>
      %select_n3A_2304 = arith.select %and3A_2296, %broadcast_in_dim3A_2303, %get3A_2301 : vector<1x128xi1>, vector<1x128xf32>
      %swap3A_2305 = arith.constant 43 : index
      %swap3A_2306 = arith.constant 0 : index
      %swap3A_2307 = arith.constant 0 : index
      %swap3A_2308 = vector.load %arg6[%swap3A_2305, %swap3A_2306, %swap3A_2307] : memref<47x1x128xf32, #tpu.memory_space<vmem>>, vector<1x1x128xf32>
      %swap3A_2309 = vector.shape_cast %swap3A_2308 : vector<1x1x128xf32> to vector<1x128xf32>
      %swap3A_2310 = vector.shape_cast %select_n3A_2304 : vector<1x128xf32> to vector<1x1x128xf32>
      tpu.vector_store %arg6[%swap3A_2305, %swap3A_2306, %swap3A_2307], %swap3A_2310 {strides = array<i32>} : memref<47x1x128xf32, #tpu.memory_space<vmem>>, vector<1x1x128xf32>,
      %slice3A_2311 = vector.extract_strided_slice %dot_general3A_1344 {offsets = [0, 5632], sizes = [1, 128], strides = [1, 1]} : vector<1x6016xf32> to vector<1x128xf32>
      %gt3A_2312 = arith.constant 44 : i32
      %gt3A_2313 = arith.cmpi sgt, %gt3A_2312, %scan3A_1212 : i32
      %gt3A_2314 = arith.constant 0.000000e+00 : f32
      %gt3A_2315 = vector.broadcast %gt3A_2314 : f32 to vector<1x128xf32>
      %gt3A_2316 = arith.cmpf ogt, %slice3A_2311, %gt3A_2315 : vector<1x128xf32>
      %and3A_2317 = vector.broadcast %gt3A_2313 : i1 to vector<1x128xi1>
      %and3A_2318 = arith.andi %and3A_2317, %gt3A_2316 : vector<1x128xi1>
      %get3A_2319 = arith.constant 44 : index
      %get3A_2320 = arith.constant 0 : index
      %get3A_2321 = arith.constant 0 : index
      %get3A_2322 = vector.load %arg6[%get3A_2319, %get3A_2320, %get3A_2321] : memref<47x1x128xf32, #tpu.memory_space<vmem>>, vector<1x1x128xf32>
      %get3A_2323 = vector.shape_cast %get3A_2322 : vector<1x1x128xf32> to vector<1x128xf32>
      %jit3A_2324 = arith.constant 0.000000e+00 : f32
      %broadcast_in_dim3A_2325 = vector.broadcast %jit3A_2324 : f32 to vector<1x128xf32>
      %select_n3A_2326 = arith.select %and3A_2318, %broadcast_in_dim3A_2325, %get3A_2323 : vector<1x128xi1>, vector<1x128xf32>
      %swap3A_2327 = arith.constant 44 : index
      %swap3A_2328 = arith.constant 0 : index
      %swap3A_2329 = arith.constant 0 : index
      %swap3A_2330 = vector.load %arg6[%swap3A_2327, %swap3A_2328, %swap3A_2329] : memref<47x1x128xf32, #tpu.memory_space<vmem>>, vector<1x1x128xf32>
      %swap3A_2331 = vector.shape_cast %swap3A_2330 : vector<1x1x128xf32> to vector<1x128xf32>
      %swap3A_2332 = vector.shape_cast %select_n3A_2326 : vector<1x128xf32> to vector<1x1x128xf32>
      tpu.vector_store %arg6[%swap3A_2327, %swap3A_2328, %swap3A_2329], %swap3A_2332 {strides = array<i32>} : memref<47x1x128xf32, #tpu.memory_space<vmem>>, vector<1x1x128xf32>,
      %slice3A_2333 = vector.extract_strided_slice %dot_general3A_1344 {offsets = [0, 5760], sizes = [1, 128], strides = [1, 1]} : vector<1x6016xf32> to vector<1x128xf32>
      %gt3A_2334 = arith.constant 45 : i32
      %gt3A_2335 = arith.cmpi sgt, %gt3A_2334, %scan3A_1212 : i32
      %gt3A_2336 = arith.constant 0.000000e+00 : f32
      %gt3A_2337 = vector.broadcast %gt3A_2336 : f32 to vector<1x128xf32>
      %gt3A_2338 = arith.cmpf ogt, %slice3A_2333, %gt3A_2337 : vector<1x128xf32>
      %and3A_2339 = vector.broadcast %gt3A_2335 : i1 to vector<1x128xi1>
      %and3A_2340 = arith.andi %and3A_2339, %gt3A_2338 : vector<1x128xi1>
      %get3A_2341 = arith.constant 45 : index
      %get3A_2342 = arith.constant 0 : index
      %get3A_2343 = arith.constant 0 : index
      %get3A_2344 = vector.load %arg6[%get3A_2341, %get3A_2342, %get3A_2343] : memref<47x1x128xf32, #tpu.memory_space<vmem>>, vector<1x1x128xf32>
      %get3A_2345 = vector.shape_cast %get3A_2344 : vector<1x1x128xf32> to vector<1x128xf32>
      %jit3A_2346 = arith.constant 0.000000e+00 : f32
      %broadcast_in_dim3A_2347 = vector.broadcast %jit3A_2346 : f32 to vector<1x128xf32>
      %select_n3A_2348 = arith.select %and3A_2340, %broadcast_in_dim3A_2347, %get3A_2345 : vector<1x128xi1>, vector<1x128xf32>
      %swap3A_2349 = arith.constant 45 : index
      %swap3A_2350 = arith.constant 0 : index
      %swap3A_2351 = arith.constant 0 : index
      %swap3A_2352 = vector.load %arg6[%swap3A_2349, %swap3A_2350, %swap3A_2351] : memref<47x1x128xf32, #tpu.memory_space<vmem>>, vector<1x1x128xf32>
      %swap3A_2353 = vector.shape_cast %swap3A_2352 : vector<1x1x128xf32> to vector<1x128xf32>
      %swap3A_2354 = vector.shape_cast %select_n3A_2348 : vector<1x128xf32> to vector<1x1x128xf32>
      tpu.vector_store %arg6[%swap3A_2349, %swap3A_2350, %swap3A_2351], %swap3A_2354 {strides = array<i32>} : memref<47x1x128xf32, #tpu.memory_space<vmem>>, vector<1x1x128xf32>,
      %slice3A_2355 = vector.extract_strided_slice %dot_general3A_1344 {offsets = [0, 5888], sizes = [1, 128], strides = [1, 1]} : vector<1x6016xf32> to vector<1x128xf32>
      %gt3A_2356 = arith.constant 46 : i32
      %gt3A_2357 = arith.cmpi sgt, %gt3A_2356, %scan3A_1212 : i32
      %gt3A_2358 = arith.constant 0.000000e+00 : f32
      %gt3A_2359 = vector.broadcast %gt3A_2358 : f32 to vector<1x128xf32>
      %gt3A_2360 = arith.cmpf ogt, %slice3A_2355, %gt3A_2359 : vector<1x128xf32>
      %and3A_2361 = vector.broadcast %gt3A_2357 : i1 to vector<1x128xi1>
      %and3A_2362 = arith.andi %and3A_2361, %gt3A_2360 : vector<1x128xi1>
      %get3A_2363 = arith.constant 46 : index
      %get3A_2364 = arith.constant 0 : index
      %get3A_2365 = arith.constant 0 : index
      %get3A_2366 = vector.load %arg6[%get3A_2363, %get3A_2364, %get3A_2365] : memref<47x1x128xf32, #tpu.memory_space<vmem>>, vector<1x1x128xf32>
      %get3A_2367 = vector.shape_cast %get3A_2366 : vector<1x1x128xf32> to vector<1x128xf32>
      %jit3A_2368 = arith.constant 0.000000e+00 : f32
      %broadcast_in_dim3A_2369 = vector.broadcast %jit3A_2368 : f32 to vector<1x128xf32>
      %select_n3A_2370 = arith.select %and3A_2362, %broadcast_in_dim3A_2369, %get3A_2367 : vector<1x128xi1>, vector<1x128xf32>
      %swap3A_2371 = arith.constant 46 : index
      %swap3A_2372 = arith.constant 0 : index
      %swap3A_2373 = arith.constant 0 : index
      %swap3A_2374 = vector.load %arg6[%swap3A_2371, %swap3A_2372, %swap3A_2373] : memref<47x1x128xf32, #tpu.memory_space<vmem>>, vector<1x1x128xf32>
      %swap3A_2375 = vector.shape_cast %swap3A_2374 : vector<1x1x128xf32> to vector<1x128xf32>
      %swap3A_2376 = vector.shape_cast %select_n3A_2370 : vector<1x128xf32> to vector<1x1x128xf32>
      tpu.vector_store %arg6[%swap3A_2371, %swap3A_2372, %swap3A_2373], %swap3A_2376 {strides = array<i32>} : memref<47x1x128xf32, #tpu.memory_space<vmem>>, vector<1x1x128xf32>,
    }
    %scan3A_394 = arith.constant 47 : i32
    %get3A_395 = arith.constant 0 : index
    %get3A_396 = arith.constant 0 : index
    %get3A_397 = arith.constant 0 : index
    %get3A_398 = vector.load %arg6[%get3A_395, %get3A_396, %get3A_397] : memref<47x1x128xf32, #tpu.memory_space<vmem>>, vector<1x1x128xf32>
    %get3A_399 = vector.shape_cast %get3A_398 : vector<1x1x128xf32> to vector<1x128xf32>
    %get3A_400 = arith.constant 1 : index
    %get3A_401 = arith.constant 0 : index
    %get3A_402 = arith.constant 0 : index
    %get3A_403 = vector.load %arg6[%get3A_400, %get3A_401, %get3A_402] : memref<47x1x128xf32, #tpu.memory_space<vmem>>, vector<1x1x128xf32>
    %get3A_404 = vector.shape_cast %get3A_403 : vector<1x1x128xf32> to vector<1x128xf32>
    %get3A_405 = arith.constant 2 : index
    %get3A_406 = arith.constant 0 : index
    %get3A_407 = arith.constant 0 : index
    %get3A_408 = vector.load %arg6[%get3A_405, %get3A_406, %get3A_407] : memref<47x1x128xf32, #tpu.memory_space<vmem>>, vector<1x1x128xf32>
    %get3A_409 = vector.shape_cast %get3A_408 : vector<1x1x128xf32> to vector<1x128xf32>
    %get3A_410 = arith.constant 3 : index
    %get3A_411 = arith.constant 0 : index
    %get3A_412 = arith.constant 0 : index
    %get3A_413 = vector.load %arg6[%get3A_410, %get3A_411, %get3A_412] : memref<47x1x128xf32, #tpu.memory_space<vmem>>, vector<1x1x128xf32>
    %get3A_414 = vector.shape_cast %get3A_413 : vector<1x1x128xf32> to vector<1x128xf32>
    %get3A_415 = arith.constant 4 : index
    %get3A_416 = arith.constant 0 : index
    %get3A_417 = arith.constant 0 : index
    %get3A_418 = vector.load %arg6[%get3A_415, %get3A_416, %get3A_417] : memref<47x1x128xf32, #tpu.memory_space<vmem>>, vector<1x1x128xf32>
    %get3A_419 = vector.shape_cast %get3A_418 : vector<1x1x128xf32> to vector<1x128xf32>
    %get3A_420 = arith.constant 5 : index
    %get3A_421 = arith.constant 0 : index
    %get3A_422 = arith.constant 0 : index
    %get3A_423 = vector.load %arg6[%get3A_420, %get3A_421, %get3A_422] : memref<47x1x128xf32, #tpu.memory_space<vmem>>, vector<1x1x128xf32>
    %get3A_424 = vector.shape_cast %get3A_423 : vector<1x1x128xf32> to vector<1x128xf32>
    %get3A_425 = arith.constant 6 : index
    %get3A_426 = arith.constant 0 : index
    %get3A_427 = arith.constant 0 : index
    %get3A_428 = vector.load %arg6[%get3A_425, %get3A_426, %get3A_427] : memref<47x1x128xf32, #tpu.memory_space<vmem>>, vector<1x1x128xf32>
    %get3A_429 = vector.shape_cast %get3A_428 : vector<1x1x128xf32> to vector<1x128xf32>
    %get3A_430 = arith.constant 7 : index
    %get3A_431 = arith.constant 0 : index
    %get3A_432 = arith.constant 0 : index
    %get3A_433 = vector.load %arg6[%get3A_430, %get3A_431, %get3A_432] : memref<47x1x128xf32, #tpu.memory_space<vmem>>, vector<1x1x128xf32>
    %get3A_434 = vector.shape_cast %get3A_433 : vector<1x1x128xf32> to vector<1x128xf32>
    %get3A_435 = arith.constant 8 : index
    %get3A_436 = arith.constant 0 : index
    %get3A_437 = arith.constant 0 : index
    %get3A_438 = vector.load %arg6[%get3A_435, %get3A_436, %get3A_437] : memref<47x1x128xf32, #tpu.memory_space<vmem>>, vector<1x1x128xf32>
    %get3A_439 = vector.shape_cast %get3A_438 : vector<1x1x128xf32> to vector<1x128xf32>
    %get3A_440 = arith.constant 9 : index
    %get3A_441 = arith.constant 0 : index
    %get3A_442 = arith.constant 0 : index
    %get3A_443 = vector.load %arg6[%get3A_440, %get3A_441, %get3A_442] : memref<47x1x128xf32, #tpu.memory_space<vmem>>, vector<1x1x128xf32>
    %get3A_444 = vector.shape_cast %get3A_443 : vector<1x1x128xf32> to vector<1x128xf32>
    %get3A_445 = arith.constant 10 : index
    %get3A_446 = arith.constant 0 : index
    %get3A_447 = arith.constant 0 : index
    %get3A_448 = vector.load %arg6[%get3A_445, %get3A_446, %get3A_447] : memref<47x1x128xf32, #tpu.memory_space<vmem>>, vector<1x1x128xf32>
    %get3A_449 = vector.shape_cast %get3A_448 : vector<1x1x128xf32> to vector<1x128xf32>
    %get3A_450 = arith.constant 11 : index
    %get3A_451 = arith.constant 0 : index
    %get3A_452 = arith.constant 0 : index
    %get3A_453 = vector.load %arg6[%get3A_450, %get3A_451, %get3A_452] : memref<47x1x128xf32, #tpu.memory_space<vmem>>, vector<1x1x128xf32>
    %get3A_454 = vector.shape_cast %get3A_453 : vector<1x1x128xf32> to vector<1x128xf32>
    %get3A_455 = arith.constant 12 : index
    %get3A_456 = arith.constant 0 : index
    %get3A_457 = arith.constant 0 : index
    %get3A_458 = vector.load %arg6[%get3A_455, %get3A_456, %get3A_457] : memref<47x1x128xf32, #tpu.memory_space<vmem>>, vector<1x1x128xf32>
    %get3A_459 = vector.shape_cast %get3A_458 : vector<1x1x128xf32> to vector<1x128xf32>
    %get3A_460 = arith.constant 13 : index
    %get3A_461 = arith.constant 0 : index
    %get3A_462 = arith.constant 0 : index
    %get3A_463 = vector.load %arg6[%get3A_460, %get3A_461, %get3A_462] : memref<47x1x128xf32, #tpu.memory_space<vmem>>, vector<1x1x128xf32>
    %get3A_464 = vector.shape_cast %get3A_463 : vector<1x1x128xf32> to vector<1x128xf32>
    %get3A_465 = arith.constant 14 : index
    %get3A_466 = arith.constant 0 : index
    %get3A_467 = arith.constant 0 : index
    %get3A_468 = vector.load %arg6[%get3A_465, %get3A_466, %get3A_467] : memref<47x1x128xf32, #tpu.memory_space<vmem>>, vector<1x1x128xf32>
    %get3A_469 = vector.shape_cast %get3A_468 : vector<1x1x128xf32> to vector<1x128xf32>
    %get3A_470 = arith.constant 15 : index
    %get3A_471 = arith.constant 0 : index
    %get3A_472 = arith.constant 0 : index
    %get3A_473 = vector.load %arg6[%get3A_470, %get3A_471, %get3A_472] : memref<47x1x128xf32, #tpu.memory_space<vmem>>, vector<1x1x128xf32>
    %get3A_474 = vector.shape_cast %get3A_473 : vector<1x1x128xf32> to vector<1x128xf32>
    %get3A_475 = arith.constant 16 : index
    %get3A_476 = arith.constant 0 : index
    %get3A_477 = arith.constant 0 : index
    %get3A_478 = vector.load %arg6[%get3A_475, %get3A_476, %get3A_477] : memref<47x1x128xf32, #tpu.memory_space<vmem>>, vector<1x1x128xf32>
    %get3A_479 = vector.shape_cast %get3A_478 : vector<1x1x128xf32> to vector<1x128xf32>
    %get3A_480 = arith.constant 17 : index
    %get3A_481 = arith.constant 0 : index
    %get3A_482 = arith.constant 0 : index
    %get3A_483 = vector.load %arg6[%get3A_480, %get3A_481, %get3A_482] : memref<47x1x128xf32, #tpu.memory_space<vmem>>, vector<1x1x128xf32>
    %get3A_484 = vector.shape_cast %get3A_483 : vector<1x1x128xf32> to vector<1x128xf32>
    %get3A_485 = arith.constant 18 : index
    %get3A_486 = arith.constant 0 : index
    %get3A_487 = arith.constant 0 : index
    %get3A_488 = vector.load %arg6[%get3A_485, %get3A_486, %get3A_487] : memref<47x1x128xf32, #tpu.memory_space<vmem>>, vector<1x1x128xf32>
    %get3A_489 = vector.shape_cast %get3A_488 : vector<1x1x128xf32> to vector<1x128xf32>
    %get3A_490 = arith.constant 19 : index
    %get3A_491 = arith.constant 0 : index
    %get3A_492 = arith.constant 0 : index
    %get3A_493 = vector.load %arg6[%get3A_490, %get3A_491, %get3A_492] : memref<47x1x128xf32, #tpu.memory_space<vmem>>, vector<1x1x128xf32>
    %get3A_494 = vector.shape_cast %get3A_493 : vector<1x1x128xf32> to vector<1x128xf32>
    %get3A_495 = arith.constant 20 : index
    %get3A_496 = arith.constant 0 : index
    %get3A_497 = arith.constant 0 : index
    %get3A_498 = vector.load %arg6[%get3A_495, %get3A_496, %get3A_497] : memref<47x1x128xf32, #tpu.memory_space<vmem>>, vector<1x1x128xf32>
    %get3A_499 = vector.shape_cast %get3A_498 : vector<1x1x128xf32> to vector<1x128xf32>
    %get3A_500 = arith.constant 21 : index
    %get3A_501 = arith.constant 0 : index
    %get3A_502 = arith.constant 0 : index
    %get3A_503 = vector.load %arg6[%get3A_500, %get3A_501, %get3A_502] : memref<47x1x128xf32, #tpu.memory_space<vmem>>, vector<1x1x128xf32>
    %get3A_504 = vector.shape_cast %get3A_503 : vector<1x1x128xf32> to vector<1x128xf32>
    %get3A_505 = arith.constant 22 : index
    %get3A_506 = arith.constant 0 : index
    %get3A_507 = arith.constant 0 : index
    %get3A_508 = vector.load %arg6[%get3A_505, %get3A_506, %get3A_507] : memref<47x1x128xf32, #tpu.memory_space<vmem>>, vector<1x1x128xf32>
    %get3A_509 = vector.shape_cast %get3A_508 : vector<1x1x128xf32> to vector<1x128xf32>
    %get3A_510 = arith.constant 23 : index
    %get3A_511 = arith.constant 0 : index
    %get3A_512 = arith.constant 0 : index
    %get3A_513 = vector.load %arg6[%get3A_510, %get3A_511, %get3A_512] : memref<47x1x128xf32, #tpu.memory_space<vmem>>, vector<1x1x128xf32>
    %get3A_514 = vector.shape_cast %get3A_513 : vector<1x1x128xf32> to vector<1x128xf32>
    %get3A_515 = arith.constant 24 : index
    %get3A_516 = arith.constant 0 : index
    %get3A_517 = arith.constant 0 : index
    %get3A_518 = vector.load %arg6[%get3A_515, %get3A_516, %get3A_517] : memref<47x1x128xf32, #tpu.memory_space<vmem>>, vector<1x1x128xf32>
    %get3A_519 = vector.shape_cast %get3A_518 : vector<1x1x128xf32> to vector<1x128xf32>
    %get3A_520 = arith.constant 25 : index
    %get3A_521 = arith.constant 0 : index
    %get3A_522 = arith.constant 0 : index
    %get3A_523 = vector.load %arg6[%get3A_520, %get3A_521, %get3A_522] : memref<47x1x128xf32, #tpu.memory_space<vmem>>, vector<1x1x128xf32>
    %get3A_524 = vector.shape_cast %get3A_523 : vector<1x1x128xf32> to vector<1x128xf32>
    %get3A_525 = arith.constant 26 : index
    %get3A_526 = arith.constant 0 : index
    %get3A_527 = arith.constant 0 : index
    %get3A_528 = vector.load %arg6[%get3A_525, %get3A_526, %get3A_527] : memref<47x1x128xf32, #tpu.memory_space<vmem>>, vector<1x1x128xf32>
    %get3A_529 = vector.shape_cast %get3A_528 : vector<1x1x128xf32> to vector<1x128xf32>
    %get3A_530 = arith.constant 27 : index
    %get3A_531 = arith.constant 0 : index
    %get3A_532 = arith.constant 0 : index
    %get3A_533 = vector.load %arg6[%get3A_530, %get3A_531, %get3A_532] : memref<47x1x128xf32, #tpu.memory_space<vmem>>, vector<1x1x128xf32>
    %get3A_534 = vector.shape_cast %get3A_533 : vector<1x1x128xf32> to vector<1x128xf32>
    %get3A_535 = arith.constant 28 : index
    %get3A_536 = arith.constant 0 : index
    %get3A_537 = arith.constant 0 : index
    %get3A_538 = vector.load %arg6[%get3A_535, %get3A_536, %get3A_537] : memref<47x1x128xf32, #tpu.memory_space<vmem>>, vector<1x1x128xf32>
    %get3A_539 = vector.shape_cast %get3A_538 : vector<1x1x128xf32> to vector<1x128xf32>
    %get3A_540 = arith.constant 29 : index
    %get3A_541 = arith.constant 0 : index
    %get3A_542 = arith.constant 0 : index
    %get3A_543 = vector.load %arg6[%get3A_540, %get3A_541, %get3A_542] : memref<47x1x128xf32, #tpu.memory_space<vmem>>, vector<1x1x128xf32>
    %get3A_544 = vector.shape_cast %get3A_543 : vector<1x1x128xf32> to vector<1x128xf32>
    %get3A_545 = arith.constant 30 : index
    %get3A_546 = arith.constant 0 : index
    %get3A_547 = arith.constant 0 : index
    %get3A_548 = vector.load %arg6[%get3A_545, %get3A_546, %get3A_547] : memref<47x1x128xf32, #tpu.memory_space<vmem>>, vector<1x1x128xf32>
    %get3A_549 = vector.shape_cast %get3A_548 : vector<1x1x128xf32> to vector<1x128xf32>
    %get3A_550 = arith.constant 31 : index
    %get3A_551 = arith.constant 0 : index
    %get3A_552 = arith.constant 0 : index
    %get3A_553 = vector.load %arg6[%get3A_550, %get3A_551, %get3A_552] : memref<47x1x128xf32, #tpu.memory_space<vmem>>, vector<1x1x128xf32>
    %get3A_554 = vector.shape_cast %get3A_553 : vector<1x1x128xf32> to vector<1x128xf32>
    %get3A_555 = arith.constant 32 : index
    %get3A_556 = arith.constant 0 : index
    %get3A_557 = arith.constant 0 : index
    %get3A_558 = vector.load %arg6[%get3A_555, %get3A_556, %get3A_557] : memref<47x1x128xf32, #tpu.memory_space<vmem>>, vector<1x1x128xf32>
    %get3A_559 = vector.shape_cast %get3A_558 : vector<1x1x128xf32> to vector<1x128xf32>
    %get3A_560 = arith.constant 33 : index
    %get3A_561 = arith.constant 0 : index
    %get3A_562 = arith.constant 0 : index
    %get3A_563 = vector.load %arg6[%get3A_560, %get3A_561, %get3A_562] : memref<47x1x128xf32, #tpu.memory_space<vmem>>, vector<1x1x128xf32>
    %get3A_564 = vector.shape_cast %get3A_563 : vector<1x1x128xf32> to vector<1x128xf32>
    %get3A_565 = arith.constant 34 : index
    %get3A_566 = arith.constant 0 : index
    %get3A_567 = arith.constant 0 : index
    %get3A_568 = vector.load %arg6[%get3A_565, %get3A_566, %get3A_567] : memref<47x1x128xf32, #tpu.memory_space<vmem>>, vector<1x1x128xf32>
    %get3A_569 = vector.shape_cast %get3A_568 : vector<1x1x128xf32> to vector<1x128xf32>
    %get3A_570 = arith.constant 35 : index
    %get3A_571 = arith.constant 0 : index
    %get3A_572 = arith.constant 0 : index
    %get3A_573 = vector.load %arg6[%get3A_570, %get3A_571, %get3A_572] : memref<47x1x128xf32, #tpu.memory_space<vmem>>, vector<1x1x128xf32>
    %get3A_574 = vector.shape_cast %get3A_573 : vector<1x1x128xf32> to vector<1x128xf32>
    %get3A_575 = arith.constant 36 : index
    %get3A_576 = arith.constant 0 : index
    %get3A_577 = arith.constant 0 : index
    %get3A_578 = vector.load %arg6[%get3A_575, %get3A_576, %get3A_577] : memref<47x1x128xf32, #tpu.memory_space<vmem>>, vector<1x1x128xf32>
    %get3A_579 = vector.shape_cast %get3A_578 : vector<1x1x128xf32> to vector<1x128xf32>
    %get3A_580 = arith.constant 37 : index
    %get3A_581 = arith.constant 0 : index
    %get3A_582 = arith.constant 0 : index
    %get3A_583 = vector.load %arg6[%get3A_580, %get3A_581, %get3A_582] : memref<47x1x128xf32, #tpu.memory_space<vmem>>, vector<1x1x128xf32>
    %get3A_584 = vector.shape_cast %get3A_583 : vector<1x1x128xf32> to vector<1x128xf32>
    %get3A_585 = arith.constant 38 : index
    %get3A_586 = arith.constant 0 : index
    %get3A_587 = arith.constant 0 : index
    %get3A_588 = vector.load %arg6[%get3A_585, %get3A_586, %get3A_587] : memref<47x1x128xf32, #tpu.memory_space<vmem>>, vector<1x1x128xf32>
    %get3A_589 = vector.shape_cast %get3A_588 : vector<1x1x128xf32> to vector<1x128xf32>
    %get3A_590 = arith.constant 39 : index
    %get3A_591 = arith.constant 0 : index
    %get3A_592 = arith.constant 0 : index
    %get3A_593 = vector.load %arg6[%get3A_590, %get3A_591, %get3A_592] : memref<47x1x128xf32, #tpu.memory_space<vmem>>, vector<1x1x128xf32>
    %get3A_594 = vector.shape_cast %get3A_593 : vector<1x1x128xf32> to vector<1x128xf32>
    %get3A_595 = arith.constant 40 : index
    %get3A_596 = arith.constant 0 : index
    %get3A_597 = arith.constant 0 : index
    %get3A_598 = vector.load %arg6[%get3A_595, %get3A_596, %get3A_597] : memref<47x1x128xf32, #tpu.memory_space<vmem>>, vector<1x1x128xf32>
    %get3A_599 = vector.shape_cast %get3A_598 : vector<1x1x128xf32> to vector<1x128xf32>
    %get3A_600 = arith.constant 41 : index
    %get3A_601 = arith.constant 0 : index
    %get3A_602 = arith.constant 0 : index
    %get3A_603 = vector.load %arg6[%get3A_600, %get3A_601, %get3A_602] : memref<47x1x128xf32, #tpu.memory_space<vmem>>, vector<1x1x128xf32>
    %get3A_604 = vector.shape_cast %get3A_603 : vector<1x1x128xf32> to vector<1x128xf32>
    %get3A_605 = arith.constant 42 : index
    %get3A_606 = arith.constant 0 : index
    %get3A_607 = arith.constant 0 : index
    %get3A_608 = vector.load %arg6[%get3A_605, %get3A_606, %get3A_607] : memref<47x1x128xf32, #tpu.memory_space<vmem>>, vector<1x1x128xf32>
    %get3A_609 = vector.shape_cast %get3A_608 : vector<1x1x128xf32> to vector<1x128xf32>
    %get3A_610 = arith.constant 43 : index
    %get3A_611 = arith.constant 0 : index
    %get3A_612 = arith.constant 0 : index
    %get3A_613 = vector.load %arg6[%get3A_610, %get3A_611, %get3A_612] : memref<47x1x128xf32, #tpu.memory_space<vmem>>, vector<1x1x128xf32>
    %get3A_614 = vector.shape_cast %get3A_613 : vector<1x1x128xf32> to vector<1x128xf32>
    %get3A_615 = arith.constant 44 : index
    %get3A_616 = arith.constant 0 : index
    %get3A_617 = arith.constant 0 : index
    %get3A_618 = vector.load %arg6[%get3A_615, %get3A_616, %get3A_617] : memref<47x1x128xf32, #tpu.memory_space<vmem>>, vector<1x1x128xf32>
    %get3A_619 = vector.shape_cast %get3A_618 : vector<1x1x128xf32> to vector<1x128xf32>
    %get3A_620 = arith.constant 45 : index
    %get3A_621 = arith.constant 0 : index
    %get3A_622 = arith.constant 0 : index
    %get3A_623 = vector.load %arg6[%get3A_620, %get3A_621, %get3A_622] : memref<47x1x128xf32, #tpu.memory_space<vmem>>, vector<1x1x128xf32>
    %get3A_624 = vector.shape_cast %get3A_623 : vector<1x1x128xf32> to vector<1x128xf32>
    %get3A_625 = arith.constant 46 : index
    %get3A_626 = arith.constant 0 : index
    %get3A_627 = arith.constant 0 : index
    %get3A_628 = vector.load %arg6[%get3A_625, %get3A_626, %get3A_627] : memref<47x1x128xf32, #tpu.memory_space<vmem>>, vector<1x1x128xf32>
    %get3A_629 = vector.shape_cast %get3A_628 : vector<1x1x128xf32> to vector<1x128xf32>
    %concatenate3A = tpu.concatenate %get3A_399, %get3A_404, %get3A_409, %get3A_414, %get3A_419, %get3A_424, %get3A_429, %get3A_434, %get3A_439, %get3A_444, %get3A_449, %get3A_454, %get3A_459, %get3A_464, %get3A_469, %get3A_474, %get3A_479, %get3A_484, %get3A_489, %get3A_494, %get3A_499, %get3A_504, %get3A_509, %get3A_514, %get3A_519, %get3A_524, %get3A_529, %get3A_534, %get3A_539, %get3A_544, %get3A_549, %get3A_554, %get3A_559, %get3A_564, %get3A_569, %get3A_574, %get3A_579, %get3A_584, %get3A_589, %get3A_594, %get3A_599, %get3A_604, %get3A_609, %get3A_614, %get3A_619, %get3A_624, %get3A_629 in 1 : vector<1x128xf32>, vector<1x128xf32>, vector<1x128xf32>, vector<1x128xf32>, vector<1x128xf32>, vector<1x128xf32>, vector<1x128xf32>, vector<1x128xf32>, vector<1x128xf32>, vector<1x128xf32>, vector<1x128xf32>, vector<1x128xf32>, vector<1x128xf32>, vector<1x128xf32>, vector<1x128xf32>, vector<1x128xf32>, vector<1x128xf32>, vector<1x128xf32>, vector<1x128xf32>, vector<1x128xf32>, vector<1x128xf32>, vector<1x128xf32>, vector<1x128xf32>, vector<1x128xf32>, vector<1x128xf32>, vector<1x128xf32>, vector<1x128xf32>, vector<1x128xf32>, vector<1x128xf32>, vector<1x128xf32>, vector<1x128xf32>, vector<1x128xf32>, vector<1x128xf32>, vector<1x128xf32>, vector<1x128xf32>, vector<1x128xf32>, vector<1x128xf32>, vector<1x128xf32>, vector<1x128xf32>, vector<1x128xf32>, vector<1x128xf32>, vector<1x128xf32>, vector<1x128xf32>, vector<1x128xf32>, vector<1x128xf32>, vector<1x128xf32>, vector<1x128xf32> -> vector<1x6016xf32>
    %get3A_630 = arith.constant 0 : index
    %get3A_631 = arith.constant 0 : index
    %get3A_632 = vector.load %arg4[%get3A_630, %get3A_631] : memref<1x6016xf32, #tpu.memory_space<vmem>>, vector<1x6016xf32>
    %mul3A_633 = arith.mulf %concatenate3A, %get3A_632 : vector<1x6016xf32>
    %iota3A_634 = tpu.iota {dimensions = array<i32: 0>} : vector<128x128xi32>
    %iota3A_635 = tpu.iota {dimensions = array<i32: 1>} : vector<128x128xi32>
    %le3A = arith.cmpi sle, %iota3A_634, %iota3A_635 : vector<128x128xi32>
    %convert_element_type3A = arith.extui %le3A : vector<128x128xi1> to vector<128x128xi32>
    %convert_element_type3A_636 = arith.sitofp %convert_element_type3A : vector<128x128xi32> to vector<128x128xf32>
    %broadcast_in_dim3A_637 = arith.constant 0.000000e+00 : f32
    %broadcast_in_dim3A_638 = vector.broadcast %broadcast_in_dim3A_637 : f32 to vector<1x1xf32>
    %slice3A = vector.extract_strided_slice %mul3A_633 {offsets = [0, 0], sizes = [1, 128], strides = [1, 1]} : vector<1x6016xf32> to vector<1x128xf32>
    %dot_general3A = arith.constant dense<0.000000e+00> : vector<1x128xf32>
    %dot_general3A_639 = tpu.matmul %slice3A, %convert_element_type3A_636, %dot_general3A {dimension_numbers = #tpu.dot_dimension_numbers<[1], [0], [0], [1], [0, 0, 1, 1], [], []>, transpose_lhs_hint = false} : vector<1x128xf32>, vector<128x128xf32>, vector<1x128xf32> -> vector<1x128xf32>
    %add3A = vector.broadcast %broadcast_in_dim3A_638 : vector<1x1xf32> to vector<1x128xf32>
    %add3A_640 = arith.addf %dot_general3A_639, %add3A : vector<1x128xf32>
    %reduce_sum3A = vector.shape_cast %slice3A : vector<1x128xf32> to vector<1x1x128xf32>
    %reduce_sum3A_641 = arith.constant dense<0.000000e+00> : vector<1xf32>
    %reduce_sum3A_642 = vector.multi_reduction <add>, %reduce_sum3A, %reduce_sum3A_641 [1, 2] : vector<1x1x128xf32> to vector<1xf32>
    %reduce_sum3A_643 = vector.shape_cast %reduce_sum3A_642 : vector<1xf32> to vector<1x1x1xf32>
    %reduce_sum3A_644 = vector.extract %reduce_sum3A_643[0, 0, 0] : f32 from vector<1x1x1xf32>
    %add3A_645 = vector.broadcast %reduce_sum3A_644 : f32 to vector<1x1xf32>
    %add3A_646 = arith.addf %broadcast_in_dim3A_638, %add3A_645 : vector<1x1xf32>
    %slice3A_647 = vector.extract_strided_slice %mul3A_633 {offsets = [0, 128], sizes = [1, 128], strides = [1, 1]} : vector<1x6016xf32> to vector<1x128xf32>
    %dot_general3A_648 = arith.constant dense<0.000000e+00> : vector<1x128xf32>
    %dot_general3A_649 = tpu.matmul %slice3A_647, %convert_element_type3A_636, %dot_general3A_648 {dimension_numbers = #tpu.dot_dimension_numbers<[1], [0], [0], [1], [0, 0, 1, 1], [], []>, transpose_lhs_hint = false} : vector<1x128xf32>, vector<128x128xf32>, vector<1x128xf32> -> vector<1x128xf32>
    %add3A_650 = vector.broadcast %add3A_646 : vector<1x1xf32> to vector<1x128xf32>
    %add3A_651 = arith.addf %dot_general3A_649, %add3A_650 : vector<1x128xf32>
    %reduce_sum3A_652 = vector.shape_cast %slice3A_647 : vector<1x128xf32> to vector<1x1x128xf32>
    %reduce_sum3A_653 = arith.constant dense<0.000000e+00> : vector<1xf32>
    %reduce_sum3A_654 = vector.multi_reduction <add>, %reduce_sum3A_652, %reduce_sum3A_653 [1, 2] : vector<1x1x128xf32> to vector<1xf32>
    %reduce_sum3A_655 = vector.shape_cast %reduce_sum3A_654 : vector<1xf32> to vector<1x1x1xf32>
    %reduce_sum3A_656 = vector.extract %reduce_sum3A_655[0, 0, 0] : f32 from vector<1x1x1xf32>
    %add3A_657 = vector.broadcast %reduce_sum3A_656 : f32 to vector<1x1xf32>
    %add3A_658 = arith.addf %add3A_646, %add3A_657 : vector<1x1xf32>
    %slice3A_659 = vector.extract_strided_slice %mul3A_633 {offsets = [0, 256], sizes = [1, 128], strides = [1, 1]} : vector<1x6016xf32> to vector<1x128xf32>
    %dot_general3A_660 = arith.constant dense<0.000000e+00> : vector<1x128xf32>
    %dot_general3A_661 = tpu.matmul %slice3A_659, %convert_element_type3A_636, %dot_general3A_660 {dimension_numbers = #tpu.dot_dimension_numbers<[1], [0], [0], [1], [0, 0, 1, 1], [], []>, transpose_lhs_hint = false} : vector<1x128xf32>, vector<128x128xf32>, vector<1x128xf32> -> vector<1x128xf32>
    %add3A_662 = vector.broadcast %add3A_658 : vector<1x1xf32> to vector<1x128xf32>
    %add3A_663 = arith.addf %dot_general3A_661, %add3A_662 : vector<1x128xf32>
    %reduce_sum3A_664 = vector.shape_cast %slice3A_659 : vector<1x128xf32> to vector<1x1x128xf32>
    %reduce_sum3A_665 = arith.constant dense<0.000000e+00> : vector<1xf32>
    %reduce_sum3A_666 = vector.multi_reduction <add>, %reduce_sum3A_664, %reduce_sum3A_665 [1, 2] : vector<1x1x128xf32> to vector<1xf32>
    %reduce_sum3A_667 = vector.shape_cast %reduce_sum3A_666 : vector<1xf32> to vector<1x1x1xf32>
    %reduce_sum3A_668 = vector.extract %reduce_sum3A_667[0, 0, 0] : f32 from vector<1x1x1xf32>
    %add3A_669 = vector.broadcast %reduce_sum3A_668 : f32 to vector<1x1xf32>
    %add3A_670 = arith.addf %add3A_658, %add3A_669 : vector<1x1xf32>
    %slice3A_671 = vector.extract_strided_slice %mul3A_633 {offsets = [0, 384], sizes = [1, 128], strides = [1, 1]} : vector<1x6016xf32> to vector<1x128xf32>
    %dot_general3A_672 = arith.constant dense<0.000000e+00> : vector<1x128xf32>
    %dot_general3A_673 = tpu.matmul %slice3A_671, %convert_element_type3A_636, %dot_general3A_672 {dimension_numbers = #tpu.dot_dimension_numbers<[1], [0], [0], [1], [0, 0, 1, 1], [], []>, transpose_lhs_hint = false} : vector<1x128xf32>, vector<128x128xf32>, vector<1x128xf32> -> vector<1x128xf32>
    %add3A_674 = vector.broadcast %add3A_670 : vector<1x1xf32> to vector<1x128xf32>
    %add3A_675 = arith.addf %dot_general3A_673, %add3A_674 : vector<1x128xf32>
    %reduce_sum3A_676 = vector.shape_cast %slice3A_671 : vector<1x128xf32> to vector<1x1x128xf32>
    %reduce_sum3A_677 = arith.constant dense<0.000000e+00> : vector<1xf32>
    %reduce_sum3A_678 = vector.multi_reduction <add>, %reduce_sum3A_676, %reduce_sum3A_677 [1, 2] : vector<1x1x128xf32> to vector<1xf32>
    %reduce_sum3A_679 = vector.shape_cast %reduce_sum3A_678 : vector<1xf32> to vector<1x1x1xf32>
    %reduce_sum3A_680 = vector.extract %reduce_sum3A_679[0, 0, 0] : f32 from vector<1x1x1xf32>
    %add3A_681 = vector.broadcast %reduce_sum3A_680 : f32 to vector<1x1xf32>
    %add3A_682 = arith.addf %add3A_670, %add3A_681 : vector<1x1xf32>
    %slice3A_683 = vector.extract_strided_slice %mul3A_633 {offsets = [0, 512], sizes = [1, 128], strides = [1, 1]} : vector<1x6016xf32> to vector<1x128xf32>
    %dot_general3A_684 = arith.constant dense<0.000000e+00> : vector<1x128xf32>
    %dot_general3A_685 = tpu.matmul %slice3A_683, %convert_element_type3A_636, %dot_general3A_684 {dimension_numbers = #tpu.dot_dimension_numbers<[1], [0], [0], [1], [0, 0, 1, 1], [], []>, transpose_lhs_hint = false} : vector<1x128xf32>, vector<128x128xf32>, vector<1x128xf32> -> vector<1x128xf32>
    %add3A_686 = vector.broadcast %add3A_682 : vector<1x1xf32> to vector<1x128xf32>
    %add3A_687 = arith.addf %dot_general3A_685, %add3A_686 : vector<1x128xf32>
    %reduce_sum3A_688 = vector.shape_cast %slice3A_683 : vector<1x128xf32> to vector<1x1x128xf32>
    %reduce_sum3A_689 = arith.constant dense<0.000000e+00> : vector<1xf32>
    %reduce_sum3A_690 = vector.multi_reduction <add>, %reduce_sum3A_688, %reduce_sum3A_689 [1, 2] : vector<1x1x128xf32> to vector<1xf32>
    %reduce_sum3A_691 = vector.shape_cast %reduce_sum3A_690 : vector<1xf32> to vector<1x1x1xf32>
    %reduce_sum3A_692 = vector.extract %reduce_sum3A_691[0, 0, 0] : f32 from vector<1x1x1xf32>
    %add3A_693 = vector.broadcast %reduce_sum3A_692 : f32 to vector<1x1xf32>
    %add3A_694 = arith.addf %add3A_682, %add3A_693 : vector<1x1xf32>
    %slice3A_695 = vector.extract_strided_slice %mul3A_633 {offsets = [0, 640], sizes = [1, 128], strides = [1, 1]} : vector<1x6016xf32> to vector<1x128xf32>
    %dot_general3A_696 = arith.constant dense<0.000000e+00> : vector<1x128xf32>
    %dot_general3A_697 = tpu.matmul %slice3A_695, %convert_element_type3A_636, %dot_general3A_696 {dimension_numbers = #tpu.dot_dimension_numbers<[1], [0], [0], [1], [0, 0, 1, 1], [], []>, transpose_lhs_hint = false} : vector<1x128xf32>, vector<128x128xf32>, vector<1x128xf32> -> vector<1x128xf32>
    %add3A_698 = vector.broadcast %add3A_694 : vector<1x1xf32> to vector<1x128xf32>
    %add3A_699 = arith.addf %dot_general3A_697, %add3A_698 : vector<1x128xf32>
    %reduce_sum3A_700 = vector.shape_cast %slice3A_695 : vector<1x128xf32> to vector<1x1x128xf32>
    %reduce_sum3A_701 = arith.constant dense<0.000000e+00> : vector<1xf32>
    %reduce_sum3A_702 = vector.multi_reduction <add>, %reduce_sum3A_700, %reduce_sum3A_701 [1, 2] : vector<1x1x128xf32> to vector<1xf32>
    %reduce_sum3A_703 = vector.shape_cast %reduce_sum3A_702 : vector<1xf32> to vector<1x1x1xf32>
    %reduce_sum3A_704 = vector.extract %reduce_sum3A_703[0, 0, 0] : f32 from vector<1x1x1xf32>
    %add3A_705 = vector.broadcast %reduce_sum3A_704 : f32 to vector<1x1xf32>
    %add3A_706 = arith.addf %add3A_694, %add3A_705 : vector<1x1xf32>
    %slice3A_707 = vector.extract_strided_slice %mul3A_633 {offsets = [0, 768], sizes = [1, 128], strides = [1, 1]} : vector<1x6016xf32> to vector<1x128xf32>
    %dot_general3A_708 = arith.constant dense<0.000000e+00> : vector<1x128xf32>
    %dot_general3A_709 = tpu.matmul %slice3A_707, %convert_element_type3A_636, %dot_general3A_708 {dimension_numbers = #tpu.dot_dimension_numbers<[1], [0], [0], [1], [0, 0, 1, 1], [], []>, transpose_lhs_hint = false} : vector<1x128xf32>, vector<128x128xf32>, vector<1x128xf32> -> vector<1x128xf32>
    %add3A_710 = vector.broadcast %add3A_706 : vector<1x1xf32> to vector<1x128xf32>
    %add3A_711 = arith.addf %dot_general3A_709, %add3A_710 : vector<1x128xf32>
    %reduce_sum3A_712 = vector.shape_cast %slice3A_707 : vector<1x128xf32> to vector<1x1x128xf32>
    %reduce_sum3A_713 = arith.constant dense<0.000000e+00> : vector<1xf32>
    %reduce_sum3A_714 = vector.multi_reduction <add>, %reduce_sum3A_712, %reduce_sum3A_713 [1, 2] : vector<1x1x128xf32> to vector<1xf32>
    %reduce_sum3A_715 = vector.shape_cast %reduce_sum3A_714 : vector<1xf32> to vector<1x1x1xf32>
    %reduce_sum3A_716 = vector.extract %reduce_sum3A_715[0, 0, 0] : f32 from vector<1x1x1xf32>
    %add3A_717 = vector.broadcast %reduce_sum3A_716 : f32 to vector<1x1xf32>
    %add3A_718 = arith.addf %add3A_706, %add3A_717 : vector<1x1xf32>
    %slice3A_719 = vector.extract_strided_slice %mul3A_633 {offsets = [0, 896], sizes = [1, 128], strides = [1, 1]} : vector<1x6016xf32> to vector<1x128xf32>
    %dot_general3A_720 = arith.constant dense<0.000000e+00> : vector<1x128xf32>
    %dot_general3A_721 = tpu.matmul %slice3A_719, %convert_element_type3A_636, %dot_general3A_720 {dimension_numbers = #tpu.dot_dimension_numbers<[1], [0], [0], [1], [0, 0, 1, 1], [], []>, transpose_lhs_hint = false} : vector<1x128xf32>, vector<128x128xf32>, vector<1x128xf32> -> vector<1x128xf32>
    %add3A_722 = vector.broadcast %add3A_718 : vector<1x1xf32> to vector<1x128xf32>
    %add3A_723 = arith.addf %dot_general3A_721, %add3A_722 : vector<1x128xf32>
    %reduce_sum3A_724 = vector.shape_cast %slice3A_719 : vector<1x128xf32> to vector<1x1x128xf32>
    %reduce_sum3A_725 = arith.constant dense<0.000000e+00> : vector<1xf32>
    %reduce_sum3A_726 = vector.multi_reduction <add>, %reduce_sum3A_724, %reduce_sum3A_725 [1, 2] : vector<1x1x128xf32> to vector<1xf32>
    %reduce_sum3A_727 = vector.shape_cast %reduce_sum3A_726 : vector<1xf32> to vector<1x1x1xf32>
    %reduce_sum3A_728 = vector.extract %reduce_sum3A_727[0, 0, 0] : f32 from vector<1x1x1xf32>
    %add3A_729 = vector.broadcast %reduce_sum3A_728 : f32 to vector<1x1xf32>
    %add3A_730 = arith.addf %add3A_718, %add3A_729 : vector<1x1xf32>
    %slice3A_731 = vector.extract_strided_slice %mul3A_633 {offsets = [0, 1024], sizes = [1, 128], strides = [1, 1]} : vector<1x6016xf32> to vector<1x128xf32>
    %dot_general3A_732 = arith.constant dense<0.000000e+00> : vector<1x128xf32>
    %dot_general3A_733 = tpu.matmul %slice3A_731, %convert_element_type3A_636, %dot_general3A_732 {dimension_numbers = #tpu.dot_dimension_numbers<[1], [0], [0], [1], [0, 0, 1, 1], [], []>, transpose_lhs_hint = false} : vector<1x128xf32>, vector<128x128xf32>, vector<1x128xf32> -> vector<1x128xf32>
    %add3A_734 = vector.broadcast %add3A_730 : vector<1x1xf32> to vector<1x128xf32>
    %add3A_735 = arith.addf %dot_general3A_733, %add3A_734 : vector<1x128xf32>
    %reduce_sum3A_736 = vector.shape_cast %slice3A_731 : vector<1x128xf32> to vector<1x1x128xf32>
    %reduce_sum3A_737 = arith.constant dense<0.000000e+00> : vector<1xf32>
    %reduce_sum3A_738 = vector.multi_reduction <add>, %reduce_sum3A_736, %reduce_sum3A_737 [1, 2] : vector<1x1x128xf32> to vector<1xf32>
    %reduce_sum3A_739 = vector.shape_cast %reduce_sum3A_738 : vector<1xf32> to vector<1x1x1xf32>
    %reduce_sum3A_740 = vector.extract %reduce_sum3A_739[0, 0, 0] : f32 from vector<1x1x1xf32>
    %add3A_741 = vector.broadcast %reduce_sum3A_740 : f32 to vector<1x1xf32>
    %add3A_742 = arith.addf %add3A_730, %add3A_741 : vector<1x1xf32>
    %slice3A_743 = vector.extract_strided_slice %mul3A_633 {offsets = [0, 1152], sizes = [1, 128], strides = [1, 1]} : vector<1x6016xf32> to vector<1x128xf32>
    %dot_general3A_744 = arith.constant dense<0.000000e+00> : vector<1x128xf32>
    %dot_general3A_745 = tpu.matmul %slice3A_743, %convert_element_type3A_636, %dot_general3A_744 {dimension_numbers = #tpu.dot_dimension_numbers<[1], [0], [0], [1], [0, 0, 1, 1], [], []>, transpose_lhs_hint = false} : vector<1x128xf32>, vector<128x128xf32>, vector<1x128xf32> -> vector<1x128xf32>
    %add3A_746 = vector.broadcast %add3A_742 : vector<1x1xf32> to vector<1x128xf32>
    %add3A_747 = arith.addf %dot_general3A_745, %add3A_746 : vector<1x128xf32>
    %reduce_sum3A_748 = vector.shape_cast %slice3A_743 : vector<1x128xf32> to vector<1x1x128xf32>
    %reduce_sum3A_749 = arith.constant dense<0.000000e+00> : vector<1xf32>
    %reduce_sum3A_750 = vector.multi_reduction <add>, %reduce_sum3A_748, %reduce_sum3A_749 [1, 2] : vector<1x1x128xf32> to vector<1xf32>
    %reduce_sum3A_751 = vector.shape_cast %reduce_sum3A_750 : vector<1xf32> to vector<1x1x1xf32>
    %reduce_sum3A_752 = vector.extract %reduce_sum3A_751[0, 0, 0] : f32 from vector<1x1x1xf32>
    %add3A_753 = vector.broadcast %reduce_sum3A_752 : f32 to vector<1x1xf32>
    %add3A_754 = arith.addf %add3A_742, %add3A_753 : vector<1x1xf32>
    %slice3A_755 = vector.extract_strided_slice %mul3A_633 {offsets = [0, 1280], sizes = [1, 128], strides = [1, 1]} : vector<1x6016xf32> to vector<1x128xf32>
    %dot_general3A_756 = arith.constant dense<0.000000e+00> : vector<1x128xf32>
    %dot_general3A_757 = tpu.matmul %slice3A_755, %convert_element_type3A_636, %dot_general3A_756 {dimension_numbers = #tpu.dot_dimension_numbers<[1], [0], [0], [1], [0, 0, 1, 1], [], []>, transpose_lhs_hint = false} : vector<1x128xf32>, vector<128x128xf32>, vector<1x128xf32> -> vector<1x128xf32>
    %add3A_758 = vector.broadcast %add3A_754 : vector<1x1xf32> to vector<1x128xf32>
    %add3A_759 = arith.addf %dot_general3A_757, %add3A_758 : vector<1x128xf32>
    %reduce_sum3A_760 = vector.shape_cast %slice3A_755 : vector<1x128xf32> to vector<1x1x128xf32>
    %reduce_sum3A_761 = arith.constant dense<0.000000e+00> : vector<1xf32>
    %reduce_sum3A_762 = vector.multi_reduction <add>, %reduce_sum3A_760, %reduce_sum3A_761 [1, 2] : vector<1x1x128xf32> to vector<1xf32>
    %reduce_sum3A_763 = vector.shape_cast %reduce_sum3A_762 : vector<1xf32> to vector<1x1x1xf32>
    %reduce_sum3A_764 = vector.extract %reduce_sum3A_763[0, 0, 0] : f32 from vector<1x1x1xf32>
    %add3A_765 = vector.broadcast %reduce_sum3A_764 : f32 to vector<1x1xf32>
    %add3A_766 = arith.addf %add3A_754, %add3A_765 : vector<1x1xf32>
    %slice3A_767 = vector.extract_strided_slice %mul3A_633 {offsets = [0, 1408], sizes = [1, 128], strides = [1, 1]} : vector<1x6016xf32> to vector<1x128xf32>
    %dot_general3A_768 = arith.constant dense<0.000000e+00> : vector<1x128xf32>
    %dot_general3A_769 = tpu.matmul %slice3A_767, %convert_element_type3A_636, %dot_general3A_768 {dimension_numbers = #tpu.dot_dimension_numbers<[1], [0], [0], [1], [0, 0, 1, 1], [], []>, transpose_lhs_hint = false} : vector<1x128xf32>, vector<128x128xf32>, vector<1x128xf32> -> vector<1x128xf32>
    %add3A_770 = vector.broadcast %add3A_766 : vector<1x1xf32> to vector<1x128xf32>
    %add3A_771 = arith.addf %dot_general3A_769, %add3A_770 : vector<1x128xf32>
    %reduce_sum3A_772 = vector.shape_cast %slice3A_767 : vector<1x128xf32> to vector<1x1x128xf32>
    %reduce_sum3A_773 = arith.constant dense<0.000000e+00> : vector<1xf32>
    %reduce_sum3A_774 = vector.multi_reduction <add>, %reduce_sum3A_772, %reduce_sum3A_773 [1, 2] : vector<1x1x128xf32> to vector<1xf32>
    %reduce_sum3A_775 = vector.shape_cast %reduce_sum3A_774 : vector<1xf32> to vector<1x1x1xf32>
    %reduce_sum3A_776 = vector.extract %reduce_sum3A_775[0, 0, 0] : f32 from vector<1x1x1xf32>
    %add3A_777 = vector.broadcast %reduce_sum3A_776 : f32 to vector<1x1xf32>
    %add3A_778 = arith.addf %add3A_766, %add3A_777 : vector<1x1xf32>
    %slice3A_779 = vector.extract_strided_slice %mul3A_633 {offsets = [0, 1536], sizes = [1, 128], strides = [1, 1]} : vector<1x6016xf32> to vector<1x128xf32>
    %dot_general3A_780 = arith.constant dense<0.000000e+00> : vector<1x128xf32>
    %dot_general3A_781 = tpu.matmul %slice3A_779, %convert_element_type3A_636, %dot_general3A_780 {dimension_numbers = #tpu.dot_dimension_numbers<[1], [0], [0], [1], [0, 0, 1, 1], [], []>, transpose_lhs_hint = false} : vector<1x128xf32>, vector<128x128xf32>, vector<1x128xf32> -> vector<1x128xf32>
    %add3A_782 = vector.broadcast %add3A_778 : vector<1x1xf32> to vector<1x128xf32>
    %add3A_783 = arith.addf %dot_general3A_781, %add3A_782 : vector<1x128xf32>
    %reduce_sum3A_784 = vector.shape_cast %slice3A_779 : vector<1x128xf32> to vector<1x1x128xf32>
    %reduce_sum3A_785 = arith.constant dense<0.000000e+00> : vector<1xf32>
    %reduce_sum3A_786 = vector.multi_reduction <add>, %reduce_sum3A_784, %reduce_sum3A_785 [1, 2] : vector<1x1x128xf32> to vector<1xf32>
    %reduce_sum3A_787 = vector.shape_cast %reduce_sum3A_786 : vector<1xf32> to vector<1x1x1xf32>
    %reduce_sum3A_788 = vector.extract %reduce_sum3A_787[0, 0, 0] : f32 from vector<1x1x1xf32>
    %add3A_789 = vector.broadcast %reduce_sum3A_788 : f32 to vector<1x1xf32>
    %add3A_790 = arith.addf %add3A_778, %add3A_789 : vector<1x1xf32>
    %slice3A_791 = vector.extract_strided_slice %mul3A_633 {offsets = [0, 1664], sizes = [1, 128], strides = [1, 1]} : vector<1x6016xf32> to vector<1x128xf32>
    %dot_general3A_792 = arith.constant dense<0.000000e+00> : vector<1x128xf32>
    %dot_general3A_793 = tpu.matmul %slice3A_791, %convert_element_type3A_636, %dot_general3A_792 {dimension_numbers = #tpu.dot_dimension_numbers<[1], [0], [0], [1], [0, 0, 1, 1], [], []>, transpose_lhs_hint = false} : vector<1x128xf32>, vector<128x128xf32>, vector<1x128xf32> -> vector<1x128xf32>
    %add3A_794 = vector.broadcast %add3A_790 : vector<1x1xf32> to vector<1x128xf32>
    %add3A_795 = arith.addf %dot_general3A_793, %add3A_794 : vector<1x128xf32>
    %reduce_sum3A_796 = vector.shape_cast %slice3A_791 : vector<1x128xf32> to vector<1x1x128xf32>
    %reduce_sum3A_797 = arith.constant dense<0.000000e+00> : vector<1xf32>
    %reduce_sum3A_798 = vector.multi_reduction <add>, %reduce_sum3A_796, %reduce_sum3A_797 [1, 2] : vector<1x1x128xf32> to vector<1xf32>
    %reduce_sum3A_799 = vector.shape_cast %reduce_sum3A_798 : vector<1xf32> to vector<1x1x1xf32>
    %reduce_sum3A_800 = vector.extract %reduce_sum3A_799[0, 0, 0] : f32 from vector<1x1x1xf32>
    %add3A_801 = vector.broadcast %reduce_sum3A_800 : f32 to vector<1x1xf32>
    %add3A_802 = arith.addf %add3A_790, %add3A_801 : vector<1x1xf32>
    %slice3A_803 = vector.extract_strided_slice %mul3A_633 {offsets = [0, 1792], sizes = [1, 128], strides = [1, 1]} : vector<1x6016xf32> to vector<1x128xf32>
    %dot_general3A_804 = arith.constant dense<0.000000e+00> : vector<1x128xf32>
    %dot_general3A_805 = tpu.matmul %slice3A_803, %convert_element_type3A_636, %dot_general3A_804 {dimension_numbers = #tpu.dot_dimension_numbers<[1], [0], [0], [1], [0, 0, 1, 1], [], []>, transpose_lhs_hint = false} : vector<1x128xf32>, vector<128x128xf32>, vector<1x128xf32> -> vector<1x128xf32>
    %add3A_806 = vector.broadcast %add3A_802 : vector<1x1xf32> to vector<1x128xf32>
    %add3A_807 = arith.addf %dot_general3A_805, %add3A_806 : vector<1x128xf32>
    %reduce_sum3A_808 = vector.shape_cast %slice3A_803 : vector<1x128xf32> to vector<1x1x128xf32>
    %reduce_sum3A_809 = arith.constant dense<0.000000e+00> : vector<1xf32>
    %reduce_sum3A_810 = vector.multi_reduction <add>, %reduce_sum3A_808, %reduce_sum3A_809 [1, 2] : vector<1x1x128xf32> to vector<1xf32>
    %reduce_sum3A_811 = vector.shape_cast %reduce_sum3A_810 : vector<1xf32> to vector<1x1x1xf32>
    %reduce_sum3A_812 = vector.extract %reduce_sum3A_811[0, 0, 0] : f32 from vector<1x1x1xf32>
    %add3A_813 = vector.broadcast %reduce_sum3A_812 : f32 to vector<1x1xf32>
    %add3A_814 = arith.addf %add3A_802, %add3A_813 : vector<1x1xf32>
    %slice3A_815 = vector.extract_strided_slice %mul3A_633 {offsets = [0, 1920], sizes = [1, 128], strides = [1, 1]} : vector<1x6016xf32> to vector<1x128xf32>
    %dot_general3A_816 = arith.constant dense<0.000000e+00> : vector<1x128xf32>
    %dot_general3A_817 = tpu.matmul %slice3A_815, %convert_element_type3A_636, %dot_general3A_816 {dimension_numbers = #tpu.dot_dimension_numbers<[1], [0], [0], [1], [0, 0, 1, 1], [], []>, transpose_lhs_hint = false} : vector<1x128xf32>, vector<128x128xf32>, vector<1x128xf32> -> vector<1x128xf32>
    %add3A_818 = vector.broadcast %add3A_814 : vector<1x1xf32> to vector<1x128xf32>
    %add3A_819 = arith.addf %dot_general3A_817, %add3A_818 : vector<1x128xf32>
    %reduce_sum3A_820 = vector.shape_cast %slice3A_815 : vector<1x128xf32> to vector<1x1x128xf32>
    %reduce_sum3A_821 = arith.constant dense<0.000000e+00> : vector<1xf32>
    %reduce_sum3A_822 = vector.multi_reduction <add>, %reduce_sum3A_820, %reduce_sum3A_821 [1, 2] : vector<1x1x128xf32> to vector<1xf32>
    %reduce_sum3A_823 = vector.shape_cast %reduce_sum3A_822 : vector<1xf32> to vector<1x1x1xf32>
    %reduce_sum3A_824 = vector.extract %reduce_sum3A_823[0, 0, 0] : f32 from vector<1x1x1xf32>
    %add3A_825 = vector.broadcast %reduce_sum3A_824 : f32 to vector<1x1xf32>
    %add3A_826 = arith.addf %add3A_814, %add3A_825 : vector<1x1xf32>
    %slice3A_827 = vector.extract_strided_slice %mul3A_633 {offsets = [0, 2048], sizes = [1, 128], strides = [1, 1]} : vector<1x6016xf32> to vector<1x128xf32>
    %dot_general3A_828 = arith.constant dense<0.000000e+00> : vector<1x128xf32>
    %dot_general3A_829 = tpu.matmul %slice3A_827, %convert_element_type3A_636, %dot_general3A_828 {dimension_numbers = #tpu.dot_dimension_numbers<[1], [0], [0], [1], [0, 0, 1, 1], [], []>, transpose_lhs_hint = false} : vector<1x128xf32>, vector<128x128xf32>, vector<1x128xf32> -> vector<1x128xf32>
    %add3A_830 = vector.broadcast %add3A_826 : vector<1x1xf32> to vector<1x128xf32>
    %add3A_831 = arith.addf %dot_general3A_829, %add3A_830 : vector<1x128xf32>
    %reduce_sum3A_832 = vector.shape_cast %slice3A_827 : vector<1x128xf32> to vector<1x1x128xf32>
    %reduce_sum3A_833 = arith.constant dense<0.000000e+00> : vector<1xf32>
    %reduce_sum3A_834 = vector.multi_reduction <add>, %reduce_sum3A_832, %reduce_sum3A_833 [1, 2] : vector<1x1x128xf32> to vector<1xf32>
    %reduce_sum3A_835 = vector.shape_cast %reduce_sum3A_834 : vector<1xf32> to vector<1x1x1xf32>
    %reduce_sum3A_836 = vector.extract %reduce_sum3A_835[0, 0, 0] : f32 from vector<1x1x1xf32>
    %add3A_837 = vector.broadcast %reduce_sum3A_836 : f32 to vector<1x1xf32>
    %add3A_838 = arith.addf %add3A_826, %add3A_837 : vector<1x1xf32>
    %slice3A_839 = vector.extract_strided_slice %mul3A_633 {offsets = [0, 2176], sizes = [1, 128], strides = [1, 1]} : vector<1x6016xf32> to vector<1x128xf32>
    %dot_general3A_840 = arith.constant dense<0.000000e+00> : vector<1x128xf32>
    %dot_general3A_841 = tpu.matmul %slice3A_839, %convert_element_type3A_636, %dot_general3A_840 {dimension_numbers = #tpu.dot_dimension_numbers<[1], [0], [0], [1], [0, 0, 1, 1], [], []>, transpose_lhs_hint = false} : vector<1x128xf32>, vector<128x128xf32>, vector<1x128xf32> -> vector<1x128xf32>
    %add3A_842 = vector.broadcast %add3A_838 : vector<1x1xf32> to vector<1x128xf32>
    %add3A_843 = arith.addf %dot_general3A_841, %add3A_842 : vector<1x128xf32>
    %reduce_sum3A_844 = vector.shape_cast %slice3A_839 : vector<1x128xf32> to vector<1x1x128xf32>
    %reduce_sum3A_845 = arith.constant dense<0.000000e+00> : vector<1xf32>
    %reduce_sum3A_846 = vector.multi_reduction <add>, %reduce_sum3A_844, %reduce_sum3A_845 [1, 2] : vector<1x1x128xf32> to vector<1xf32>
    %reduce_sum3A_847 = vector.shape_cast %reduce_sum3A_846 : vector<1xf32> to vector<1x1x1xf32>
    %reduce_sum3A_848 = vector.extract %reduce_sum3A_847[0, 0, 0] : f32 from vector<1x1x1xf32>
    %add3A_849 = vector.broadcast %reduce_sum3A_848 : f32 to vector<1x1xf32>
    %add3A_850 = arith.addf %add3A_838, %add3A_849 : vector<1x1xf32>
    %slice3A_851 = vector.extract_strided_slice %mul3A_633 {offsets = [0, 2304], sizes = [1, 128], strides = [1, 1]} : vector<1x6016xf32> to vector<1x128xf32>
    %dot_general3A_852 = arith.constant dense<0.000000e+00> : vector<1x128xf32>
    %dot_general3A_853 = tpu.matmul %slice3A_851, %convert_element_type3A_636, %dot_general3A_852 {dimension_numbers = #tpu.dot_dimension_numbers<[1], [0], [0], [1], [0, 0, 1, 1], [], []>, transpose_lhs_hint = false} : vector<1x128xf32>, vector<128x128xf32>, vector<1x128xf32> -> vector<1x128xf32>
    %add3A_854 = vector.broadcast %add3A_850 : vector<1x1xf32> to vector<1x128xf32>
    %add3A_855 = arith.addf %dot_general3A_853, %add3A_854 : vector<1x128xf32>
    %reduce_sum3A_856 = vector.shape_cast %slice3A_851 : vector<1x128xf32> to vector<1x1x128xf32>
    %reduce_sum3A_857 = arith.constant dense<0.000000e+00> : vector<1xf32>
    %reduce_sum3A_858 = vector.multi_reduction <add>, %reduce_sum3A_856, %reduce_sum3A_857 [1, 2] : vector<1x1x128xf32> to vector<1xf32>
    %reduce_sum3A_859 = vector.shape_cast %reduce_sum3A_858 : vector<1xf32> to vector<1x1x1xf32>
    %reduce_sum3A_860 = vector.extract %reduce_sum3A_859[0, 0, 0] : f32 from vector<1x1x1xf32>
    %add3A_861 = vector.broadcast %reduce_sum3A_860 : f32 to vector<1x1xf32>
    %add3A_862 = arith.addf %add3A_850, %add3A_861 : vector<1x1xf32>
    %slice3A_863 = vector.extract_strided_slice %mul3A_633 {offsets = [0, 2432], sizes = [1, 128], strides = [1, 1]} : vector<1x6016xf32> to vector<1x128xf32>
    %dot_general3A_864 = arith.constant dense<0.000000e+00> : vector<1x128xf32>
    %dot_general3A_865 = tpu.matmul %slice3A_863, %convert_element_type3A_636, %dot_general3A_864 {dimension_numbers = #tpu.dot_dimension_numbers<[1], [0], [0], [1], [0, 0, 1, 1], [], []>, transpose_lhs_hint = false} : vector<1x128xf32>, vector<128x128xf32>, vector<1x128xf32> -> vector<1x128xf32>
    %add3A_866 = vector.broadcast %add3A_862 : vector<1x1xf32> to vector<1x128xf32>
    %add3A_867 = arith.addf %dot_general3A_865, %add3A_866 : vector<1x128xf32>
    %reduce_sum3A_868 = vector.shape_cast %slice3A_863 : vector<1x128xf32> to vector<1x1x128xf32>
    %reduce_sum3A_869 = arith.constant dense<0.000000e+00> : vector<1xf32>
    %reduce_sum3A_870 = vector.multi_reduction <add>, %reduce_sum3A_868, %reduce_sum3A_869 [1, 2] : vector<1x1x128xf32> to vector<1xf32>
    %reduce_sum3A_871 = vector.shape_cast %reduce_sum3A_870 : vector<1xf32> to vector<1x1x1xf32>
    %reduce_sum3A_872 = vector.extract %reduce_sum3A_871[0, 0, 0] : f32 from vector<1x1x1xf32>
    %add3A_873 = vector.broadcast %reduce_sum3A_872 : f32 to vector<1x1xf32>
    %add3A_874 = arith.addf %add3A_862, %add3A_873 : vector<1x1xf32>
    %slice3A_875 = vector.extract_strided_slice %mul3A_633 {offsets = [0, 2560], sizes = [1, 128], strides = [1, 1]} : vector<1x6016xf32> to vector<1x128xf32>
    %dot_general3A_876 = arith.constant dense<0.000000e+00> : vector<1x128xf32>
    %dot_general3A_877 = tpu.matmul %slice3A_875, %convert_element_type3A_636, %dot_general3A_876 {dimension_numbers = #tpu.dot_dimension_numbers<[1], [0], [0], [1], [0, 0, 1, 1], [], []>, transpose_lhs_hint = false} : vector<1x128xf32>, vector<128x128xf32>, vector<1x128xf32> -> vector<1x128xf32>
    %add3A_878 = vector.broadcast %add3A_874 : vector<1x1xf32> to vector<1x128xf32>
    %add3A_879 = arith.addf %dot_general3A_877, %add3A_878 : vector<1x128xf32>
    %reduce_sum3A_880 = vector.shape_cast %slice3A_875 : vector<1x128xf32> to vector<1x1x128xf32>
    %reduce_sum3A_881 = arith.constant dense<0.000000e+00> : vector<1xf32>
    %reduce_sum3A_882 = vector.multi_reduction <add>, %reduce_sum3A_880, %reduce_sum3A_881 [1, 2] : vector<1x1x128xf32> to vector<1xf32>
    %reduce_sum3A_883 = vector.shape_cast %reduce_sum3A_882 : vector<1xf32> to vector<1x1x1xf32>
    %reduce_sum3A_884 = vector.extract %reduce_sum3A_883[0, 0, 0] : f32 from vector<1x1x1xf32>
    %add3A_885 = vector.broadcast %reduce_sum3A_884 : f32 to vector<1x1xf32>
    %add3A_886 = arith.addf %add3A_874, %add3A_885 : vector<1x1xf32>
    %slice3A_887 = vector.extract_strided_slice %mul3A_633 {offsets = [0, 2688], sizes = [1, 128], strides = [1, 1]} : vector<1x6016xf32> to vector<1x128xf32>
    %dot_general3A_888 = arith.constant dense<0.000000e+00> : vector<1x128xf32>
    %dot_general3A_889 = tpu.matmul %slice3A_887, %convert_element_type3A_636, %dot_general3A_888 {dimension_numbers = #tpu.dot_dimension_numbers<[1], [0], [0], [1], [0, 0, 1, 1], [], []>, transpose_lhs_hint = false} : vector<1x128xf32>, vector<128x128xf32>, vector<1x128xf32> -> vector<1x128xf32>
    %add3A_890 = vector.broadcast %add3A_886 : vector<1x1xf32> to vector<1x128xf32>
    %add3A_891 = arith.addf %dot_general3A_889, %add3A_890 : vector<1x128xf32>
    %reduce_sum3A_892 = vector.shape_cast %slice3A_887 : vector<1x128xf32> to vector<1x1x128xf32>
    %reduce_sum3A_893 = arith.constant dense<0.000000e+00> : vector<1xf32>
    %reduce_sum3A_894 = vector.multi_reduction <add>, %reduce_sum3A_892, %reduce_sum3A_893 [1, 2] : vector<1x1x128xf32> to vector<1xf32>
    %reduce_sum3A_895 = vector.shape_cast %reduce_sum3A_894 : vector<1xf32> to vector<1x1x1xf32>
    %reduce_sum3A_896 = vector.extract %reduce_sum3A_895[0, 0, 0] : f32 from vector<1x1x1xf32>
    %add3A_897 = vector.broadcast %reduce_sum3A_896 : f32 to vector<1x1xf32>
    %add3A_898 = arith.addf %add3A_886, %add3A_897 : vector<1x1xf32>
    %slice3A_899 = vector.extract_strided_slice %mul3A_633 {offsets = [0, 2816], sizes = [1, 128], strides = [1, 1]} : vector<1x6016xf32> to vector<1x128xf32>
    %dot_general3A_900 = arith.constant dense<0.000000e+00> : vector<1x128xf32>
    %dot_general3A_901 = tpu.matmul %slice3A_899, %convert_element_type3A_636, %dot_general3A_900 {dimension_numbers = #tpu.dot_dimension_numbers<[1], [0], [0], [1], [0, 0, 1, 1], [], []>, transpose_lhs_hint = false} : vector<1x128xf32>, vector<128x128xf32>, vector<1x128xf32> -> vector<1x128xf32>
    %add3A_902 = vector.broadcast %add3A_898 : vector<1x1xf32> to vector<1x128xf32>
    %add3A_903 = arith.addf %dot_general3A_901, %add3A_902 : vector<1x128xf32>
    %reduce_sum3A_904 = vector.shape_cast %slice3A_899 : vector<1x128xf32> to vector<1x1x128xf32>
    %reduce_sum3A_905 = arith.constant dense<0.000000e+00> : vector<1xf32>
    %reduce_sum3A_906 = vector.multi_reduction <add>, %reduce_sum3A_904, %reduce_sum3A_905 [1, 2] : vector<1x1x128xf32> to vector<1xf32>
    %reduce_sum3A_907 = vector.shape_cast %reduce_sum3A_906 : vector<1xf32> to vector<1x1x1xf32>
    %reduce_sum3A_908 = vector.extract %reduce_sum3A_907[0, 0, 0] : f32 from vector<1x1x1xf32>
    %add3A_909 = vector.broadcast %reduce_sum3A_908 : f32 to vector<1x1xf32>
    %add3A_910 = arith.addf %add3A_898, %add3A_909 : vector<1x1xf32>
    %slice3A_911 = vector.extract_strided_slice %mul3A_633 {offsets = [0, 2944], sizes = [1, 128], strides = [1, 1]} : vector<1x6016xf32> to vector<1x128xf32>
    %dot_general3A_912 = arith.constant dense<0.000000e+00> : vector<1x128xf32>
    %dot_general3A_913 = tpu.matmul %slice3A_911, %convert_element_type3A_636, %dot_general3A_912 {dimension_numbers = #tpu.dot_dimension_numbers<[1], [0], [0], [1], [0, 0, 1, 1], [], []>, transpose_lhs_hint = false} : vector<1x128xf32>, vector<128x128xf32>, vector<1x128xf32> -> vector<1x128xf32>
    %add3A_914 = vector.broadcast %add3A_910 : vector<1x1xf32> to vector<1x128xf32>
    %add3A_915 = arith.addf %dot_general3A_913, %add3A_914 : vector<1x128xf32>
    %reduce_sum3A_916 = vector.shape_cast %slice3A_911 : vector<1x128xf32> to vector<1x1x128xf32>
    %reduce_sum3A_917 = arith.constant dense<0.000000e+00> : vector<1xf32>
    %reduce_sum3A_918 = vector.multi_reduction <add>, %reduce_sum3A_916, %reduce_sum3A_917 [1, 2] : vector<1x1x128xf32> to vector<1xf32>
    %reduce_sum3A_919 = vector.shape_cast %reduce_sum3A_918 : vector<1xf32> to vector<1x1x1xf32>
    %reduce_sum3A_920 = vector.extract %reduce_sum3A_919[0, 0, 0] : f32 from vector<1x1x1xf32>
    %add3A_921 = vector.broadcast %reduce_sum3A_920 : f32 to vector<1x1xf32>
    %add3A_922 = arith.addf %add3A_910, %add3A_921 : vector<1x1xf32>
    %slice3A_923 = vector.extract_strided_slice %mul3A_633 {offsets = [0, 3072], sizes = [1, 128], strides = [1, 1]} : vector<1x6016xf32> to vector<1x128xf32>
    %dot_general3A_924 = arith.constant dense<0.000000e+00> : vector<1x128xf32>
    %dot_general3A_925 = tpu.matmul %slice3A_923, %convert_element_type3A_636, %dot_general3A_924 {dimension_numbers = #tpu.dot_dimension_numbers<[1], [0], [0], [1], [0, 0, 1, 1], [], []>, transpose_lhs_hint = false} : vector<1x128xf32>, vector<128x128xf32>, vector<1x128xf32> -> vector<1x128xf32>
    %add3A_926 = vector.broadcast %add3A_922 : vector<1x1xf32> to vector<1x128xf32>
    %add3A_927 = arith.addf %dot_general3A_925, %add3A_926 : vector<1x128xf32>
    %reduce_sum3A_928 = vector.shape_cast %slice3A_923 : vector<1x128xf32> to vector<1x1x128xf32>
    %reduce_sum3A_929 = arith.constant dense<0.000000e+00> : vector<1xf32>
    %reduce_sum3A_930 = vector.multi_reduction <add>, %reduce_sum3A_928, %reduce_sum3A_929 [1, 2] : vector<1x1x128xf32> to vector<1xf32>
    %reduce_sum3A_931 = vector.shape_cast %reduce_sum3A_930 : vector<1xf32> to vector<1x1x1xf32>
    %reduce_sum3A_932 = vector.extract %reduce_sum3A_931[0, 0, 0] : f32 from vector<1x1x1xf32>
    %add3A_933 = vector.broadcast %reduce_sum3A_932 : f32 to vector<1x1xf32>
    %add3A_934 = arith.addf %add3A_922, %add3A_933 : vector<1x1xf32>
    %slice3A_935 = vector.extract_strided_slice %mul3A_633 {offsets = [0, 3200], sizes = [1, 128], strides = [1, 1]} : vector<1x6016xf32> to vector<1x128xf32>
    %dot_general3A_936 = arith.constant dense<0.000000e+00> : vector<1x128xf32>
    %dot_general3A_937 = tpu.matmul %slice3A_935, %convert_element_type3A_636, %dot_general3A_936 {dimension_numbers = #tpu.dot_dimension_numbers<[1], [0], [0], [1], [0, 0, 1, 1], [], []>, transpose_lhs_hint = false} : vector<1x128xf32>, vector<128x128xf32>, vector<1x128xf32> -> vector<1x128xf32>
    %add3A_938 = vector.broadcast %add3A_934 : vector<1x1xf32> to vector<1x128xf32>
    %add3A_939 = arith.addf %dot_general3A_937, %add3A_938 : vector<1x128xf32>
    %reduce_sum3A_940 = vector.shape_cast %slice3A_935 : vector<1x128xf32> to vector<1x1x128xf32>
    %reduce_sum3A_941 = arith.constant dense<0.000000e+00> : vector<1xf32>
    %reduce_sum3A_942 = vector.multi_reduction <add>, %reduce_sum3A_940, %reduce_sum3A_941 [1, 2] : vector<1x1x128xf32> to vector<1xf32>
    %reduce_sum3A_943 = vector.shape_cast %reduce_sum3A_942 : vector<1xf32> to vector<1x1x1xf32>
    %reduce_sum3A_944 = vector.extract %reduce_sum3A_943[0, 0, 0] : f32 from vector<1x1x1xf32>
    %add3A_945 = vector.broadcast %reduce_sum3A_944 : f32 to vector<1x1xf32>
    %add3A_946 = arith.addf %add3A_934, %add3A_945 : vector<1x1xf32>
    %slice3A_947 = vector.extract_strided_slice %mul3A_633 {offsets = [0, 3328], sizes = [1, 128], strides = [1, 1]} : vector<1x6016xf32> to vector<1x128xf32>
    %dot_general3A_948 = arith.constant dense<0.000000e+00> : vector<1x128xf32>
    %dot_general3A_949 = tpu.matmul %slice3A_947, %convert_element_type3A_636, %dot_general3A_948 {dimension_numbers = #tpu.dot_dimension_numbers<[1], [0], [0], [1], [0, 0, 1, 1], [], []>, transpose_lhs_hint = false} : vector<1x128xf32>, vector<128x128xf32>, vector<1x128xf32> -> vector<1x128xf32>
    %add3A_950 = vector.broadcast %add3A_946 : vector<1x1xf32> to vector<1x128xf32>
    %add3A_951 = arith.addf %dot_general3A_949, %add3A_950 : vector<1x128xf32>
    %reduce_sum3A_952 = vector.shape_cast %slice3A_947 : vector<1x128xf32> to vector<1x1x128xf32>
    %reduce_sum3A_953 = arith.constant dense<0.000000e+00> : vector<1xf32>
    %reduce_sum3A_954 = vector.multi_reduction <add>, %reduce_sum3A_952, %reduce_sum3A_953 [1, 2] : vector<1x1x128xf32> to vector<1xf32>
    %reduce_sum3A_955 = vector.shape_cast %reduce_sum3A_954 : vector<1xf32> to vector<1x1x1xf32>
    %reduce_sum3A_956 = vector.extract %reduce_sum3A_955[0, 0, 0] : f32 from vector<1x1x1xf32>
    %add3A_957 = vector.broadcast %reduce_sum3A_956 : f32 to vector<1x1xf32>
    %add3A_958 = arith.addf %add3A_946, %add3A_957 : vector<1x1xf32>
    %slice3A_959 = vector.extract_strided_slice %mul3A_633 {offsets = [0, 3456], sizes = [1, 128], strides = [1, 1]} : vector<1x6016xf32> to vector<1x128xf32>
    %dot_general3A_960 = arith.constant dense<0.000000e+00> : vector<1x128xf32>
    %dot_general3A_961 = tpu.matmul %slice3A_959, %convert_element_type3A_636, %dot_general3A_960 {dimension_numbers = #tpu.dot_dimension_numbers<[1], [0], [0], [1], [0, 0, 1, 1], [], []>, transpose_lhs_hint = false} : vector<1x128xf32>, vector<128x128xf32>, vector<1x128xf32> -> vector<1x128xf32>
    %add3A_962 = vector.broadcast %add3A_958 : vector<1x1xf32> to vector<1x128xf32>
    %add3A_963 = arith.addf %dot_general3A_961, %add3A_962 : vector<1x128xf32>
    %reduce_sum3A_964 = vector.shape_cast %slice3A_959 : vector<1x128xf32> to vector<1x1x128xf32>
    %reduce_sum3A_965 = arith.constant dense<0.000000e+00> : vector<1xf32>
    %reduce_sum3A_966 = vector.multi_reduction <add>, %reduce_sum3A_964, %reduce_sum3A_965 [1, 2] : vector<1x1x128xf32> to vector<1xf32>
    %reduce_sum3A_967 = vector.shape_cast %reduce_sum3A_966 : vector<1xf32> to vector<1x1x1xf32>
    %reduce_sum3A_968 = vector.extract %reduce_sum3A_967[0, 0, 0] : f32 from vector<1x1x1xf32>
    %add3A_969 = vector.broadcast %reduce_sum3A_968 : f32 to vector<1x1xf32>
    %add3A_970 = arith.addf %add3A_958, %add3A_969 : vector<1x1xf32>
    %slice3A_971 = vector.extract_strided_slice %mul3A_633 {offsets = [0, 3584], sizes = [1, 128], strides = [1, 1]} : vector<1x6016xf32> to vector<1x128xf32>
    %dot_general3A_972 = arith.constant dense<0.000000e+00> : vector<1x128xf32>
    %dot_general3A_973 = tpu.matmul %slice3A_971, %convert_element_type3A_636, %dot_general3A_972 {dimension_numbers = #tpu.dot_dimension_numbers<[1], [0], [0], [1], [0, 0, 1, 1], [], []>, transpose_lhs_hint = false} : vector<1x128xf32>, vector<128x128xf32>, vector<1x128xf32> -> vector<1x128xf32>
    %add3A_974 = vector.broadcast %add3A_970 : vector<1x1xf32> to vector<1x128xf32>
    %add3A_975 = arith.addf %dot_general3A_973, %add3A_974 : vector<1x128xf32>
    %reduce_sum3A_976 = vector.shape_cast %slice3A_971 : vector<1x128xf32> to vector<1x1x128xf32>
    %reduce_sum3A_977 = arith.constant dense<0.000000e+00> : vector<1xf32>
    %reduce_sum3A_978 = vector.multi_reduction <add>, %reduce_sum3A_976, %reduce_sum3A_977 [1, 2] : vector<1x1x128xf32> to vector<1xf32>
    %reduce_sum3A_979 = vector.shape_cast %reduce_sum3A_978 : vector<1xf32> to vector<1x1x1xf32>
    %reduce_sum3A_980 = vector.extract %reduce_sum3A_979[0, 0, 0] : f32 from vector<1x1x1xf32>
    %add3A_981 = vector.broadcast %reduce_sum3A_980 : f32 to vector<1x1xf32>
    %add3A_982 = arith.addf %add3A_970, %add3A_981 : vector<1x1xf32>
    %slice3A_983 = vector.extract_strided_slice %mul3A_633 {offsets = [0, 3712], sizes = [1, 128], strides = [1, 1]} : vector<1x6016xf32> to vector<1x128xf32>
    %dot_general3A_984 = arith.constant dense<0.000000e+00> : vector<1x128xf32>
    %dot_general3A_985 = tpu.matmul %slice3A_983, %convert_element_type3A_636, %dot_general3A_984 {dimension_numbers = #tpu.dot_dimension_numbers<[1], [0], [0], [1], [0, 0, 1, 1], [], []>, transpose_lhs_hint = false} : vector<1x128xf32>, vector<128x128xf32>, vector<1x128xf32> -> vector<1x128xf32>
    %add3A_986 = vector.broadcast %add3A_982 : vector<1x1xf32> to vector<1x128xf32>
    %add3A_987 = arith.addf %dot_general3A_985, %add3A_986 : vector<1x128xf32>
    %reduce_sum3A_988 = vector.shape_cast %slice3A_983 : vector<1x128xf32> to vector<1x1x128xf32>
    %reduce_sum3A_989 = arith.constant dense<0.000000e+00> : vector<1xf32>
    %reduce_sum3A_990 = vector.multi_reduction <add>, %reduce_sum3A_988, %reduce_sum3A_989 [1, 2] : vector<1x1x128xf32> to vector<1xf32>
    %reduce_sum3A_991 = vector.shape_cast %reduce_sum3A_990 : vector<1xf32> to vector<1x1x1xf32>
    %reduce_sum3A_992 = vector.extract %reduce_sum3A_991[0, 0, 0] : f32 from vector<1x1x1xf32>
    %add3A_993 = vector.broadcast %reduce_sum3A_992 : f32 to vector<1x1xf32>
    %add3A_994 = arith.addf %add3A_982, %add3A_993 : vector<1x1xf32>
    %slice3A_995 = vector.extract_strided_slice %mul3A_633 {offsets = [0, 3840], sizes = [1, 128], strides = [1, 1]} : vector<1x6016xf32> to vector<1x128xf32>
    %dot_general3A_996 = arith.constant dense<0.000000e+00> : vector<1x128xf32>
    %dot_general3A_997 = tpu.matmul %slice3A_995, %convert_element_type3A_636, %dot_general3A_996 {dimension_numbers = #tpu.dot_dimension_numbers<[1], [0], [0], [1], [0, 0, 1, 1], [], []>, transpose_lhs_hint = false} : vector<1x128xf32>, vector<128x128xf32>, vector<1x128xf32> -> vector<1x128xf32>
    %add3A_998 = vector.broadcast %add3A_994 : vector<1x1xf32> to vector<1x128xf32>
    %add3A_999 = arith.addf %dot_general3A_997, %add3A_998 : vector<1x128xf32>
    %reduce_sum3A_1000 = vector.shape_cast %slice3A_995 : vector<1x128xf32> to vector<1x1x128xf32>
    %reduce_sum3A_1001 = arith.constant dense<0.000000e+00> : vector<1xf32>
    %reduce_sum3A_1002 = vector.multi_reduction <add>, %reduce_sum3A_1000, %reduce_sum3A_1001 [1, 2] : vector<1x1x128xf32> to vector<1xf32>
    %reduce_sum3A_1003 = vector.shape_cast %reduce_sum3A_1002 : vector<1xf32> to vector<1x1x1xf32>
    %reduce_sum3A_1004 = vector.extract %reduce_sum3A_1003[0, 0, 0] : f32 from vector<1x1x1xf32>
    %add3A_1005 = vector.broadcast %reduce_sum3A_1004 : f32 to vector<1x1xf32>
    %add3A_1006 = arith.addf %add3A_994, %add3A_1005 : vector<1x1xf32>
    %slice3A_1007 = vector.extract_strided_slice %mul3A_633 {offsets = [0, 3968], sizes = [1, 128], strides = [1, 1]} : vector<1x6016xf32> to vector<1x128xf32>
    %dot_general3A_1008 = arith.constant dense<0.000000e+00> : vector<1x128xf32>
    %dot_general3A_1009 = tpu.matmul %slice3A_1007, %convert_element_type3A_636, %dot_general3A_1008 {dimension_numbers = #tpu.dot_dimension_numbers<[1], [0], [0], [1], [0, 0, 1, 1], [], []>, transpose_lhs_hint = false} : vector<1x128xf32>, vector<128x128xf32>, vector<1x128xf32> -> vector<1x128xf32>
    %add3A_1010 = vector.broadcast %add3A_1006 : vector<1x1xf32> to vector<1x128xf32>
    %add3A_1011 = arith.addf %dot_general3A_1009, %add3A_1010 : vector<1x128xf32>
    %reduce_sum3A_1012 = vector.shape_cast %slice3A_1007 : vector<1x128xf32> to vector<1x1x128xf32>
    %reduce_sum3A_1013 = arith.constant dense<0.000000e+00> : vector<1xf32>
    %reduce_sum3A_1014 = vector.multi_reduction <add>, %reduce_sum3A_1012, %reduce_sum3A_1013 [1, 2] : vector<1x1x128xf32> to vector<1xf32>
    %reduce_sum3A_1015 = vector.shape_cast %reduce_sum3A_1014 : vector<1xf32> to vector<1x1x1xf32>
    %reduce_sum3A_1016 = vector.extract %reduce_sum3A_1015[0, 0, 0] : f32 from vector<1x1x1xf32>
    %add3A_1017 = vector.broadcast %reduce_sum3A_1016 : f32 to vector<1x1xf32>
    %add3A_1018 = arith.addf %add3A_1006, %add3A_1017 : vector<1x1xf32>
    %slice3A_1019 = vector.extract_strided_slice %mul3A_633 {offsets = [0, 4096], sizes = [1, 128], strides = [1, 1]} : vector<1x6016xf32> to vector<1x128xf32>
    %dot_general3A_1020 = arith.constant dense<0.000000e+00> : vector<1x128xf32>
    %dot_general3A_1021 = tpu.matmul %slice3A_1019, %convert_element_type3A_636, %dot_general3A_1020 {dimension_numbers = #tpu.dot_dimension_numbers<[1], [0], [0], [1], [0, 0, 1, 1], [], []>, transpose_lhs_hint = false} : vector<1x128xf32>, vector<128x128xf32>, vector<1x128xf32> -> vector<1x128xf32>
    %add3A_1022 = vector.broadcast %add3A_1018 : vector<1x1xf32> to vector<1x128xf32>
    %add3A_1023 = arith.addf %dot_general3A_1021, %add3A_1022 : vector<1x128xf32>
    %reduce_sum3A_1024 = vector.shape_cast %slice3A_1019 : vector<1x128xf32> to vector<1x1x128xf32>
    %reduce_sum3A_1025 = arith.constant dense<0.000000e+00> : vector<1xf32>
    %reduce_sum3A_1026 = vector.multi_reduction <add>, %reduce_sum3A_1024, %reduce_sum3A_1025 [1, 2] : vector<1x1x128xf32> to vector<1xf32>
    %reduce_sum3A_1027 = vector.shape_cast %reduce_sum3A_1026 : vector<1xf32> to vector<1x1x1xf32>
    %reduce_sum3A_1028 = vector.extract %reduce_sum3A_1027[0, 0, 0] : f32 from vector<1x1x1xf32>
    %add3A_1029 = vector.broadcast %reduce_sum3A_1028 : f32 to vector<1x1xf32>
    %add3A_1030 = arith.addf %add3A_1018, %add3A_1029 : vector<1x1xf32>
    %slice3A_1031 = vector.extract_strided_slice %mul3A_633 {offsets = [0, 4224], sizes = [1, 128], strides = [1, 1]} : vector<1x6016xf32> to vector<1x128xf32>
    %dot_general3A_1032 = arith.constant dense<0.000000e+00> : vector<1x128xf32>
    %dot_general3A_1033 = tpu.matmul %slice3A_1031, %convert_element_type3A_636, %dot_general3A_1032 {dimension_numbers = #tpu.dot_dimension_numbers<[1], [0], [0], [1], [0, 0, 1, 1], [], []>, transpose_lhs_hint = false} : vector<1x128xf32>, vector<128x128xf32>, vector<1x128xf32> -> vector<1x128xf32>
    %add3A_1034 = vector.broadcast %add3A_1030 : vector<1x1xf32> to vector<1x128xf32>
    %add3A_1035 = arith.addf %dot_general3A_1033, %add3A_1034 : vector<1x128xf32>
    %reduce_sum3A_1036 = vector.shape_cast %slice3A_1031 : vector<1x128xf32> to vector<1x1x128xf32>
    %reduce_sum3A_1037 = arith.constant dense<0.000000e+00> : vector<1xf32>
    %reduce_sum3A_1038 = vector.multi_reduction <add>, %reduce_sum3A_1036, %reduce_sum3A_1037 [1, 2] : vector<1x1x128xf32> to vector<1xf32>
    %reduce_sum3A_1039 = vector.shape_cast %reduce_sum3A_1038 : vector<1xf32> to vector<1x1x1xf32>
    %reduce_sum3A_1040 = vector.extract %reduce_sum3A_1039[0, 0, 0] : f32 from vector<1x1x1xf32>
    %add3A_1041 = vector.broadcast %reduce_sum3A_1040 : f32 to vector<1x1xf32>
    %add3A_1042 = arith.addf %add3A_1030, %add3A_1041 : vector<1x1xf32>
    %slice3A_1043 = vector.extract_strided_slice %mul3A_633 {offsets = [0, 4352], sizes = [1, 128], strides = [1, 1]} : vector<1x6016xf32> to vector<1x128xf32>
    %dot_general3A_1044 = arith.constant dense<0.000000e+00> : vector<1x128xf32>
    %dot_general3A_1045 = tpu.matmul %slice3A_1043, %convert_element_type3A_636, %dot_general3A_1044 {dimension_numbers = #tpu.dot_dimension_numbers<[1], [0], [0], [1], [0, 0, 1, 1], [], []>, transpose_lhs_hint = false} : vector<1x128xf32>, vector<128x128xf32>, vector<1x128xf32> -> vector<1x128xf32>
    %add3A_1046 = vector.broadcast %add3A_1042 : vector<1x1xf32> to vector<1x128xf32>
    %add3A_1047 = arith.addf %dot_general3A_1045, %add3A_1046 : vector<1x128xf32>
    %reduce_sum3A_1048 = vector.shape_cast %slice3A_1043 : vector<1x128xf32> to vector<1x1x128xf32>
    %reduce_sum3A_1049 = arith.constant dense<0.000000e+00> : vector<1xf32>
    %reduce_sum3A_1050 = vector.multi_reduction <add>, %reduce_sum3A_1048, %reduce_sum3A_1049 [1, 2] : vector<1x1x128xf32> to vector<1xf32>
    %reduce_sum3A_1051 = vector.shape_cast %reduce_sum3A_1050 : vector<1xf32> to vector<1x1x1xf32>
    %reduce_sum3A_1052 = vector.extract %reduce_sum3A_1051[0, 0, 0] : f32 from vector<1x1x1xf32>
    %add3A_1053 = vector.broadcast %reduce_sum3A_1052 : f32 to vector<1x1xf32>
    %add3A_1054 = arith.addf %add3A_1042, %add3A_1053 : vector<1x1xf32>
    %slice3A_1055 = vector.extract_strided_slice %mul3A_633 {offsets = [0, 4480], sizes = [1, 128], strides = [1, 1]} : vector<1x6016xf32> to vector<1x128xf32>
    %dot_general3A_1056 = arith.constant dense<0.000000e+00> : vector<1x128xf32>
    %dot_general3A_1057 = tpu.matmul %slice3A_1055, %convert_element_type3A_636, %dot_general3A_1056 {dimension_numbers = #tpu.dot_dimension_numbers<[1], [0], [0], [1], [0, 0, 1, 1], [], []>, transpose_lhs_hint = false} : vector<1x128xf32>, vector<128x128xf32>, vector<1x128xf32> -> vector<1x128xf32>
    %add3A_1058 = vector.broadcast %add3A_1054 : vector<1x1xf32> to vector<1x128xf32>
    %add3A_1059 = arith.addf %dot_general3A_1057, %add3A_1058 : vector<1x128xf32>
    %reduce_sum3A_1060 = vector.shape_cast %slice3A_1055 : vector<1x128xf32> to vector<1x1x128xf32>
    %reduce_sum3A_1061 = arith.constant dense<0.000000e+00> : vector<1xf32>
    %reduce_sum3A_1062 = vector.multi_reduction <add>, %reduce_sum3A_1060, %reduce_sum3A_1061 [1, 2] : vector<1x1x128xf32> to vector<1xf32>
    %reduce_sum3A_1063 = vector.shape_cast %reduce_sum3A_1062 : vector<1xf32> to vector<1x1x1xf32>
    %reduce_sum3A_1064 = vector.extract %reduce_sum3A_1063[0, 0, 0] : f32 from vector<1x1x1xf32>
    %add3A_1065 = vector.broadcast %reduce_sum3A_1064 : f32 to vector<1x1xf32>
    %add3A_1066 = arith.addf %add3A_1054, %add3A_1065 : vector<1x1xf32>
    %slice3A_1067 = vector.extract_strided_slice %mul3A_633 {offsets = [0, 4608], sizes = [1, 128], strides = [1, 1]} : vector<1x6016xf32> to vector<1x128xf32>
    %dot_general3A_1068 = arith.constant dense<0.000000e+00> : vector<1x128xf32>
    %dot_general3A_1069 = tpu.matmul %slice3A_1067, %convert_element_type3A_636, %dot_general3A_1068 {dimension_numbers = #tpu.dot_dimension_numbers<[1], [0], [0], [1], [0, 0, 1, 1], [], []>, transpose_lhs_hint = false} : vector<1x128xf32>, vector<128x128xf32>, vector<1x128xf32> -> vector<1x128xf32>
    %add3A_1070 = vector.broadcast %add3A_1066 : vector<1x1xf32> to vector<1x128xf32>
    %add3A_1071 = arith.addf %dot_general3A_1069, %add3A_1070 : vector<1x128xf32>
    %reduce_sum3A_1072 = vector.shape_cast %slice3A_1067 : vector<1x128xf32> to vector<1x1x128xf32>
    %reduce_sum3A_1073 = arith.constant dense<0.000000e+00> : vector<1xf32>
    %reduce_sum3A_1074 = vector.multi_reduction <add>, %reduce_sum3A_1072, %reduce_sum3A_1073 [1, 2] : vector<1x1x128xf32> to vector<1xf32>
    %reduce_sum3A_1075 = vector.shape_cast %reduce_sum3A_1074 : vector<1xf32> to vector<1x1x1xf32>
    %reduce_sum3A_1076 = vector.extract %reduce_sum3A_1075[0, 0, 0] : f32 from vector<1x1x1xf32>
    %add3A_1077 = vector.broadcast %reduce_sum3A_1076 : f32 to vector<1x1xf32>
    %add3A_1078 = arith.addf %add3A_1066, %add3A_1077 : vector<1x1xf32>
    %slice3A_1079 = vector.extract_strided_slice %mul3A_633 {offsets = [0, 4736], sizes = [1, 128], strides = [1, 1]} : vector<1x6016xf32> to vector<1x128xf32>
    %dot_general3A_1080 = arith.constant dense<0.000000e+00> : vector<1x128xf32>
    %dot_general3A_1081 = tpu.matmul %slice3A_1079, %convert_element_type3A_636, %dot_general3A_1080 {dimension_numbers = #tpu.dot_dimension_numbers<[1], [0], [0], [1], [0, 0, 1, 1], [], []>, transpose_lhs_hint = false} : vector<1x128xf32>, vector<128x128xf32>, vector<1x128xf32> -> vector<1x128xf32>
    %add3A_1082 = vector.broadcast %add3A_1078 : vector<1x1xf32> to vector<1x128xf32>
    %add3A_1083 = arith.addf %dot_general3A_1081, %add3A_1082 : vector<1x128xf32>
    %reduce_sum3A_1084 = vector.shape_cast %slice3A_1079 : vector<1x128xf32> to vector<1x1x128xf32>
    %reduce_sum3A_1085 = arith.constant dense<0.000000e+00> : vector<1xf32>
    %reduce_sum3A_1086 = vector.multi_reduction <add>, %reduce_sum3A_1084, %reduce_sum3A_1085 [1, 2] : vector<1x1x128xf32> to vector<1xf32>
    %reduce_sum3A_1087 = vector.shape_cast %reduce_sum3A_1086 : vector<1xf32> to vector<1x1x1xf32>
    %reduce_sum3A_1088 = vector.extract %reduce_sum3A_1087[0, 0, 0] : f32 from vector<1x1x1xf32>
    %add3A_1089 = vector.broadcast %reduce_sum3A_1088 : f32 to vector<1x1xf32>
    %add3A_1090 = arith.addf %add3A_1078, %add3A_1089 : vector<1x1xf32>
    %slice3A_1091 = vector.extract_strided_slice %mul3A_633 {offsets = [0, 4864], sizes = [1, 128], strides = [1, 1]} : vector<1x6016xf32> to vector<1x128xf32>
    %dot_general3A_1092 = arith.constant dense<0.000000e+00> : vector<1x128xf32>
    %dot_general3A_1093 = tpu.matmul %slice3A_1091, %convert_element_type3A_636, %dot_general3A_1092 {dimension_numbers = #tpu.dot_dimension_numbers<[1], [0], [0], [1], [0, 0, 1, 1], [], []>, transpose_lhs_hint = false} : vector<1x128xf32>, vector<128x128xf32>, vector<1x128xf32> -> vector<1x128xf32>
    %add3A_1094 = vector.broadcast %add3A_1090 : vector<1x1xf32> to vector<1x128xf32>
    %add3A_1095 = arith.addf %dot_general3A_1093, %add3A_1094 : vector<1x128xf32>
    %reduce_sum3A_1096 = vector.shape_cast %slice3A_1091 : vector<1x128xf32> to vector<1x1x128xf32>
    %reduce_sum3A_1097 = arith.constant dense<0.000000e+00> : vector<1xf32>
    %reduce_sum3A_1098 = vector.multi_reduction <add>, %reduce_sum3A_1096, %reduce_sum3A_1097 [1, 2] : vector<1x1x128xf32> to vector<1xf32>
    %reduce_sum3A_1099 = vector.shape_cast %reduce_sum3A_1098 : vector<1xf32> to vector<1x1x1xf32>
    %reduce_sum3A_1100 = vector.extract %reduce_sum3A_1099[0, 0, 0] : f32 from vector<1x1x1xf32>
    %add3A_1101 = vector.broadcast %reduce_sum3A_1100 : f32 to vector<1x1xf32>
    %add3A_1102 = arith.addf %add3A_1090, %add3A_1101 : vector<1x1xf32>
    %slice3A_1103 = vector.extract_strided_slice %mul3A_633 {offsets = [0, 4992], sizes = [1, 128], strides = [1, 1]} : vector<1x6016xf32> to vector<1x128xf32>
    %dot_general3A_1104 = arith.constant dense<0.000000e+00> : vector<1x128xf32>
    %dot_general3A_1105 = tpu.matmul %slice3A_1103, %convert_element_type3A_636, %dot_general3A_1104 {dimension_numbers = #tpu.dot_dimension_numbers<[1], [0], [0], [1], [0, 0, 1, 1], [], []>, transpose_lhs_hint = false} : vector<1x128xf32>, vector<128x128xf32>, vector<1x128xf32> -> vector<1x128xf32>
    %add3A_1106 = vector.broadcast %add3A_1102 : vector<1x1xf32> to vector<1x128xf32>
    %add3A_1107 = arith.addf %dot_general3A_1105, %add3A_1106 : vector<1x128xf32>
    %reduce_sum3A_1108 = vector.shape_cast %slice3A_1103 : vector<1x128xf32> to vector<1x1x128xf32>
    %reduce_sum3A_1109 = arith.constant dense<0.000000e+00> : vector<1xf32>
    %reduce_sum3A_1110 = vector.multi_reduction <add>, %reduce_sum3A_1108, %reduce_sum3A_1109 [1, 2] : vector<1x1x128xf32> to vector<1xf32>
    %reduce_sum3A_1111 = vector.shape_cast %reduce_sum3A_1110 : vector<1xf32> to vector<1x1x1xf32>
    %reduce_sum3A_1112 = vector.extract %reduce_sum3A_1111[0, 0, 0] : f32 from vector<1x1x1xf32>
    %add3A_1113 = vector.broadcast %reduce_sum3A_1112 : f32 to vector<1x1xf32>
    %add3A_1114 = arith.addf %add3A_1102, %add3A_1113 : vector<1x1xf32>
    %slice3A_1115 = vector.extract_strided_slice %mul3A_633 {offsets = [0, 5120], sizes = [1, 128], strides = [1, 1]} : vector<1x6016xf32> to vector<1x128xf32>
    %dot_general3A_1116 = arith.constant dense<0.000000e+00> : vector<1x128xf32>
    %dot_general3A_1117 = tpu.matmul %slice3A_1115, %convert_element_type3A_636, %dot_general3A_1116 {dimension_numbers = #tpu.dot_dimension_numbers<[1], [0], [0], [1], [0, 0, 1, 1], [], []>, transpose_lhs_hint = false} : vector<1x128xf32>, vector<128x128xf32>, vector<1x128xf32> -> vector<1x128xf32>
    %add3A_1118 = vector.broadcast %add3A_1114 : vector<1x1xf32> to vector<1x128xf32>
    %add3A_1119 = arith.addf %dot_general3A_1117, %add3A_1118 : vector<1x128xf32>
    %reduce_sum3A_1120 = vector.shape_cast %slice3A_1115 : vector<1x128xf32> to vector<1x1x128xf32>
    %reduce_sum3A_1121 = arith.constant dense<0.000000e+00> : vector<1xf32>
    %reduce_sum3A_1122 = vector.multi_reduction <add>, %reduce_sum3A_1120, %reduce_sum3A_1121 [1, 2] : vector<1x1x128xf32> to vector<1xf32>
    %reduce_sum3A_1123 = vector.shape_cast %reduce_sum3A_1122 : vector<1xf32> to vector<1x1x1xf32>
    %reduce_sum3A_1124 = vector.extract %reduce_sum3A_1123[0, 0, 0] : f32 from vector<1x1x1xf32>
    %add3A_1125 = vector.broadcast %reduce_sum3A_1124 : f32 to vector<1x1xf32>
    %add3A_1126 = arith.addf %add3A_1114, %add3A_1125 : vector<1x1xf32>
    %slice3A_1127 = vector.extract_strided_slice %mul3A_633 {offsets = [0, 5248], sizes = [1, 128], strides = [1, 1]} : vector<1x6016xf32> to vector<1x128xf32>
    %dot_general3A_1128 = arith.constant dense<0.000000e+00> : vector<1x128xf32>
    %dot_general3A_1129 = tpu.matmul %slice3A_1127, %convert_element_type3A_636, %dot_general3A_1128 {dimension_numbers = #tpu.dot_dimension_numbers<[1], [0], [0], [1], [0, 0, 1, 1], [], []>, transpose_lhs_hint = false} : vector<1x128xf32>, vector<128x128xf32>, vector<1x128xf32> -> vector<1x128xf32>
    %add3A_1130 = vector.broadcast %add3A_1126 : vector<1x1xf32> to vector<1x128xf32>
    %add3A_1131 = arith.addf %dot_general3A_1129, %add3A_1130 : vector<1x128xf32>
    %reduce_sum3A_1132 = vector.shape_cast %slice3A_1127 : vector<1x128xf32> to vector<1x1x128xf32>
    %reduce_sum3A_1133 = arith.constant dense<0.000000e+00> : vector<1xf32>
    %reduce_sum3A_1134 = vector.multi_reduction <add>, %reduce_sum3A_1132, %reduce_sum3A_1133 [1, 2] : vector<1x1x128xf32> to vector<1xf32>
    %reduce_sum3A_1135 = vector.shape_cast %reduce_sum3A_1134 : vector<1xf32> to vector<1x1x1xf32>
    %reduce_sum3A_1136 = vector.extract %reduce_sum3A_1135[0, 0, 0] : f32 from vector<1x1x1xf32>
    %add3A_1137 = vector.broadcast %reduce_sum3A_1136 : f32 to vector<1x1xf32>
    %add3A_1138 = arith.addf %add3A_1126, %add3A_1137 : vector<1x1xf32>
    %slice3A_1139 = vector.extract_strided_slice %mul3A_633 {offsets = [0, 5376], sizes = [1, 128], strides = [1, 1]} : vector<1x6016xf32> to vector<1x128xf32>
    %dot_general3A_1140 = arith.constant dense<0.000000e+00> : vector<1x128xf32>
    %dot_general3A_1141 = tpu.matmul %slice3A_1139, %convert_element_type3A_636, %dot_general3A_1140 {dimension_numbers = #tpu.dot_dimension_numbers<[1], [0], [0], [1], [0, 0, 1, 1], [], []>, transpose_lhs_hint = false} : vector<1x128xf32>, vector<128x128xf32>, vector<1x128xf32> -> vector<1x128xf32>
    %add3A_1142 = vector.broadcast %add3A_1138 : vector<1x1xf32> to vector<1x128xf32>
    %add3A_1143 = arith.addf %dot_general3A_1141, %add3A_1142 : vector<1x128xf32>
    %reduce_sum3A_1144 = vector.shape_cast %slice3A_1139 : vector<1x128xf32> to vector<1x1x128xf32>
    %reduce_sum3A_1145 = arith.constant dense<0.000000e+00> : vector<1xf32>
    %reduce_sum3A_1146 = vector.multi_reduction <add>, %reduce_sum3A_1144, %reduce_sum3A_1145 [1, 2] : vector<1x1x128xf32> to vector<1xf32>
    %reduce_sum3A_1147 = vector.shape_cast %reduce_sum3A_1146 : vector<1xf32> to vector<1x1x1xf32>
    %reduce_sum3A_1148 = vector.extract %reduce_sum3A_1147[0, 0, 0] : f32 from vector<1x1x1xf32>
    %add3A_1149 = vector.broadcast %reduce_sum3A_1148 : f32 to vector<1x1xf32>
    %add3A_1150 = arith.addf %add3A_1138, %add3A_1149 : vector<1x1xf32>
    %slice3A_1151 = vector.extract_strided_slice %mul3A_633 {offsets = [0, 5504], sizes = [1, 128], strides = [1, 1]} : vector<1x6016xf32> to vector<1x128xf32>
    %dot_general3A_1152 = arith.constant dense<0.000000e+00> : vector<1x128xf32>
    %dot_general3A_1153 = tpu.matmul %slice3A_1151, %convert_element_type3A_636, %dot_general3A_1152 {dimension_numbers = #tpu.dot_dimension_numbers<[1], [0], [0], [1], [0, 0, 1, 1], [], []>, transpose_lhs_hint = false} : vector<1x128xf32>, vector<128x128xf32>, vector<1x128xf32> -> vector<1x128xf32>
    %add3A_1154 = vector.broadcast %add3A_1150 : vector<1x1xf32> to vector<1x128xf32>
    %add3A_1155 = arith.addf %dot_general3A_1153, %add3A_1154 : vector<1x128xf32>
    %reduce_sum3A_1156 = vector.shape_cast %slice3A_1151 : vector<1x128xf32> to vector<1x1x128xf32>
    %reduce_sum3A_1157 = arith.constant dense<0.000000e+00> : vector<1xf32>
    %reduce_sum3A_1158 = vector.multi_reduction <add>, %reduce_sum3A_1156, %reduce_sum3A_1157 [1, 2] : vector<1x1x128xf32> to vector<1xf32>
    %reduce_sum3A_1159 = vector.shape_cast %reduce_sum3A_1158 : vector<1xf32> to vector<1x1x1xf32>
    %reduce_sum3A_1160 = vector.extract %reduce_sum3A_1159[0, 0, 0] : f32 from vector<1x1x1xf32>
    %add3A_1161 = vector.broadcast %reduce_sum3A_1160 : f32 to vector<1x1xf32>
    %add3A_1162 = arith.addf %add3A_1150, %add3A_1161 : vector<1x1xf32>
    %slice3A_1163 = vector.extract_strided_slice %mul3A_633 {offsets = [0, 5632], sizes = [1, 128], strides = [1, 1]} : vector<1x6016xf32> to vector<1x128xf32>
    %dot_general3A_1164 = arith.constant dense<0.000000e+00> : vector<1x128xf32>
    %dot_general3A_1165 = tpu.matmul %slice3A_1163, %convert_element_type3A_636, %dot_general3A_1164 {dimension_numbers = #tpu.dot_dimension_numbers<[1], [0], [0], [1], [0, 0, 1, 1], [], []>, transpose_lhs_hint = false} : vector<1x128xf32>, vector<128x128xf32>, vector<1x128xf32> -> vector<1x128xf32>
    %add3A_1166 = vector.broadcast %add3A_1162 : vector<1x1xf32> to vector<1x128xf32>
    %add3A_1167 = arith.addf %dot_general3A_1165, %add3A_1166 : vector<1x128xf32>
    %reduce_sum3A_1168 = vector.shape_cast %slice3A_1163 : vector<1x128xf32> to vector<1x1x128xf32>
    %reduce_sum3A_1169 = arith.constant dense<0.000000e+00> : vector<1xf32>
    %reduce_sum3A_1170 = vector.multi_reduction <add>, %reduce_sum3A_1168, %reduce_sum3A_1169 [1, 2] : vector<1x1x128xf32> to vector<1xf32>
    %reduce_sum3A_1171 = vector.shape_cast %reduce_sum3A_1170 : vector<1xf32> to vector<1x1x1xf32>
    %reduce_sum3A_1172 = vector.extract %reduce_sum3A_1171[0, 0, 0] : f32 from vector<1x1x1xf32>
    %add3A_1173 = vector.broadcast %reduce_sum3A_1172 : f32 to vector<1x1xf32>
    %add3A_1174 = arith.addf %add3A_1162, %add3A_1173 : vector<1x1xf32>
    %slice3A_1175 = vector.extract_strided_slice %mul3A_633 {offsets = [0, 5760], sizes = [1, 128], strides = [1, 1]} : vector<1x6016xf32> to vector<1x128xf32>
    %dot_general3A_1176 = arith.constant dense<0.000000e+00> : vector<1x128xf32>
    %dot_general3A_1177 = tpu.matmul %slice3A_1175, %convert_element_type3A_636, %dot_general3A_1176 {dimension_numbers = #tpu.dot_dimension_numbers<[1], [0], [0], [1], [0, 0, 1, 1], [], []>, transpose_lhs_hint = false} : vector<1x128xf32>, vector<128x128xf32>, vector<1x128xf32> -> vector<1x128xf32>
    %add3A_1178 = vector.broadcast %add3A_1174 : vector<1x1xf32> to vector<1x128xf32>
    %add3A_1179 = arith.addf %dot_general3A_1177, %add3A_1178 : vector<1x128xf32>
    %reduce_sum3A_1180 = vector.shape_cast %slice3A_1175 : vector<1x128xf32> to vector<1x1x128xf32>
    %reduce_sum3A_1181 = arith.constant dense<0.000000e+00> : vector<1xf32>
    %reduce_sum3A_1182 = vector.multi_reduction <add>, %reduce_sum3A_1180, %reduce_sum3A_1181 [1, 2] : vector<1x1x128xf32> to vector<1xf32>
    %reduce_sum3A_1183 = vector.shape_cast %reduce_sum3A_1182 : vector<1xf32> to vector<1x1x1xf32>
    %reduce_sum3A_1184 = vector.extract %reduce_sum3A_1183[0, 0, 0] : f32 from vector<1x1x1xf32>
    %add3A_1185 = vector.broadcast %reduce_sum3A_1184 : f32 to vector<1x1xf32>
    %add3A_1186 = arith.addf %add3A_1174, %add3A_1185 : vector<1x1xf32>
    %slice3A_1187 = vector.extract_strided_slice %mul3A_633 {offsets = [0, 5888], sizes = [1, 128], strides = [1, 1]} : vector<1x6016xf32> to vector<1x128xf32>
    %dot_general3A_1188 = arith.constant dense<0.000000e+00> : vector<1x128xf32>
    %dot_general3A_1189 = tpu.matmul %slice3A_1187, %convert_element_type3A_636, %dot_general3A_1188 {dimension_numbers = #tpu.dot_dimension_numbers<[1], [0], [0], [1], [0, 0, 1, 1], [], []>, transpose_lhs_hint = false} : vector<1x128xf32>, vector<128x128xf32>, vector<1x128xf32> -> vector<1x128xf32>
    %add3A_1190 = vector.broadcast %add3A_1186 : vector<1x1xf32> to vector<1x128xf32>
    %add3A_1191 = arith.addf %dot_general3A_1189, %add3A_1190 : vector<1x128xf32>
    %concatenate3A_1192 = tpu.concatenate %add3A_640, %add3A_651, %add3A_663, %add3A_675, %add3A_687, %add3A_699, %add3A_711, %add3A_723, %add3A_735, %add3A_747, %add3A_759, %add3A_771, %add3A_783, %add3A_795, %add3A_807, %add3A_819, %add3A_831, %add3A_843, %add3A_855, %add3A_867, %add3A_879, %add3A_891, %add3A_903, %add3A_915, %add3A_927, %add3A_939, %add3A_951, %add3A_963, %add3A_975, %add3A_987, %add3A_999, %add3A_1011, %add3A_1023, %add3A_1035, %add3A_1047, %add3A_1059, %add3A_1071, %add3A_1083, %add3A_1095, %add3A_1107, %add3A_1119, %add3A_1131, %add3A_1143, %add3A_1155, %add3A_1167, %add3A_1179, %add3A_1191 in 1 : vector<1x128xf32>, vector<1x128xf32>, vector<1x128xf32>, vector<1x128xf32>, vector<1x128xf32>, vector<1x128xf32>, vector<1x128xf32>, vector<1x128xf32>, vector<1x128xf32>, vector<1x128xf32>, vector<1x128xf32>, vector<1x128xf32>, vector<1x128xf32>, vector<1x128xf32>, vector<1x128xf32>, vector<1x128xf32>, vector<1x128xf32>, vector<1x128xf32>, vector<1x128xf32>, vector<1x128xf32>, vector<1x128xf32>, vector<1x128xf32>, vector<1x128xf32>, vector<1x128xf32>, vector<1x128xf32>, vector<1x128xf32>, vector<1x128xf32>, vector<1x128xf32>, vector<1x128xf32>, vector<1x128xf32>, vector<1x128xf32>, vector<1x128xf32>, vector<1x128xf32>, vector<1x128xf32>, vector<1x128xf32>, vector<1x128xf32>, vector<1x128xf32>, vector<1x128xf32>, vector<1x128xf32>, vector<1x128xf32>, vector<1x128xf32>, vector<1x128xf32>, vector<1x128xf32>, vector<1x128xf32>, vector<1x128xf32>, vector<1x128xf32>, vector<1x128xf32> -> vector<1x6016xf32>
    %iota3A_1193 = tpu.iota {dimensions = array<i32: 0>} : vector<304x6016xi32>
    %add3A_1194 = arith.constant 1 : i32
    %add3A_1195 = vector.broadcast %add3A_1194 : i32 to vector<304x6016xi32>
    %add3A_1196 = arith.addi %iota3A_1193, %add3A_1195 : vector<304x6016xi32>
    %convert_element_type3A_1197 = arith.sitofp %add3A_1196 : vector<304x6016xi32> to vector<304x6016xf32>
    %eq3A = vector.broadcast %concatenate3A_1192 : vector<1x6016xf32> to vector<304x6016xf32>
    %eq3A_1198 = arith.cmpf oeq, %eq3A, %convert_element_type3A_1197 : vector<304x6016xf32>
    %gt3A = arith.constant 0.000000e+00 : f32
    %gt3A_1199 = vector.broadcast %gt3A : f32 to vector<1x6016xf32>
    %gt3A_1200 = arith.cmpf ogt, %mul3A_633, %gt3A_1199 : vector<1x6016xf32>
    %and3A = vector.broadcast %gt3A_1200 : vector<1x6016xi1> to vector<304x6016xi1>
    %and3A_1201 = arith.andi %eq3A_1198, %and3A : vector<304x6016xi1>
    %convert_element_type3A_1202 = arith.extui %and3A_1201 : vector<304x6016xi1> to vector<304x6016xi32>
    %convert_element_type3A_1203 = arith.sitofp %convert_element_type3A_1202 : vector<304x6016xi32> to vector<304x6016xf32>
    %get3A_1204 = arith.constant 0 : index
    %get3A_1205 = arith.constant 0 : index
    %get3A_1206 = vector.load %arg0[%get3A_1204, %get3A_1205] : memref<6016x4xf32, #tpu.memory_space<vmem>>, vector<6016x4xf32>
    %dot_general3A_1207 = arith.constant dense<0.000000e+00> : vector<304x4xf32>
    %dot_general3A_1208 = tpu.matmul %convert_element_type3A_1203, %get3A_1206, %dot_general3A_1207 {dimension_numbers = #tpu.dot_dimension_numbers<[1], [0], [0], [1], [0, 0, 1, 1], [], []>, transpose_lhs_hint = false} : vector<304x6016xf32>, vector<6016x4xf32>, vector<304x4xf32> -> vector<304x4xf32>
    %swap3A_1209 = arith.constant 0 : index
    %swap3A_1210 = arith.constant 0 : index
    %swap3A_1211 = vector.load %arg5[%swap3A_1209, %swap3A_1210] : memref<304x4xf32, #tpu.memory_space<vmem>>, vector<304x4xf32>
    tpu.vector_store %arg5[%swap3A_1209, %swap3A_1210], %dot_general3A_1208 {strides = array<i32>} : memref<304x4xf32, #tpu.memory_space<vmem>>, vector<304x4xf32>,
    return
  }
}

</mosaic_0001>

<sc_bundles>
// kernel: gather_offload_async_start
scs
__scs_entry_jumppad:
0x0: {  	(pc) =	sbr.rel $0x88, $3  }
0x1: {  	(tag) =	ssettag $0x0;
	lr =	simm.s32 $0x1  }
0x2: {  	[smem:$0x3F9E] =	sst lr;
	_ =	strace $0xD0000000  }
0x3: {  	_ = 	snop  }
0x4: {  	_ = 	snop  }
0x5: {  	_ = 	snop  }
0x6: {  	_ = 	snop  }
0x7: {  	_ = 	snop  }
__scs_overlays_trampoline_lowered:
0x8: {  	[smem:$0x3FAD] =	sst s0  }
0x9: {  	[smem:$0x3FAE] =	sst s1  }
0xa: {  	[smem:$0x3FAF] =	sst s2  }
0xb: {  	[smem:$0x3FB0] =	sst s3  }
0xc: {  	[smem:$0x3FB1] =	sst s4  }
0xd: {  	[smem:$0x3FB2] =	sst s5  }
0xe: {  	[smem:$0x3FB3] =	sst s6  }
0xf: {  	[smem:$0x3FB4] =	sst s7  }
0x10: {  	[smem:$0x3FB5] =	sst s8  }
0x11: {  	[smem:$0x3FB6] =	sst s9;
	s0 =	simm.s32 @!p0 $0x0  }
0x12: {  	s1 =	sld [smem:$0x3F9C];
	s0 =	simm.s32 @p0 $0x1  }
0x13: {  	[smem:$0x3FB7] =	sst s0;
	s0 =	simm.s32 @!p1 $0x0  }
0x14: {  	s2 =	sld [smem:$0x3F9B];
	s0 =	simm.s32 @p1 $0x1  }
0x15: {  	[smem:$0x3FB8] =	sst s0;
	s0 =	simm.s32 @!p2 $0x0  }
0x16: {  	s3 =	sld [smem:$0x3FDB];
	s0 =	simm.s32 @p2 $0x1  }
0x17: {  	s4 =	simm.s32 $0x1BF5;
	[smem:$0x3FBA] =	sst s0  }
0x18: {  	s0 =	sld [smem:$0x3F9D];
	_ =	swait.ge [sflag:s4], $0x0  }
0x19: {  	s7 =	sld [smem:$0x3F9E]  }
0x1a: {  	s8 =	sadd.s32 $0xFFFFE003, lr  }
0x1b: {  	s9 =	sadd.s32 $0xFFFFFEF7, lr;
	s5 =	simm.s32 $0xFFFFFFFF;
	p2 =	slt.u32 s8, $0xFFFFF086  }
0x1c: {  	p1 =	slt.u32 s9, $0xF7A;
	s5 =	simm.s32 @!p2 $0x0  }
0x1d: {  	s5 =	simm.s32 @p1 $0x1;
	p0 =	seq.s32 s7, s2  }
0x1e: {  	s7 =	smul.u32 @!p0 $0xF7A, s2;
	p2 =	seq.s32 @!p0 s5, $0x0  }
0x1f: {  	s9 =	smul.u32 $0xF7A, s1;
	s8 =	simm.s32 @!p0 $0x1BF5;
	p2 =	por !p2, p0  }
0x20: {  	[sflag:s8] =	ssyncset.s32 @!p0 $0xFFFFF086;
	s6 =	sadd.s32 @!p0 s3, s7;
	s7 =	simm.s32 @!p0 $0x108  }
0x21: {  	s3 =	sadd.s32 s3, s9;
	s6 =	sadd.s32 @!p0 $0x88, s6;
	s7 =	simm.s32 @p2 $0x1082  }
0x22: {  	[simem:s7], [sflag:s8] =	dma.local @!p0 [hbm:s6], $0xF7A  }
0x23: {  	s9 =	sor.u32 $0xD0000000, s2;
	s6 =	simm.s32 $0x108;
	_ =	swait.ge @!p0 [sflag:s8], $0x0  }
0x24: {  	s3 =	sadd.s32 $0x88, s3;
	s6 =	simm.s32 @!p1 $0x1082;
	[sflag:s4] =	ssyncset.s32 $0xFFFFF086  }
0x25: {  	[simem:s6], [sflag:s4] =	dma.local [hbm:s3], $0xF7A  }
0x26: {  	[smem:$0x3F9E] =	sst s1;
	(tag) =	ssettag s2;
	_ =	strace s9  }
0x27: {  	s1 =	sld [smem:$0x3FAE]  }
0x28: {  	s2 =	sld [smem:$0x3FAF]  }
0x29: {  	s4 =	sld [smem:$0x3FB1]  }
0x2a: {  	p0 =	seq.s32 s5, $0x0;
	s5 =	sld [smem:$0x3FB2]  }
0x2b: {  	s6 =	sld [smem:$0x3FB3]  }
0x2c: {  	s7 =	sld [smem:$0x3FB4]  }
0x2d: {  	s3 =	simm.s32 $0x108;
	s8 =	sld [smem:$0x3FB5]  }
0x2e: {  	s3 =	simm.s32 @!p0 $0x1082;
	s9 =	sld [smem:$0x3FB6]  }
0x2f: {  	lr =	sadd.s32 s0, s3;
	s0 =	sld [smem:$0x3FAD]  }
0x30: {  	s3 =	sld [smem:$0x3FB0]  }
0x31: {  	[smem:$0x3FB9] =	sst s10  }
0x32: {  	s10 =	sld [smem:$0x3FB7];
	_ =	sdelay $0x3  }
0x33: {  	p0 =	seq.s32 s10, $0x1;
	s10 =	sld [smem:$0x3FB9];
	_ =	sdelay $0x3  }
0x34: {  	[smem:$0x3FB9] =	sst s10  }
0x35: {  	s10 =	sld [smem:$0x3FB8];
	_ =	sdelay $0x3  }
0x36: {  	p1 =	seq.s32 s10, $0x1;
	s10 =	sld [smem:$0x3FB9];
	_ =	sdelay $0x3  }
0x37: {  	[smem:$0x3FB9] =	sst s10  }
0x38: {  	s10 =	sld [smem:$0x3FBA]  }
0x39: {  	_ = 	snop;
	(pc) =	sbr.ind lr, $3  }
0x3a: {  	_ = 	snop  }
0x3b: {  	_ = 	snop  }
0x3c: {  	p2 =	seq.s32 s10, $0x1;
	s10 =	sld [smem:$0x3FB9]  }
0x3d: {  	_ =	shalt  }
0x3e: {  	_ =	shalt  }
0x3f: {  	_ =	shalt  }
0x40: {  	_ =	shalt  }
0x41: {  	_ =	shalt  }
0x42: {  	_ =	shalt  }
0x43: {  	_ =	shalt  }
0x44: {  	_ =	shalt  }
0x45: {  	_ =	shalt  }
0x46: {  	_ =	shalt  }
0x47: {  	_ =	shalt  }
0x48: {  	_ =	shalt  }
0x49: {  	_ =	shalt  }
0x4a: {  	_ =	shalt  }
0x4b: {  	_ =	shalt  }
0x4c: {  	_ =	shalt  }
0x4d: {  	_ =	shalt  }
0x4e: {  	_ =	shalt  }
0x4f: {  	_ =	shalt  }
0x50: {  	_ =	shalt  }
0x51: {  	_ =	shalt  }
0x52: {  	_ =	shalt  }
0x53: {  	_ =	shalt  }
0x54: {  	_ =	shalt  }
0x55: {  	_ =	shalt  }
0x56: {  	_ =	shalt  }
0x57: {  	_ =	shalt  }
0x58: {  	_ =	shalt  }
0x59: {  	_ =	shalt  }
0x5a: {  	_ =	shalt  }
0x5b: {  	_ =	shalt  }
0x5c: {  	_ =	shalt  }
0x5d: {  	_ =	shalt  }
0x5e: {  	_ =	shalt  }
0x5f: {  	_ =	shalt  }
0x60: {  	_ =	shalt  }
0x61: {  	_ =	shalt  }
0x62: {  	_ =	shalt  }
0x63: {  	_ =	shalt  }
0x64: {  	_ =	shalt  }
0x65: {  	_ =	shalt  }
0x66: {  	_ =	shalt  }
0x67: {  	_ =	shalt  }
0x68: {  	_ =	shalt  }
0x69: {  	_ =	shalt  }
0x6a: {  	_ =	shalt  }
0x6b: {  	_ =	shalt  }
0x6c: {  	_ =	shalt  }
0x6d: {  	_ =	shalt  }
0x6e: {  	_ =	shalt  }
0x6f: {  	_ =	shalt  }
0x70: {  	_ =	shalt  }
0x71: {  	_ =	shalt  }
0x72: {  	_ =	shalt  }
0x73: {  	_ =	shalt  }
0x74: {  	_ =	shalt  }
0x75: {  	_ =	shalt  }
0x76: {  	_ =	shalt  }
0x77: {  	_ =	shalt  }
0x78: {  	_ =	shalt  }
0x79: {  	_ =	shalt  }
0x7a: {  	_ =	shalt  }
0x7b: {  	_ =	shalt  }
0x7c: {  	_ =	shalt  }
0x7d: {  	_ =	shalt  }
0x7e: {  	_ =	shalt  }
0x7f: {  	_ =	shalt  }
0x80: {  	_ =	shalt  }
0x81: {  	_ =	shalt  }
0x82: {  	_ =	shalt  }
0x83: {  	_ =	shalt  }
0x84: {  	_ =	shalt  }
0x85: {  	_ =	shalt  }
0x86: {  	_ =	shalt  }
0x87: {  	_ =	shalt  }
.Lfunc_end0:
.L_simem_size_0:
called_computation_lowered:
.L_overlay_start_0:
0x88: {  	s0 =	sld [smem:$0x3FD9]  }
0x89: {  	s1 =	sld [smem:$0x3FFE];
	_ =	sdelay $0x3  }
0x8a: {  	s0 =	sadd.s32 s1, s0  }
0x8b: {  	[smem:$0x3FC5] =	sst s0  }
0x8c: {  	_ = 	snop  }
0x8d: {  	(tm) =	ssettm $0x1  }
0x8e: {  	s15 =	sld [smem:$0x3FFB];
	_ =	sdelay $0x3  }
0x8f: {  	_ =	strace s15  }
0x90: {  	s0 =	sld [smem:$0x3FFC];
	_ =	sdelay $0x3  }
0x91: {  	_ =	strace s0  }
0x92: {  	s0 =	sld [smem:$0x3FFD];
	_ =	sdelay $0x3  }
0x93: {  	_ =	strace s0  }
0x94: {  	_ =	strace $0x8FFFFFFF  }
0x95: {  	s16 =	sld [smem:$0x3FDB];
	_ =	sdelay $0x1  }
0x96: {  	s17 =	simm.s32 $_scs_section_size  }
0x97: {  	s2 =	simm.s32 $_size__tile_overlayer_lowered;
	s3 =	simm.s32 $_tile_overlayer_lowered  }
0x98: {  	s20 =	simm.s32 $0x1BFF;
	s19 =	sshll.u32 s3, $0x1;
	s0 =	sadd.s32 s17, s16  }
0x99: {  	s4 =	simm.s32 $0x0;
	s18 =	sshll.u32 s2, $0x1;
	s2 =	sadd.s32 s19, s0  }
0x9a: {  	[timem:s4], [sflag:s20] =	dma.local [hbm:s2], s18  }
0x9b: {  	_ =	swait.ge [sflag:s20], s18  }
0x9c: {  	s1 =	ssub.s32 $0x0, s18;
	[sflag:s20] =	ssyncset.done $0x0  }
0x9d: {  	[sflag:s20] =	ssyncadd.s32 s1;
	_ =	sdelay $0x1  }
0x9e: {  	s21 =	simm.s32 $0x1B8B  }
0x9f: {  	_ =	swait.ge [sflag:s21], $0x1  }
0xa0: {  	[sflag:s21] =	ssyncset.done $0x0  }
0xa1: {  	s23 =	simm.s32 $0x1B8E;
	s22 =	sld [smem:$0x3FFE];
	[sflag:s21] =	ssyncadd.s32 $0xFFFFFFFF  }
0xa2: {  	s24 =	simm.s32 $execute0_lowered;
	[smem:$0x3FD2] =	sst s23  }
0xa3: {  	s2 =	sshll.u32 s24, $0x1;
	_ =	strace $0x80000046;
	[dreg:$0x1] =	wrdreg $0xFFFFFFFF  }
0xa4: {  	s25 =	simm.s32 $_size_execute0_lowered;
	s0 =	sadd.s32 s0, s2;
	[dreg:$0x0] =	wrdreg $0x0  }
0xa5: {  	s2 =	sshll.u32 s25, $0x1;
	[dreg:$0x2] =	wrdreg s0  }
0xa6: {  	[dreg:$0x3] =	wrdreg s2  }
0xa7: {  	[dreg:$0x4] =	wrdreg $0xC0  }
0xa8: {  	_ =	task [dreg:s4], $0x5FFFF  }
0xa9: {  	[dreg:$0x1] =	wrdreg $0xFFFFFFFF  }
0xaa: {  	[dreg:$0x0] =	wrdreg $0x60  }
0xab: {  	[dreg:$0x2] =	wrdreg s22  }
0xac: {  	[dreg:$0x3] =	wrdreg $0x9  }
0xad: {  	_ =	task.clear_ibuf [dreg:s4], $0x4FFFF;
	_ =	strace $0x90000046  }
0xae: {  	s26 =	simm.s32 $0x9;
	_ =	strace $0x80000048  }
0xaf: {  	_ =	swait.ge [sflag:s26], $0x1  }
0xb0: {  	[sflag:s26] =	ssyncadd.s32 $0xFFFFFFFF  }
0xb1: {  	_ =	strace $0x90000048  }
0xb2: {  	_ =	sfence  }
0xb3: {  	s28 =	sld [smem:$0x0];
	_ =	sdelay $0x1  }
0xb4: {  	s29 =	srdreg.scid  }
0xb5: {  	s30 =	sshll.u32 s29, $0xD;
	s31 =	sshrl.u32 s29, $0x2  }
0xb6: {  	s1 =	sand.u32 $0x1, s29;
	s2 =	sand.u32 $0x4000, s30;
	s0 =	sadd.s32 s31, s28  }
0xb7: {  	s1 =	sor.u32 s2, s1;
	s0 =	sshll.u32 s0, $0x11  }
0xb8: {  	s0 =	sor.u32 s0, s1  }
0xb9: {  	s0 =	sadd.s32 $0x8F2B, s0  }
0xba: {  	[sflag:s0] =	ssyncadd.remote.s32 $0x1  }
0xbb: {  	_ =	sfence.sel $0xFFFF  }
0xbc: {  	[dreg:$0x0] =	wrdreg $0xFFFFFFFF;
	(pc) =	sbr.abs _section_cstart, $3  }
0xbd: {  	[dreg:$0x1] =	wrdreg $0xFFFFFFFF  }
0xbe: {  	_ =	task.clear_ibuf [dreg:s4], $0x2FFFF;
	_ =	strace $0x9FFFFFFF  }
0xbf: {  	(tm) =	ssettm $0x7FFFFFFF  }
tec
execute0_lowered:
.L_overlay_start_1:
0x0: {  	(tag) =	ssettag $0x1  }
0x1: {  	s0 =	stileid.u32  }
0x2: {  	s1 =	smin.u32 s0, $0xE  }
0x3: {  	s1 =	sadd.s32 s0, s1  }
0x4: {  	s2 =	simm.s32 $0x190;
	p0 =	slt.u32 s0, $0xE;
	s1 =	smul.u32 $0xC8, s1  }
0x5: {  	s2 =	simm.s32 @!p0 $0xC8  }
0x6: {  	s2 =	sadd.s32 s2, s1  }
0x7: {  	s3 =	smin.u32 s2, $0x1770  }
0x8: {  	s7 =	ssub.s32 s3, s1  }
0x9: {  	p0 =	sgt.s32 s7, $0x0  }
0xa: {  	s7 =	simm.s32 @!p0 $0x0  }
0xb: {  	s31 =	sand.u32 $0xFFF8, s7  }
0xc: {  	s2 =	sshrl.u32 s31, $0x3  }
0xd: {  	s2 =	smul.u32 $0x147B, s2  }
0xe: {  	s4 =	rddreg [dreg:$0x0];
	s6 =	simm.s32 $0x1  }
0xf: {  	s10 =	simm.s32 $0x3;
	s13 =	simm.s32 $0x0;
	s8 =	sshrl.u32 s2, $0x11  }
0x10: {  	s12 =	simm.s32 $0x0;
	s5 =	sadd.s32 $0x400, s4;
	s9 =	smul.u32 $0xC8, s8  }
.Ltmp0:
0x11: {  	s11 =	smov.u32 s1;
	s2 =	rddreg [dreg:$0x1];
	(pc) =	sbr.rel .LBB2_1-.Ltmp0, $4  }
0x12: {  	_ =	strace $0x80000047;
	p0 =	sne.s32 s7, s9;
	s9 =	simm.s32 $0x1  }
0x13: {  	[sflag:s6] =	ssyncpa.u1 $0x0;
	s7 =	simm.s32 $0x2;
	s9 =	simm.s32 @!p0 $0x0  }
0x14: {  	[sflag:s7] =	ssyncpa.u1 $0x0;
	p0 =	por $0x0, $0x0;
	s8 =	sadd.s32 s8, s9  }
0x15: {  	vm0 =	vmmov $0xff;
	vm1 =	vcmask $0x3F20;
	s9 =	sadd.s32 $0x4E000, s4;
	[sflag:s10] =	ssyncpa.u1 $0x0;
	s10 =	sadd.s32 $0x1, s8  }
.LBB2_6:
0x16: {  	[hbm:s17] =	stream.linear.scatter [tilespmem:s14], [sflag:$0x3], $0x400, $0x38;
	[tilespmem:$0xC990] =	vst v63  }
.LBB2_7:
0x17: {  	s13 =	sadd.s32 $0xC8, s11  }
0x18: {  	s15 =	smov.u32 s1;
	p2 =	slt.s32 s13, s3  }
0x19: {  	s15 =	smov.u32 @p2 s13;
	p2 =	sne.s32 s12, s10  }
.Ltmp1:
0x1a: {  	p1 =	slt.u32 s12, $0x2;
	(pc) =	sbr.rel @!p2 .LBB2_8-.Ltmp1, $4  }
0x1b: {  	s14 =	simm.s32 @!p1 $0x3  }
0x1c: {  	s16 =	sadd.s32 $0x1, s12;
	_ =	swait.ge @!p1 [sflag:s14], $0x6400  }
0x1d: {  	p0 =	por !p0, !p0;
	s13 =	smov.u32 s11;
	[sflag:s14] =	ssyncset.done @!p1 $0x0  }
0x1e: {  	s12 =	smov.u32 s16;
	s11 =	smov.u32 s15;
	[sflag:s14] =	ssyncadd.s32 @!p1 $0xFFFF9C00  }
.LBB2_1:
0x1f: {  	p1 =	sge.u32 s12, s8  }
0x20: {  	s14 =	sxor.u32 @!p1 $0xFFFFFFFF, s12  }
0x21: {  	s14 =	sand.u32 @!p1 $0x1, s14  }
0x22: {  	s14 =	smul.u32 @!p1 $0x320, s14  }
0x23: {  	s31 =	sadd.s32 $0xFFFFFFFF, s12;
	s15 =	sshrl.u32 @!p1 s11, $0x3  }
0x24: {  	s16 =	sand.u32 @!p1 $0x7, s11;
	s15 =	sadd.s32 @!p1 s4, s15;
	s14 =	sshrl.u32 @!p1 s14, $0x2  }
0x25: {  	[tilespmem:s14], [sflag:$0x2] =	stream.linear.gather @!p1 [hbm4b:s15+s16], $0xC8, $0x38;
	[tilespmem:$0xC990] =	vst v63  }
0x26: {  	p1 =	sge.u32 s31, s8  }
.Ltmp2:
0x27: {  	_ = 	snop;
	(pc) =	sbr.rel @p1 .LBB2_7-.Ltmp2, $1  }
0x28: {  	_ =	sdelay $0x3  }
0x29: {  	s14 =	simm.s32 $0x1  }
0x2a: {  	s14 =	simm.s32 @!p0 $0x0  }
0x2b: {  	s15 =	smul.u32 $0x320, s14  }
0x2c: {  	_ =	swait.ge [sflag:s7], $0xC8  }
0x2d: {  	[sflag:s7] =	ssyncset.done $0x0;
	s16 =	sshrl.u32 s15, $0x2  }
0x2e: {  	[sflag:s7] =	ssyncadd.s32 $0xFFFFFF38;
	s15 =	sadd.s32 $0x0, s16  }
0x2f: {  	v0 =	vld.msk [tilespmem:s15+$0x0 ss:$0x1], $0xffff;
	_ =	sdelay $0x4  }
0x30: {  	vm2 =	vgt.s32 v0, $0x0  }
0x31: {  	v0 =	vnsel vm2, $0x0, v0  }
0x32: {  	v0 =	vmin.u32 v0, $0x4DA8  }
0x33: {  	v0 =	vshll.u32 v0, $0x4  }
0x34: {  	s14 =	smul.u32 $0x19000, s14  }
0x35: {  	s31 =	sand.u32 $0x1, s12  }
0x36: {  	s17 =	smul.u32 $0x320, s31;
	s14 =	sshrl.u32 s14, $0x2  }
0x37: {  	s19 =	smul.u32 $0x19000, s31;
	s14 =	sor.u32 $0x190, s14  }
0x38: {  	[tilespmem:s14], [sflag:$0x1] =	stream.indirect_vreg.gather [hbm:s5], $0x80, v0, vm0, $0x38;
	[tilespmem:$0xC990] =	vst v63  }
0x39: {  	s18 =	sshrl.u32 s17, $0x2;
	s20 =	sadd.s32 $0x10, s16;
	s15 =	sadd.s32 $0x400, s14  }
0x3a: {  	[tilespmem:s15], [sflag:$0x1] =	stream.indirect_vreg.gather [hbm:s5], $0x80, v0, vm1, $0x38;
	[tilespmem:$0xC990] =	vst v63  }
0x3b: {  	s17 =	sshrl.u32 s19, $0x2;
	s19 =	smov.u32 s14;
	v0 =	vld.msk [tilespmem:s20+$0x0 ss:$0x1], $0xffff;
	s20 =	simm.s32 $0x80  }
.LBB2_3:
0x3c: {  	p1 =	sne.s32 s20, $0x2C0;
	_ =	sdelay $0x4  }
0x3d: {  	vm2 =	vgt.s32 v0, $0x0  }
0x3e: {  	v0 =	vnsel vm2, $0x0, v0  }
0x3f: {  	v0 =	vmin.u32 v0, $0x4DA8  }
0x40: {  	v0 =	vshll.u32 v0, $0x4;
	_ =	sdelay $0x3  }
.Ltmp3:
0x41: {  	s21 =	sshra.s32 s20, $0x2;
	s19 =	sadd.s32 $0x800, s19;
	(pc) =	sbr.rel @p1 .LBB2_3-.Ltmp3, $4  }
0x42: {  	[tilespmem:s19], [sflag:$0x1] =	stream.indirect_vreg.gather [hbm:s5], $0x80, v0, vm0, $0x38;
	[tilespmem:$0xC990] =	vst v63  }
0x43: {  	s21 =	sadd.s32 s21, s16;
	s22 =	sadd.s32 $0x400, s19  }
0x44: {  	[tilespmem:s22], [sflag:$0x1] =	stream.indirect_vreg.gather [hbm:s5], $0x80, v0, vm1, $0x38;
	[tilespmem:$0xC990] =	vst v63  }
0x45: {  	s20 =	sadd.s32 $0x40, s20;
	v0 =	vld.msk [tilespmem:s21+$0x0 ss:$0x1], $0xffff  }
0x46: {  	_ =	sdelay $0x3  }
0x47: {  	vm2 =	vgt.s32 v0, $0x0  }
0x48: {  	v0 =	vnsel vm2, $0x0, v0  }
0x49: {  	v0 =	vmin.u32 v0, $0x4DA8  }
0x4a: {  	v0 =	vshll.u32 v0, $0x4;
	_ =	sdelay $0x3  }
0x4b: {  	s16 =	sadd.s32 $0x800, s19  }
0x4c: {  	[tilespmem:s16], [sflag:$0x1] =	stream.indirect_vreg.gather [hbm:s5], $0x80, v0, vm0, $0x38;
	[tilespmem:$0xC990] =	vst v63  }
0x4d: {  	s16 =	sadd.s32 $0x400, s16  }
0x4e: {  	[tilespmem:s16], [sflag:$0x1] =	stream.indirect_vreg.gather [hbm:s5], $0x80, v0, vm1, $0x38;
	[tilespmem:$0xC990] =	vst v63  }
0x4f: {  	v0 =	vld.msk [tilespmem:s18+$0xC0 ss:$0x1], $0xff;
	_ =	sdelay $0x4  }
0x50: {  	vm2 =	vgt.s32 v0, $0x0  }
0x51: {  	v0 =	vnsel vm2, $0x0, v0  }
0x52: {  	v0 =	vmin.u32 v0, $0x4DA8  }
0x53: {  	v0 =	vshll.u32 v0, $0x4;
	_ =	sdelay $0x3  }
0x54: {  	s31 =	sadd.s32 $0x6190, s17  }
0x55: {  	[tilespmem:s31], [sflag:$0x1] =	stream.indirect_vreg.gather [hbm:s5], $0x80, v0, vm0, $0x38;
	[tilespmem:$0xC990] =	vst v63  }
0x56: {  	s13 =	sshll.u32 s13, $0x4;
	_ =	swait.ge [sflag:s6], $0x6400  }
0x57: {  	s13 =	sadd.s32 s13, s9;
	[sflag:s6] =	ssyncset.done $0x0  }
0x58: {  	s17 =	sadd.s32 $0x0, s13;
	s16 =	simm.s32 $0x80;
	[sflag:s6] =	ssyncadd.s32 $0xFFFF9C00  }
.LBB2_5:
0x59: {  	[hbm:s17] =	stream.linear.scatter [tilespmem:s14], [sflag:$0x3], $0x400, $0x38;
	[tilespmem:$0xC990] =	vst v63  }
0x5a: {  	s17 =	smov.u32 s16;
	s14 =	smov.u32 s15;
	p1 =	sne.s32 s16, $0xC00  }
.Ltmp4:
0x5b: {  	s16 =	sadd.s32 $0x80, s16;
	(pc) =	sbr.rel @p1 .LBB2_5-.Ltmp4, $2  }
0x5c: {  	_ =	sdelay $0x2  }
0x5d: {  	s15 =	sadd.s32 $0x400, s15;
	s17 =	sadd.s32 s17, s13  }
.Ltmp5:
0x5e: {  	_ = 	snop;
	(pc) =	sbr.rel .LBB2_6-.Ltmp5, $1  }
0x5f: {  	_ =	sdelay $0x3  }
.LBB2_8:
0x60: {  	_ =	sfence.sel $0x180000  }
0x61: {  	s1 =	simm.s32 $0x2;
	[bflag:$0x0] =	sbarrier.arrive $0xFFFF  }
0x62: {  	s30 =	simm.s32 $0x3;
	[sflag:s1] =	ssyncpa.u1 $0x1  }
0x63: {  	s31 =	simm.s32 $0x1;
	[sflag:s30] =	ssyncpa.u1 $0x1  }
0x64: {  	[sflag:s31] =	ssyncpa.u1 $0x1  }
0x65: {  	p0 =	sne.s32 s0, $0x0;
	_ =	strace $0x90000047  }
0x66: {  	s0 =	sadd.s32 @!p0 $0x100000, s2;
	[bflag:$0x2] =	sbarrier.arrive $0xFFFF  }
0x67: {  	[sflag:s0] =	ssyncadd.tile.s32 @!p0 $0x1;
	_ =	shalt  }
.Lfunc_end2:
_tile_overlayer_lowered:
.L_overlay_start_2:
0x68: {  	(tag) =	ssettag $0x2  }
0x69: {  	s0 =	rddreg [dreg:$0x0];
	s2 =	stileid.u32  }
0x6a: {  	s1 =	rddreg [dreg:$0x1];
	p0 =	sne.s32 s2, $0x0  }
0x6b: {  	s3 =	rddreg [dreg:$0x2];
	[bflag:$0x3] =	sbarrier.arrive $0xFFFF;
	s2 =	simm.s32 @!p0 $0x1C01  }
0x6c: {  	[timem:s3], [sflag:s2] =	dma.local @!p0 [hbm:s0], s1  }
0x6d: {  	s0 =	simm.s32 @!p0 $0x1  }
0x6e: {  	_ =	swait.ge @!p0 [sflag:s0], s1  }
0x6f: {  	s1 =	ssub.s32 @!p0 $0x0, s1;
	[sflag:s0] =	ssyncset.done @!p0 $0x0  }
0x70: {  	[sflag:s0] =	ssyncadd.s32 @!p0 s1  }
0x71: {  	[bflag:$0x3] =	sbarrier.arrive $0xFFFF  }
0x72: {  	_ =	shalt  }

</sc_bundles>
